<compile_context>
chip_gen: v7x
topology: tpu7x:2x2x1
jax: 0.10.2.dev20260603
libtpu: 0.0.44.dev20260713+nightly
codegen_flags: <defaults>
</compile_context>

<pallas_src>
import functools

import jax
import jax.numpy as jnp
from jax import lax
from jax.experimental import pallas as pl
from jax.experimental.pallas import tpu as pltpu
from jax.experimental.pallas import tpu_sc as plsc

N = 10000
E = 320000
D = 128
NEXP = 16

NC = 2
NS = 16
NW = NC * NS
EPW = E // NW
EDGE_B = 128
NB_FULL = EPW // EDGE_B
TAIL = EPW - NB_FULL * EDGE_B
ROWS_MAIN = 632
ROWS_LAST = N - ROWS_MAIN * (NS - 1)

RB = 1000


def _gate_and_expert(X, Wg, bg, We, be):
    gate = jnp.dot(X, Wg, preferred_element_type=jnp.float32) + bg
    idx = jnp.argmax(gate, axis=1)[:, None]
    acc = jnp.zeros((RB, D), jnp.float32)
    for e in range(NEXP):
        pe = jnp.dot(X, We[e], preferred_element_type=jnp.float32) + be[e][None, :]
        acc = acc + jnp.where(idx == e, 1.0, 0.0) * pe
    m = jnp.mean(gate, axis=1, keepdims=True)
    d = gate - m
    var = jnp.sum(d * d, axis=1, keepdims=True) / (NEXP - 1)
    ssum = jnp.sum(jnp.sqrt(var))
    return acc, ssum


def _accum_scalar(ssum_ref, val):
    i = pl.program_id(0)
    v = jnp.full((1, 1), val, jnp.float32)

    @pl.when(i == 0)
    def _():
        ssum_ref[...] = v

    @pl.when(i > 0)
    def _():
        ssum_ref[...] = ssum_ref[...] + v


def _moe_first_body(x_ref, wg_ref, bg_ref, we_ref, be_ref, h_ref, ssum_ref):
    h, ssum = _gate_and_expert(x_ref[...], wg_ref[...], bg_ref[...],
                               we_ref, be_ref[...])
    h_ref[...] = h
    _accum_scalar(ssum_ref, ssum)


def _moe_next_body(p0_ref, p1_ref, bprev_ref, wg_ref, bg_ref, we_ref, be_ref,
                   h_ref, ssum_ref):
    X = jax.nn.relu(p0_ref[...] + p1_ref[...] + bprev_ref[...])
    h, ssum = _gate_and_expert(X, wg_ref[...], bg_ref[...], we_ref, be_ref[...])
    h_ref[...] = h
    _accum_scalar(ssum_ref, ssum)


def _final_mm_body(p0_ref, p1_ref, bprev_ref, w3_ref, h_ref):
    X = jax.nn.relu(p0_ref[...] + p1_ref[...] + bprev_ref[...])
    h_ref[...] = jnp.dot(X, w3_ref[...], preferred_element_type=jnp.float32)


def _combine_body(p0_ref, p1_ref, b_ref, out_ref):
    out_ref[...] = p0_ref[...] + p1_ref[...] + b_ref[...]


_row_spec = pl.BlockSpec((RB, D), lambda i: (i, 0))
_full2 = lambda shape: pl.BlockSpec(shape, lambda i: (0,) * len(shape))
_scalar_spec = pl.BlockSpec((1, 1), lambda i: (0, 0))


def _moe_first(x, Wg, bg, We, be):
    return pl.pallas_call(
        _moe_first_body,
        grid=(N // RB,),
        in_specs=[_row_spec, _full2((D, NEXP)), _full2((1, NEXP)),
                  _full2((NEXP, D, D)), _full2((NEXP, D))],
        out_specs=[_row_spec, _scalar_spec],
        out_shape=[jax.ShapeDtypeStruct((N, D), jnp.float32),
                   jax.ShapeDtypeStruct((1, 1), jnp.float32)],
    )(x, Wg, bg.reshape(1, NEXP), We, be)


def _moe_next(p0, p1, bprev, Wg, bg, We, be):
    return pl.pallas_call(
        _moe_next_body,
        grid=(N // RB,),
        in_specs=[_row_spec, _row_spec, _full2((1, D)), _full2((D, NEXP)),
                  _full2((1, NEXP)), _full2((NEXP, D, D)), _full2((NEXP, D))],
        out_specs=[_row_spec, _scalar_spec],
        out_shape=[jax.ShapeDtypeStruct((N, D), jnp.float32),
                   jax.ShapeDtypeStruct((1, 1), jnp.float32)],
    )(p0, p1, bprev.reshape(1, D), Wg, bg.reshape(1, NEXP), We, be)


def _final_mm(p0, p1, bprev, W3):
    return pl.pallas_call(
        _final_mm_body,
        grid=(N // RB,),
        in_specs=[_row_spec, _row_spec, _full2((1, D)), _full2((D, D))],
        out_specs=_row_spec,
        out_shape=jax.ShapeDtypeStruct((N, D), jnp.float32),
    )(p0, p1, bprev.reshape(1, D), W3)


def _combine(p0, p1, b):
    return pl.pallas_call(
        _combine_body,
        grid=(N // RB,),
        in_specs=[_row_spec, _row_spec, _full2((1, D))],
        out_specs=_row_spec,
        out_shape=jax.ShapeDtypeStruct((N, D), jnp.float32),
    )(p0, p1, b.reshape(1, D))


_sc_mesh = plsc.VectorSubcoreMesh(core_axis_name="c", subcore_axis_name="s")


@functools.partial(
    pl.kernel,
    mesh=_sc_mesh,
    out_type=jax.ShapeDtypeStruct((NC * N, D), jnp.float32),
    scratch_types=[
        pltpu.VMEM((EDGE_B,), jnp.int32),
        pltpu.VMEM((EDGE_B,), jnp.int32),
        pltpu.VMEM((EDGE_B, D), jnp.float32),
        pltpu.VMEM((TAIL,), jnp.int32),
        pltpu.VMEM((TAIL,), jnp.int32),
        pltpu.VMEM((TAIL, D), jnp.float32),
        pltpu.VMEM_SHARED((N, D), jnp.float32),
        pltpu.SemaphoreType.DMA,
    ],
)
def _sc_scatter_add(h_hbm, src_hbm, dst_hbm, zero_hbm, out_hbm,
                    srci, dsti, rows, srct, dstt, rowt, accum, sem):
    c = lax.axis_index("c")
    s = lax.axis_index("s")
    base = (c * NS + s) * EPW

    @pl.when(s < NS - 1)
    def _():
        pltpu.sync_copy(zero_hbm.at[pl.ds(s * ROWS_MAIN, ROWS_MAIN)],
                        accum.at[pl.ds(s * ROWS_MAIN, ROWS_MAIN)])

    @pl.when(s == NS - 1)
    def _():
        pltpu.sync_copy(zero_hbm.at[pl.ds((NS - 1) * ROWS_MAIN, ROWS_LAST)],
                        accum.at[pl.ds((NS - 1) * ROWS_MAIN, ROWS_LAST)])

    plsc.subcore_barrier()

    def body(j, carry):
        eb = base + j * EDGE_B
        pltpu.sync_copy(src_hbm.at[pl.ds(eb, EDGE_B)], srci)
        pltpu.sync_copy(dst_hbm.at[pl.ds(eb, EDGE_B)], dsti)
        pltpu.async_copy(h_hbm.at[srci], rows, sem).wait()
        pltpu.sync_copy(rows, accum.at[dsti], add=True)
        return carry

    lax.fori_loop(0, NB_FULL, body, 0)

    et = base + NB_FULL * EDGE_B
    pltpu.sync_copy(src_hbm.at[pl.ds(et, TAIL)], srct)
    pltpu.sync_copy(dst_hbm.at[pl.ds(et, TAIL)], dstt)
    pltpu.async_copy(h_hbm.at[srct], rowt, sem).wait()
    pltpu.sync_copy(rowt, accum.at[dstt], add=True)

    plsc.subcore_barrier()

    @pl.when(s < NS - 1)
    def _():
        pltpu.sync_copy(accum.at[pl.ds(s * ROWS_MAIN, ROWS_MAIN)],
                        out_hbm.at[pl.ds(c * N + s * ROWS_MAIN, ROWS_MAIN)])

    @pl.when(s == NS - 1)
    def _():
        pltpu.sync_copy(
            accum.at[pl.ds((NS - 1) * ROWS_MAIN, ROWS_LAST)],
            out_hbm.at[pl.ds(c * N + (NS - 1) * ROWS_MAIN, ROWS_LAST)])


def kernel(x, edge_index, Wg1, bg1, We1, be1, bias1, Wg2, bg2, We2, be2,
           bias2, W3, bias3):
    src = edge_index[0]
    dst = edge_index[1]
    zeros = jnp.zeros((N, D), jnp.float32)

    h1, s1 = _moe_first(x, Wg1, bg1, We1, be1)
    p = _sc_scatter_add(h1, src, dst, zeros)
    h2, s2 = _moe_next(p[:N], p[N:], bias1, Wg2, bg2, We2, be2)
    p = _sc_scatter_add(h2, src, dst, zeros)
    h3 = _final_mm(p[:N], p[N:], bias2, W3)
    p = _sc_scatter_add(h3, src, dst, zeros)
    out = _combine(p[:N], p[N:], bias3)

    gate_std_means = jnp.stack([s1[0, 0], s2[0, 0]]) / N
    return out, gate_std_means

# --- scband reference (transcript-rebuilt; emitter-appended) ---
"""Pipeline reference for scband-gcn-11871289606692 (READ-ONLY COPY).

The authoritative reference and input builder live on the scoring server;
editing this copy changes nothing except your own understanding.
"""

import jax, jax.numpy as jnp
import numpy as np

N = 10000
E = 320000
D = 128
NEXP = 16


def setup_inputs(seed: int = 0) -> dict:
    key = jax.random.key(seed)
    ks = jax.random.split(key, 10)
    x = jax.random.normal(ks[0], (N, D), dtype=jnp.float32) * 0.1
    edge_index = jax.random.randint(ks[1], (2, E), 0, N, dtype=jnp.int32)
    Wg1 = jax.random.normal(ks[2], (D, NEXP), dtype=jnp.float32) * 0.05
    bg1 = jnp.zeros((NEXP,), dtype=jnp.float32)
    We1 = jax.random.normal(ks[3], (NEXP, D, D), dtype=jnp.float32) * 0.05
    be1 = jnp.zeros((NEXP, D), dtype=jnp.float32)
    bias1 = jnp.zeros((D,), dtype=jnp.float32)
    Wg2 = jax.random.normal(ks[4], (D, NEXP), dtype=jnp.float32) * 0.05
    bg2 = jnp.zeros((NEXP,), dtype=jnp.float32)
    We2 = jax.random.normal(ks[5], (NEXP, D, D), dtype=jnp.float32) * 0.05
    be2 = jnp.zeros((NEXP, D), dtype=jnp.float32)
    bias2 = jnp.zeros((D,), dtype=jnp.float32)
    W3 = jax.random.normal(ks[6], (D, D), dtype=jnp.float32) * 0.05
    bias3 = jnp.zeros((D,), dtype=jnp.float32)
    return {
        'x': x, 'edge_index': edge_index,
        'Wg1': Wg1, 'bg1': bg1, 'We1': We1, 'be1': be1, 'bias1': bias1,
        'Wg2': Wg2, 'bg2': bg2, 'We2': We2, 'be2': be2, 'bias2': bias2,
        'W3': W3, 'bias3': bias3,
    }


def _moe_gcn_layer(x, edge_index, Wg, bg, We, be, bias):
    # NaiveGate: linear gate logits, top-1 routing; softmax over a single
    # selected logit is identically 1.0, so combine weight is 1.
    gate = x @ Wg + bg  # [N, NEXP]
    idx = jnp.argmax(gate, axis=1)  # top_k = 1
    # FMoELinear: per-expert affine; select per-token expert output
    out_all = jnp.einsum('ni,eio->neo', x, We) + be[None, :, :]
    h = jnp.take_along_axis(out_all, idx[:, None, None], axis=1)[:, 0, :]
    # propagate with aggr='add', normalize=False, edge_weight=None -> message is x_j
    src, dst = edge_index[0], edge_index[1]
    agg = jnp.zeros_like(h).at[dst].add(h[src])
    agg = agg + bias
    # gate_std_mean = torch.std(gate, 1).mean()  (Bessel-corrected)
    gstd = jnp.mean(jnp.std(gate, axis=1, ddof=1))
    return agg, gstd


def reference(x, edge_index, Wg1, bg1, We1, be1, bias1, Wg2, bg2, We2, be2, bias2, W3, bias3):
    h, g1 = _moe_gcn_layer(x, edge_index, Wg1, bg1, We1, be1, bias1)
    h = jax.nn.relu(h)  # dropout p=0 in eval -> identity
    h, g2 = _moe_gcn_layer(h, edge_index, Wg2, bg2, We2, be2, bias2)
    h = jax.nn.relu(h)
    # final plain GCNConv (normalize=False): lin then scatter-add then bias
    src, dst = edge_index[0], edge_index[1]
    h3 = h @ W3
    out = jnp.zeros_like(h3).at[dst].add(h3[src]) + bias3
    gate_std_means = jnp.stack([g1, g2])
    return out, gate_std_means

if __name__ == "__main__":
    import jax
    _d = setup_inputs()
    print(jax.jit(kernel)(*tuple(_d.values())))

</pallas_src>

<mosaic_0001>
#map = affine_map<(d0, d1) -> (0, 0)>
#map1 = affine_map<(d0, d1) -> (0)>
module attributes {stable_mosaic.version = 14 : i64} {
  func.func @_sc_scatter_add(%arg0: i32, %arg1: i32, %arg2: memref<10000x128xf32, #tpu.memory_space<hbm>>, %arg3: memref<320000xi32, #tpu.memory_space<hbm>>, %arg4: memref<320000xi32, #tpu.memory_space<hbm>>, %arg5: memref<10000x128xf32, #tpu.memory_space<hbm>>, %arg6: memref<20000x128xf32, #tpu.memory_space<hbm>>, %arg7: memref<128xi32, #tpu.memory_space<vmem>>, %arg8: memref<128xi32, #tpu.memory_space<vmem>>, %arg9: memref<128x128xf32, #tpu.memory_space<vmem>>, %arg10: memref<16xi32, #tpu.memory_space<vmem>>, %arg11: memref<16xi32, #tpu.memory_space<vmem>>, %arg12: memref<16x128xf32, #tpu.memory_space<vmem>>, %arg13: memref<10000x128xf32, #tpu.memory_space<vmem_shared>>, %arg14: memref<!tpu.dma_semaphore, #tpu.memory_space<semaphore_mem>>) attributes {dimension_semantics = [#tpu.dimension_semantics<core_parallel>, #tpu.dimension_semantics<subcore_parallel>], iteration_bounds = array<i64: 2, 16>, scalar_prefetch = 0 : i64, scratch_operands = 8 : i64, tpu.core_type = #tpu.core_type<sc_vector_subcore>, window_params = [{transform_indices = #map}, {transform_indices = #map1}, {transform_indices = #map1}, {transform_indices = #map}, {transform_indices = #map}]} {
    %mul3A = arith.constant 16 : i32
    %mul3A_0 = arith.muli %arg0, %mul3A : i32
    %add3A = arith.addi %mul3A_0, %arg1 : i32
    %mul3A_1 = arith.constant 10000 : i32
    %mul3A_2 = arith.muli %add3A, %mul3A_1 : i32
    %lt3A = arith.constant 15 : i32
    %lt3A_3 = arith.cmpi slt, %arg1, %lt3A : i32
    %convert_element_type3A = arith.extui %lt3A_3 : i1 to i32
    %cond3A = arith.constant 0 : i32
    %cond3A_4 = arith.cmpi ne, %convert_element_type3A, %cond3A : i32
    scf.if %cond3A_4 {
      %mul3A_31 = arith.constant 632 : i32
      %mul3A_32 = arith.muli %arg1, %mul3A_31 : i32
      %mul3A_33 = arith.constant 632 : i32
      %mul3A_34 = arith.muli %arg1, %mul3A_33 : i32
      "tpu.region"() ({
        %run_scoped3A = tpu.sem_alloc : memref<!tpu.dma_semaphore, #tpu.memory_space<semaphore_mem>>
        %dma_start3A_35 = arith.constant 0 : i32
        %dma_start3A_36 = tpu.memref_slice %arg13[%mul3A_34, %dma_start3A_35] : memref<10000x128xf32, #tpu.memory_space<vmem_shared>> -> memref<632x128xf32, #tpu.memory_space<vmem_shared>>
        %dma_start3A_37 = arith.constant 0 : i32
        %dma_start3A_38 = tpu.memref_slice %arg5[%mul3A_32, %dma_start3A_37] : memref<10000x128xf32, #tpu.memory_space<hbm>> -> memref<632x128xf32, #tpu.memory_space<hbm>>
        tpu.enqueue_dma source(%dma_start3A_38 : memref<632x128xf32, #tpu.memory_space<hbm>>) target(%dma_start3A_36 : memref<632x128xf32, #tpu.memory_space<vmem_shared>>) target_semaphore(%run_scoped3A : memref<!tpu.dma_semaphore, #tpu.memory_space<semaphore_mem>>)
        %dma_wait3A_39 = arith.constant 0 : i32
        %dma_wait3A_40 = tpu.memref_slice %arg13[%mul3A_34, %dma_wait3A_39] : memref<10000x128xf32, #tpu.memory_space<vmem_shared>> -> memref<632x128xf32, #tpu.memory_space<vmem_shared>>
        %dma_wait3A_41 = arith.constant 0 : i32
        %dma_wait3A_42 = tpu.memref_slice %arg5[%mul3A_32, %dma_wait3A_41] : memref<10000x128xf32, #tpu.memory_space<hbm>> -> memref<632x128xf32, #tpu.memory_space<hbm>>
        tpu.wait_dma2 semaphore(%run_scoped3A : memref<!tpu.dma_semaphore, #tpu.memory_space<semaphore_mem>>) src(%dma_wait3A_42 : memref<632x128xf32, #tpu.memory_space<hbm>>) dst(%dma_wait3A_40 : memref<632x128xf32, #tpu.memory_space<vmem_shared>>)
        tpu.yield
      }) : () -> ()
    } else {
    }
    %eq3A = arith.constant 15 : i32
    %eq3A_5 = arith.cmpi eq, %arg1, %eq3A : i32
    %convert_element_type3A_6 = arith.extui %eq3A_5 : i1 to i32
    %cond3A_7 = arith.constant 0 : i32
    %cond3A_8 = arith.cmpi ne, %convert_element_type3A_6, %cond3A_7 : i32
    scf.if %cond3A_8 {
      "tpu.region"() ({
        %run_scoped3A = tpu.sem_alloc : memref<!tpu.dma_semaphore, #tpu.memory_space<semaphore_mem>>
        %dma_start3A_31 = arith.constant 9480 : i32
        %dma_start3A_32 = arith.constant 0 : i32
        %dma_start3A_33 = tpu.memref_slice %arg13[%dma_start3A_31, %dma_start3A_32] : memref<10000x128xf32, #tpu.memory_space<vmem_shared>> -> memref<520x128xf32, #tpu.memory_space<vmem_shared>>
        %dma_start3A_34 = arith.constant 9480 : i32
        %dma_start3A_35 = arith.constant 0 : i32
        %dma_start3A_36 = tpu.memref_slice %arg5[%dma_start3A_34, %dma_start3A_35] : memref<10000x128xf32, #tpu.memory_space<hbm>> -> memref<520x128xf32, #tpu.memory_space<hbm>>
        tpu.enqueue_dma source(%dma_start3A_36 : memref<520x128xf32, #tpu.memory_space<hbm>>) target(%dma_start3A_33 : memref<520x128xf32, #tpu.memory_space<vmem_shared>>) target_semaphore(%run_scoped3A : memref<!tpu.dma_semaphore, #tpu.memory_space<semaphore_mem>>)
        %dma_wait3A_37 = arith.constant 9480 : i32
        %dma_wait3A_38 = arith.constant 0 : i32
        %dma_wait3A_39 = tpu.memref_slice %arg13[%dma_wait3A_37, %dma_wait3A_38] : memref<10000x128xf32, #tpu.memory_space<vmem_shared>> -> memref<520x128xf32, #tpu.memory_space<vmem_shared>>
        %dma_wait3A_40 = arith.constant 9480 : i32
        %dma_wait3A_41 = arith.constant 0 : i32
        %dma_wait3A_42 = tpu.memref_slice %arg5[%dma_wait3A_40, %dma_wait3A_41] : memref<10000x128xf32, #tpu.memory_space<hbm>> -> memref<520x128xf32, #tpu.memory_space<hbm>>
        tpu.wait_dma2 semaphore(%run_scoped3A : memref<!tpu.dma_semaphore, #tpu.memory_space<semaphore_mem>>) src(%dma_wait3A_42 : memref<520x128xf32, #tpu.memory_space<hbm>>) dst(%dma_wait3A_39 : memref<520x128xf32, #tpu.memory_space<vmem_shared>>)
        tpu.yield
      }) : () -> ()
    } else {
    }
    %barrier3A = arith.constant 0 : index
    tpu.barrier barrier_id(%barrier3A)
    %scan3A = arith.constant 0 : i32
    %scan3A_9 = arith.constant 0 : i32
    %scan3A_10 = arith.constant 78 : i32
    %scan3A_11 = arith.addi %scan3A_9, %scan3A_10 : i32
    %scan3A_12 = arith.constant 1 : i32
    scf.for %scan3A_31 = %scan3A_9 to %scan3A_11 step %scan3A_12  : i32 {
      %mul3A_32 = arith.constant 128 : i32
      %mul3A_33 = arith.muli %scan3A_31, %mul3A_32 : i32
      %add3A_34 = arith.addi %mul3A_2, %mul3A_33 : i32
      "tpu.region"() ({
        %run_scoped3A = tpu.sem_alloc : memref<!tpu.dma_semaphore, #tpu.memory_space<semaphore_mem>>
        %dma_start3A_41 = tpu.memref_slice %arg3[%add3A_34] : memref<320000xi32, #tpu.memory_space<hbm>> -> memref<128xi32, #tpu.memory_space<hbm>>
        %dma_start3A_42 = tpu.memref_slice %arg3[%add3A_34] : memref<320000xi32, #tpu.memory_space<hbm>> -> memref<128xi32, #tpu.memory_space<hbm>>
        tpu.enqueue_dma source(%dma_start3A_42 : memref<128xi32, #tpu.memory_space<hbm>>) target(%arg7 : memref<128xi32, #tpu.memory_space<vmem>>) target_semaphore(%run_scoped3A : memref<!tpu.dma_semaphore, #tpu.memory_space<semaphore_mem>>)
        %dma_wait3A_43 = tpu.memref_slice %arg3[%add3A_34] : memref<320000xi32, #tpu.memory_space<hbm>> -> memref<128xi32, #tpu.memory_space<hbm>>
        %dma_wait3A_44 = tpu.memref_slice %arg3[%add3A_34] : memref<320000xi32, #tpu.memory_space<hbm>> -> memref<128xi32, #tpu.memory_space<hbm>>
        tpu.wait_dma2 semaphore(%run_scoped3A : memref<!tpu.dma_semaphore, #tpu.memory_space<semaphore_mem>>) src(%dma_wait3A_44 : memref<128xi32, #tpu.memory_space<hbm>>) dst(%arg7 : memref<128xi32, #tpu.memory_space<vmem>>)
        tpu.yield
      }) : () -> ()
      "tpu.region"() ({
        %run_scoped3A = tpu.sem_alloc : memref<!tpu.dma_semaphore, #tpu.memory_space<semaphore_mem>>
        %dma_start3A_41 = tpu.memref_slice %arg4[%add3A_34] : memref<320000xi32, #tpu.memory_space<hbm>> -> memref<128xi32, #tpu.memory_space<hbm>>
        %dma_start3A_42 = tpu.memref_slice %arg4[%add3A_34] : memref<320000xi32, #tpu.memory_space<hbm>> -> memref<128xi32, #tpu.memory_space<hbm>>
        tpu.enqueue_dma source(%dma_start3A_42 : memref<128xi32, #tpu.memory_space<hbm>>) target(%arg8 : memref<128xi32, #tpu.memory_space<vmem>>) target_semaphore(%run_scoped3A : memref<!tpu.dma_semaphore, #tpu.memory_space<semaphore_mem>>)
        %dma_wait3A_43 = tpu.memref_slice %arg4[%add3A_34] : memref<320000xi32, #tpu.memory_space<hbm>> -> memref<128xi32, #tpu.memory_space<hbm>>
        %dma_wait3A_44 = tpu.memref_slice %arg4[%add3A_34] : memref<320000xi32, #tpu.memory_space<hbm>> -> memref<128xi32, #tpu.memory_space<hbm>>
        tpu.wait_dma2 semaphore(%run_scoped3A : memref<!tpu.dma_semaphore, #tpu.memory_space<semaphore_mem>>) src(%dma_wait3A_44 : memref<128xi32, #tpu.memory_space<hbm>>) dst(%arg8 : memref<128xi32, #tpu.memory_space<vmem>>)
        tpu.yield
      }) : () -> ()
      %dma_start3A_35 = arith.constant 0 : i32
      %dma_start3A_36 = arith.constant 0 : i32
      %dma_start3A_37 = tpu.memref_slice %arg2[%dma_start3A_35, %dma_start3A_36] : memref<10000x128xf32, #tpu.memory_space<hbm>> -> memref<10000x128xf32, #tpu.memory_space<hbm>>
      tpu.enqueue_indirect_dma source(%dma_start3A_37 : memref<10000x128xf32, #tpu.memory_space<hbm>>) target(%arg9 : memref<128x128xf32, #tpu.memory_space<vmem>>) offsets(%arg7 : memref<128xi32, #tpu.memory_space<vmem>>) semaphore(%arg14 : memref<!tpu.dma_semaphore, #tpu.memory_space<semaphore_mem>>)
      %dma_wait3A_38 = arith.constant 0 : i32
      %dma_wait3A_39 = arith.constant 0 : i32
      %dma_wait3A_40 = tpu.memref_slice %arg2[%dma_wait3A_38, %dma_wait3A_39] : memref<10000x128xf32, #tpu.memory_space<hbm>> -> memref<10000x128xf32, #tpu.memory_space<hbm>>
      tpu.wait_indirect_dma semaphore(%arg14 : memref<!tpu.dma_semaphore, #tpu.memory_space<semaphore_mem>>) src(%dma_wait3A_40 : memref<10000x128xf32, #tpu.memory_space<hbm>>) dst(%arg9 : memref<128x128xf32, #tpu.memory_space<vmem>>)
      "tpu.region"() ({
        %run_scoped3A = tpu.sem_alloc : memref<!tpu.dma_semaphore, #tpu.memory_space<semaphore_mem>>
        %dma_start3A_41 = arith.constant 0 : i32
        %dma_start3A_42 = arith.constant 0 : i32
        %dma_start3A_43 = tpu.memref_slice %arg13[%dma_start3A_41, %dma_start3A_42] : memref<10000x128xf32, #tpu.memory_space<vmem_shared>> -> memref<10000x128xf32, #tpu.memory_space<vmem_shared>>
        tpu.enqueue_indirect_dma source(%arg9 : memref<128x128xf32, #tpu.memory_space<vmem>>) target(%dma_start3A_43 : memref<10000x128xf32, #tpu.memory_space<vmem_shared>>) offsets(%arg8 : memref<128xi32, #tpu.memory_space<vmem>>) semaphore(%run_scoped3A : memref<!tpu.dma_semaphore, #tpu.memory_space<semaphore_mem>>) {add = true}
        %dma_wait3A_44 = arith.constant 0 : i32
        %dma_wait3A_45 = arith.constant 0 : i32
        %dma_wait3A_46 = tpu.memref_slice %arg13[%dma_wait3A_44, %dma_wait3A_45] : memref<10000x128xf32, #tpu.memory_space<vmem_shared>> -> memref<10000x128xf32, #tpu.memory_space<vmem_shared>>
        tpu.wait_indirect_dma semaphore(%run_scoped3A : memref<!tpu.dma_semaphore, #tpu.memory_space<semaphore_mem>>) src(%arg9 : memref<128x128xf32, #tpu.memory_space<vmem>>) dst(%dma_wait3A_46 : memref<10000x128xf32, #tpu.memory_space<vmem_shared>>)
        tpu.yield
      }) : () -> ()
    }
    %scan3A_13 = arith.constant 78 : i32
    %add3A_14 = arith.constant 9984 : i32
    %add3A_15 = arith.addi %mul3A_2, %add3A_14 : i32
    "tpu.region"() ({
      %run_scoped3A = tpu.sem_alloc : memref<!tpu.dma_semaphore, #tpu.memory_space<semaphore_mem>>
      %dma_start3A_31 = tpu.memref_slice %arg3[%add3A_15] : memref<320000xi32, #tpu.memory_space<hbm>> -> memref<16xi32, #tpu.memory_space<hbm>>
      %dma_start3A_32 = tpu.memref_slice %arg3[%add3A_15] : memref<320000xi32, #tpu.memory_space<hbm>> -> memref<16xi32, #tpu.memory_space<hbm>>
      tpu.enqueue_dma source(%dma_start3A_32 : memref<16xi32, #tpu.memory_space<hbm>>) target(%arg10 : memref<16xi32, #tpu.memory_space<vmem>>) target_semaphore(%run_scoped3A : memref<!tpu.dma_semaphore, #tpu.memory_space<semaphore_mem>>)
      %dma_wait3A_33 = tpu.memref_slice %arg3[%add3A_15] : memref<320000xi32, #tpu.memory_space<hbm>> -> memref<16xi32, #tpu.memory_space<hbm>>
      %dma_wait3A_34 = tpu.memref_slice %arg3[%add3A_15] : memref<320000xi32, #tpu.memory_space<hbm>> -> memref<16xi32, #tpu.memory_space<hbm>>
      tpu.wait_dma2 semaphore(%run_scoped3A : memref<!tpu.dma_semaphore, #tpu.memory_space<semaphore_mem>>) src(%dma_wait3A_34 : memref<16xi32, #tpu.memory_space<hbm>>) dst(%arg10 : memref<16xi32, #tpu.memory_space<vmem>>)
      tpu.yield
    }) : () -> ()
    "tpu.region"() ({
      %run_scoped3A = tpu.sem_alloc : memref<!tpu.dma_semaphore, #tpu.memory_space<semaphore_mem>>
      %dma_start3A_31 = tpu.memref_slice %arg4[%add3A_15] : memref<320000xi32, #tpu.memory_space<hbm>> -> memref<16xi32, #tpu.memory_space<hbm>>
      %dma_start3A_32 = tpu.memref_slice %arg4[%add3A_15] : memref<320000xi32, #tpu.memory_space<hbm>> -> memref<16xi32, #tpu.memory_space<hbm>>
      tpu.enqueue_dma source(%dma_start3A_32 : memref<16xi32, #tpu.memory_space<hbm>>) target(%arg11 : memref<16xi32, #tpu.memory_space<vmem>>) target_semaphore(%run_scoped3A : memref<!tpu.dma_semaphore, #tpu.memory_space<semaphore_mem>>)
      %dma_wait3A_33 = tpu.memref_slice %arg4[%add3A_15] : memref<320000xi32, #tpu.memory_space<hbm>> -> memref<16xi32, #tpu.memory_space<hbm>>
      %dma_wait3A_34 = tpu.memref_slice %arg4[%add3A_15] : memref<320000xi32, #tpu.memory_space<hbm>> -> memref<16xi32, #tpu.memory_space<hbm>>
      tpu.wait_dma2 semaphore(%run_scoped3A : memref<!tpu.dma_semaphore, #tpu.memory_space<semaphore_mem>>) src(%dma_wait3A_34 : memref<16xi32, #tpu.memory_space<hbm>>) dst(%arg11 : memref<16xi32, #tpu.memory_space<vmem>>)
      tpu.yield
    }) : () -> ()
    %dma_start3A = arith.constant 0 : i32
    %dma_start3A_16 = arith.constant 0 : i32
    %dma_start3A_17 = tpu.memref_slice %arg2[%dma_start3A, %dma_start3A_16] : memref<10000x128xf32, #tpu.memory_space<hbm>> -> memref<10000x128xf32, #tpu.memory_space<hbm>>
    tpu.enqueue_indirect_dma source(%dma_start3A_17 : memref<10000x128xf32, #tpu.memory_space<hbm>>) target(%arg12 : memref<16x128xf32, #tpu.memory_space<vmem>>) offsets(%arg10 : memref<16xi32, #tpu.memory_space<vmem>>) semaphore(%arg14 : memref<!tpu.dma_semaphore, #tpu.memory_space<semaphore_mem>>)
    %dma_wait3A = arith.constant 0 : i32
    %dma_wait3A_18 = arith.constant 0 : i32
    %dma_wait3A_19 = tpu.memref_slice %arg2[%dma_wait3A, %dma_wait3A_18] : memref<10000x128xf32, #tpu.memory_space<hbm>> -> memref<10000x128xf32, #tpu.memory_space<hbm>>
    tpu.wait_indirect_dma semaphore(%arg14 : memref<!tpu.dma_semaphore, #tpu.memory_space<semaphore_mem>>) src(%dma_wait3A_19 : memref<10000x128xf32, #tpu.memory_space<hbm>>) dst(%arg12 : memref<16x128xf32, #tpu.memory_space<vmem>>)
    "tpu.region"() ({
      %run_scoped3A = tpu.sem_alloc : memref<!tpu.dma_semaphore, #tpu.memory_space<semaphore_mem>>
      %dma_start3A_31 = arith.constant 0 : i32
      %dma_start3A_32 = arith.constant 0 : i32
      %dma_start3A_33 = tpu.memref_slice %arg13[%dma_start3A_31, %dma_start3A_32] : memref<10000x128xf32, #tpu.memory_space<vmem_shared>> -> memref<10000x128xf32, #tpu.memory_space<vmem_shared>>
      tpu.enqueue_indirect_dma source(%arg12 : memref<16x128xf32, #tpu.memory_space<vmem>>) target(%dma_start3A_33 : memref<10000x128xf32, #tpu.memory_space<vmem_shared>>) offsets(%arg11 : memref<16xi32, #tpu.memory_space<vmem>>) semaphore(%run_scoped3A : memref<!tpu.dma_semaphore, #tpu.memory_space<semaphore_mem>>) {add = true}
      %dma_wait3A_34 = arith.constant 0 : i32
      %dma_wait3A_35 = arith.constant 0 : i32
      %dma_wait3A_36 = tpu.memref_slice %arg13[%dma_wait3A_34, %dma_wait3A_35] : memref<10000x128xf32, #tpu.memory_space<vmem_shared>> -> memref<10000x128xf32, #tpu.memory_space<vmem_shared>>
      tpu.wait_indirect_dma semaphore(%run_scoped3A : memref<!tpu.dma_semaphore, #tpu.memory_space<semaphore_mem>>) src(%arg12 : memref<16x128xf32, #tpu.memory_space<vmem>>) dst(%dma_wait3A_36 : memref<10000x128xf32, #tpu.memory_space<vmem_shared>>)
      tpu.yield
    }) : () -> ()
    %barrier3A_20 = arith.constant 0 : index
    tpu.barrier barrier_id(%barrier3A_20)
    %lt3A_21 = arith.constant 15 : i32
    %lt3A_22 = arith.cmpi slt, %arg1, %lt3A_21 : i32
    %convert_element_type3A_23 = arith.extui %lt3A_22 : i1 to i32
    %cond3A_24 = arith.constant 0 : i32
    %cond3A_25 = arith.cmpi ne, %convert_element_type3A_23, %cond3A_24 : i32
    scf.if %cond3A_25 {
      %mul3A_31 = arith.constant 632 : i32
      %mul3A_32 = arith.muli %arg1, %mul3A_31 : i32
      %mul3A_33 = arith.constant 10000 : i32
      %mul3A_34 = arith.muli %arg0, %mul3A_33 : i32
      %mul3A_35 = arith.constant 632 : i32
      %mul3A_36 = arith.muli %arg1, %mul3A_35 : i32
      %add3A_37 = arith.addi %mul3A_34, %mul3A_36 : i32
      "tpu.region"() ({
        %run_scoped3A = tpu.sem_alloc : memref<!tpu.dma_semaphore, #tpu.memory_space<semaphore_mem>>
        %dma_start3A_38 = arith.constant 0 : i32
        %dma_start3A_39 = tpu.memref_slice %arg6[%add3A_37, %dma_start3A_38] : memref<20000x128xf32, #tpu.memory_space<hbm>> -> memref<632x128xf32, #tpu.memory_space<hbm>>
        %dma_start3A_40 = arith.constant 0 : i32
        %dma_start3A_41 = tpu.memref_slice %arg13[%mul3A_32, %dma_start3A_40] : memref<10000x128xf32, #tpu.memory_space<vmem_shared>> -> memref<632x128xf32, #tpu.memory_space<vmem_shared>>
        tpu.enqueue_dma source(%dma_start3A_41 : memref<632x128xf32, #tpu.memory_space<vmem_shared>>) target(%dma_start3A_39 : memref<632x128xf32, #tpu.memory_space<hbm>>) target_semaphore(%run_scoped3A : memref<!tpu.dma_semaphore, #tpu.memory_space<semaphore_mem>>)
        %dma_wait3A_42 = arith.constant 0 : i32
        %dma_wait3A_43 = tpu.memref_slice %arg6[%add3A_37, %dma_wait3A_42] : memref<20000x128xf32, #tpu.memory_space<hbm>> -> memref<632x128xf32, #tpu.memory_space<hbm>>
        %dma_wait3A_44 = arith.constant 0 : i32
        %dma_wait3A_45 = tpu.memref_slice %arg13[%mul3A_32, %dma_wait3A_44] : memref<10000x128xf32, #tpu.memory_space<vmem_shared>> -> memref<632x128xf32, #tpu.memory_space<vmem_shared>>
        tpu.wait_dma2 semaphore(%run_scoped3A : memref<!tpu.dma_semaphore, #tpu.memory_space<semaphore_mem>>) src(%dma_wait3A_45 : memref<632x128xf32, #tpu.memory_space<vmem_shared>>) dst(%dma_wait3A_43 : memref<632x128xf32, #tpu.memory_space<hbm>>)
        tpu.yield
      }) : () -> ()
    } else {
    }
    %eq3A_26 = arith.constant 15 : i32
    %eq3A_27 = arith.cmpi eq, %arg1, %eq3A_26 : i32
    %convert_element_type3A_28 = arith.extui %eq3A_27 : i1 to i32
    %cond3A_29 = arith.constant 0 : i32
    %cond3A_30 = arith.cmpi ne, %convert_element_type3A_28, %cond3A_29 : i32
    scf.if %cond3A_30 {
      %mul3A_31 = arith.constant 10000 : i32
      %mul3A_32 = arith.muli %arg0, %mul3A_31 : i32
      %add3A_33 = arith.constant 9480 : i32
      %add3A_34 = arith.addi %mul3A_32, %add3A_33 : i32
      "tpu.region"() ({
        %run_scoped3A = tpu.sem_alloc : memref<!tpu.dma_semaphore, #tpu.memory_space<semaphore_mem>>
        %dma_start3A_35 = arith.constant 0 : i32
        %dma_start3A_36 = tpu.memref_slice %arg6[%add3A_34, %dma_start3A_35] : memref<20000x128xf32, #tpu.memory_space<hbm>> -> memref<520x128xf32, #tpu.memory_space<hbm>>
        %dma_start3A_37 = arith.constant 9480 : i32
        %dma_start3A_38 = arith.constant 0 : i32
        %dma_start3A_39 = tpu.memref_slice %arg13[%dma_start3A_37, %dma_start3A_38] : memref<10000x128xf32, #tpu.memory_space<vmem_shared>> -> memref<520x128xf32, #tpu.memory_space<vmem_shared>>
        tpu.enqueue_dma source(%dma_start3A_39 : memref<520x128xf32, #tpu.memory_space<vmem_shared>>) target(%dma_start3A_36 : memref<520x128xf32, #tpu.memory_space<hbm>>) target_semaphore(%run_scoped3A : memref<!tpu.dma_semaphore, #tpu.memory_space<semaphore_mem>>)
        %dma_wait3A_40 = arith.constant 0 : i32
        %dma_wait3A_41 = tpu.memref_slice %arg6[%add3A_34, %dma_wait3A_40] : memref<20000x128xf32, #tpu.memory_space<hbm>> -> memref<520x128xf32, #tpu.memory_space<hbm>>
        %dma_wait3A_42 = arith.constant 9480 : i32
        %dma_wait3A_43 = arith.constant 0 : i32
        %dma_wait3A_44 = tpu.memref_slice %arg13[%dma_wait3A_42, %dma_wait3A_43] : memref<10000x128xf32, #tpu.memory_space<vmem_shared>> -> memref<520x128xf32, #tpu.memory_space<vmem_shared>>
        tpu.wait_dma2 semaphore(%run_scoped3A : memref<!tpu.dma_semaphore, #tpu.memory_space<semaphore_mem>>) src(%dma_wait3A_44 : memref<520x128xf32, #tpu.memory_space<vmem_shared>>) dst(%dma_wait3A_41 : memref<520x128xf32, #tpu.memory_space<hbm>>)
        tpu.yield
      }) : () -> ()
    } else {
    }
    return
  }
}

#map = affine_map<(d0, d1) -> (0, 0)>
#map1 = affine_map<(d0, d1) -> (0)>
module attributes {stable_mosaic.version = 14 : i64} {
  func.func @_sc_scatter_add(%arg0: i32, %arg1: i32, %arg2: memref<10000x128xf32, #tpu.memory_space<hbm>>, %arg3: memref<320000xi32, #tpu.memory_space<hbm>>, %arg4: memref<320000xi32, #tpu.memory_space<hbm>>, %arg5: memref<10000x128xf32, #tpu.memory_space<hbm>>, %arg6: memref<20000x128xf32, #tpu.memory_space<hbm>>, %arg7: memref<128xi32, #tpu.memory_space<vmem>>, %arg8: memref<128xi32, #tpu.memory_space<vmem>>, %arg9: memref<128x128xf32, #tpu.memory_space<vmem>>, %arg10: memref<16xi32, #tpu.memory_space<vmem>>, %arg11: memref<16xi32, #tpu.memory_space<vmem>>, %arg12: memref<16x128xf32, #tpu.memory_space<vmem>>, %arg13: memref<10000x128xf32, #tpu.memory_space<vmem_shared>>, %arg14: memref<!tpu.dma_semaphore, #tpu.memory_space<semaphore_mem>>) attributes {dimension_semantics = [#tpu.dimension_semantics<core_parallel>, #tpu.dimension_semantics<subcore_parallel>], iteration_bounds = array<i64: 2, 16>, scalar_prefetch = 0 : i64, scratch_operands = 8 : i64, tpu.core_type = #tpu.core_type<sc_vector_subcore>, window_params = [{transform_indices = #map}, {transform_indices = #map1}, {transform_indices = #map1}, {transform_indices = #map}, {transform_indices = #map}]} {
    %mul3A = arith.constant 16 : i32
    %mul3A_0 = arith.muli %arg0, %mul3A : i32
    %add3A = arith.addi %mul3A_0, %arg1 : i32
    %mul3A_1 = arith.constant 10000 : i32
    %mul3A_2 = arith.muli %add3A, %mul3A_1 : i32
    %lt3A = arith.constant 15 : i32
    %lt3A_3 = arith.cmpi slt, %arg1, %lt3A : i32
    %convert_element_type3A = arith.extui %lt3A_3 : i1 to i32
    %cond3A = arith.constant 0 : i32
    %cond3A_4 = arith.cmpi ne, %convert_element_type3A, %cond3A : i32
    scf.if %cond3A_4 {
      %mul3A_31 = arith.constant 632 : i32
      %mul3A_32 = arith.muli %arg1, %mul3A_31 : i32
      %mul3A_33 = arith.constant 632 : i32
      %mul3A_34 = arith.muli %arg1, %mul3A_33 : i32
      "tpu.region"() ({
        %run_scoped3A = tpu.sem_alloc : memref<!tpu.dma_semaphore, #tpu.memory_space<semaphore_mem>>
        %dma_start3A_35 = arith.constant 0 : i32
        %dma_start3A_36 = tpu.memref_slice %arg13[%mul3A_34, %dma_start3A_35] : memref<10000x128xf32, #tpu.memory_space<vmem_shared>> -> memref<632x128xf32, #tpu.memory_space<vmem_shared>>
        %dma_start3A_37 = arith.constant 0 : i32
        %dma_start3A_38 = tpu.memref_slice %arg5[%mul3A_32, %dma_start3A_37] : memref<10000x128xf32, #tpu.memory_space<hbm>> -> memref<632x128xf32, #tpu.memory_space<hbm>>
        tpu.enqueue_dma source(%dma_start3A_38 : memref<632x128xf32, #tpu.memory_space<hbm>>) target(%dma_start3A_36 : memref<632x128xf32, #tpu.memory_space<vmem_shared>>) target_semaphore(%run_scoped3A : memref<!tpu.dma_semaphore, #tpu.memory_space<semaphore_mem>>)
        %dma_wait3A_39 = arith.constant 0 : i32
        %dma_wait3A_40 = tpu.memref_slice %arg13[%mul3A_34, %dma_wait3A_39] : memref<10000x128xf32, #tpu.memory_space<vmem_shared>> -> memref<632x128xf32, #tpu.memory_space<vmem_shared>>
        %dma_wait3A_41 = arith.constant 0 : i32
        %dma_wait3A_42 = tpu.memref_slice %arg5[%mul3A_32, %dma_wait3A_41] : memref<10000x128xf32, #tpu.memory_space<hbm>> -> memref<632x128xf32, #tpu.memory_space<hbm>>
        tpu.wait_dma2 semaphore(%run_scoped3A : memref<!tpu.dma_semaphore, #tpu.memory_space<semaphore_mem>>) src(%dma_wait3A_42 : memref<632x128xf32, #tpu.memory_space<hbm>>) dst(%dma_wait3A_40 : memref<632x128xf32, #tpu.memory_space<vmem_shared>>)
        tpu.yield
      }) : () -> ()
    } else {
    }
    %eq3A = arith.constant 15 : i32
    %eq3A_5 = arith.cmpi eq, %arg1, %eq3A : i32
    %convert_element_type3A_6 = arith.extui %eq3A_5 : i1 to i32
    %cond3A_7 = arith.constant 0 : i32
    %cond3A_8 = arith.cmpi ne, %convert_element_type3A_6, %cond3A_7 : i32
    scf.if %cond3A_8 {
      "tpu.region"() ({
        %run_scoped3A = tpu.sem_alloc : memref<!tpu.dma_semaphore, #tpu.memory_space<semaphore_mem>>
        %dma_start3A_31 = arith.constant 9480 : i32
        %dma_start3A_32 = arith.constant 0 : i32
        %dma_start3A_33 = tpu.memref_slice %arg13[%dma_start3A_31, %dma_start3A_32] : memref<10000x128xf32, #tpu.memory_space<vmem_shared>> -> memref<520x128xf32, #tpu.memory_space<vmem_shared>>
        %dma_start3A_34 = arith.constant 9480 : i32
        %dma_start3A_35 = arith.constant 0 : i32
        %dma_start3A_36 = tpu.memref_slice %arg5[%dma_start3A_34, %dma_start3A_35] : memref<10000x128xf32, #tpu.memory_space<hbm>> -> memref<520x128xf32, #tpu.memory_space<hbm>>
        tpu.enqueue_dma source(%dma_start3A_36 : memref<520x128xf32, #tpu.memory_space<hbm>>) target(%dma_start3A_33 : memref<520x128xf32, #tpu.memory_space<vmem_shared>>) target_semaphore(%run_scoped3A : memref<!tpu.dma_semaphore, #tpu.memory_space<semaphore_mem>>)
        %dma_wait3A_37 = arith.constant 9480 : i32
        %dma_wait3A_38 = arith.constant 0 : i32
        %dma_wait3A_39 = tpu.memref_slice %arg13[%dma_wait3A_37, %dma_wait3A_38] : memref<10000x128xf32, #tpu.memory_space<vmem_shared>> -> memref<520x128xf32, #tpu.memory_space<vmem_shared>>
        %dma_wait3A_40 = arith.constant 9480 : i32
        %dma_wait3A_41 = arith.constant 0 : i32
        %dma_wait3A_42 = tpu.memref_slice %arg5[%dma_wait3A_40, %dma_wait3A_41] : memref<10000x128xf32, #tpu.memory_space<hbm>> -> memref<520x128xf32, #tpu.memory_space<hbm>>
        tpu.wait_dma2 semaphore(%run_scoped3A : memref<!tpu.dma_semaphore, #tpu.memory_space<semaphore_mem>>) src(%dma_wait3A_42 : memref<520x128xf32, #tpu.memory_space<hbm>>) dst(%dma_wait3A_39 : memref<520x128xf32, #tpu.memory_space<vmem_shared>>)
        tpu.yield
      }) : () -> ()
    } else {
    }
    %barrier3A = arith.constant 0 : index
    tpu.barrier barrier_id(%barrier3A)
    %scan3A = arith.constant 0 : i32
    %scan3A_9 = arith.constant 0 : i32
    %scan3A_10 = arith.constant 78 : i32
    %scan3A_11 = arith.addi %scan3A_9, %scan3A_10 : i32
    %scan3A_12 = arith.constant 1 : i32
    scf.for %scan3A_31 = %scan3A_9 to %scan3A_11 step %scan3A_12  : i32 {
      %mul3A_32 = arith.constant 128 : i32
      %mul3A_33 = arith.muli %scan3A_31, %mul3A_32 : i32
      %add3A_34 = arith.addi %mul3A_2, %mul3A_33 : i32
      "tpu.region"() ({
        %run_scoped3A = tpu.sem_alloc : memref<!tpu.dma_semaphore, #tpu.memory_space<semaphore_mem>>
        %dma_start3A_41 = tpu.memref_slice %arg3[%add3A_34] : memref<320000xi32, #tpu.memory_space<hbm>> -> memref<128xi32, #tpu.memory_space<hbm>>
        %dma_start3A_42 = tpu.memref_slice %arg3[%add3A_34] : memref<320000xi32, #tpu.memory_space<hbm>> -> memref<128xi32, #tpu.memory_space<hbm>>
        tpu.enqueue_dma source(%dma_start3A_42 : memref<128xi32, #tpu.memory_space<hbm>>) target(%arg7 : memref<128xi32, #tpu.memory_space<vmem>>) target_semaphore(%run_scoped3A : memref<!tpu.dma_semaphore, #tpu.memory_space<semaphore_mem>>)
        %dma_wait3A_43 = tpu.memref_slice %arg3[%add3A_34] : memref<320000xi32, #tpu.memory_space<hbm>> -> memref<128xi32, #tpu.memory_space<hbm>>
        %dma_wait3A_44 = tpu.memref_slice %arg3[%add3A_34] : memref<320000xi32, #tpu.memory_space<hbm>> -> memref<128xi32, #tpu.memory_space<hbm>>
        tpu.wait_dma2 semaphore(%run_scoped3A : memref<!tpu.dma_semaphore, #tpu.memory_space<semaphore_mem>>) src(%dma_wait3A_44 : memref<128xi32, #tpu.memory_space<hbm>>) dst(%arg7 : memref<128xi32, #tpu.memory_space<vmem>>)
        tpu.yield
      }) : () -> ()
      "tpu.region"() ({
        %run_scoped3A = tpu.sem_alloc : memref<!tpu.dma_semaphore, #tpu.memory_space<semaphore_mem>>
        %dma_start3A_41 = tpu.memref_slice %arg4[%add3A_34] : memref<320000xi32, #tpu.memory_space<hbm>> -> memref<128xi32, #tpu.memory_space<hbm>>
        %dma_start3A_42 = tpu.memref_slice %arg4[%add3A_34] : memref<320000xi32, #tpu.memory_space<hbm>> -> memref<128xi32, #tpu.memory_space<hbm>>
        tpu.enqueue_dma source(%dma_start3A_42 : memref<128xi32, #tpu.memory_space<hbm>>) target(%arg8 : memref<128xi32, #tpu.memory_space<vmem>>) target_semaphore(%run_scoped3A : memref<!tpu.dma_semaphore, #tpu.memory_space<semaphore_mem>>)
        %dma_wait3A_43 = tpu.memref_slice %arg4[%add3A_34] : memref<320000xi32, #tpu.memory_space<hbm>> -> memref<128xi32, #tpu.memory_space<hbm>>
        %dma_wait3A_44 = tpu.memref_slice %arg4[%add3A_34] : memref<320000xi32, #tpu.memory_space<hbm>> -> memref<128xi32, #tpu.memory_space<hbm>>
        tpu.wait_dma2 semaphore(%run_scoped3A : memref<!tpu.dma_semaphore, #tpu.memory_space<semaphore_mem>>) src(%dma_wait3A_44 : memref<128xi32, #tpu.memory_space<hbm>>) dst(%arg8 : memref<128xi32, #tpu.memory_space<vmem>>)
        tpu.yield
      }) : () -> ()
      %dma_start3A_35 = arith.constant 0 : i32
      %dma_start3A_36 = arith.constant 0 : i32
      %dma_start3A_37 = tpu.memref_slice %arg2[%dma_start3A_35, %dma_start3A_36] : memref<10000x128xf32, #tpu.memory_space<hbm>> -> memref<10000x128xf32, #tpu.memory_space<hbm>>
      tpu.enqueue_indirect_dma source(%dma_start3A_37 : memref<10000x128xf32, #tpu.memory_space<hbm>>) target(%arg9 : memref<128x128xf32, #tpu.memory_space<vmem>>) offsets(%arg7 : memref<128xi32, #tpu.memory_space<vmem>>) semaphore(%arg14 : memref<!tpu.dma_semaphore, #tpu.memory_space<semaphore_mem>>)
      %dma_wait3A_38 = arith.constant 0 : i32
      %dma_wait3A_39 = arith.constant 0 : i32
      %dma_wait3A_40 = tpu.memref_slice %arg2[%dma_wait3A_38, %dma_wait3A_39] : memref<10000x128xf32, #tpu.memory_space<hbm>> -> memref<10000x128xf32, #tpu.memory_space<hbm>>
      tpu.wait_indirect_dma semaphore(%arg14 : memref<!tpu.dma_semaphore, #tpu.memory_space<semaphore_mem>>) src(%dma_wait3A_40 : memref<10000x128xf32, #tpu.memory_space<hbm>>) dst(%arg9 : memref<128x128xf32, #tpu.memory_space<vmem>>)
      "tpu.region"() ({
        %run_scoped3A = tpu.sem_alloc : memref<!tpu.dma_semaphore, #tpu.memory_space<semaphore_mem>>
        %dma_start3A_41 = arith.constant 0 : i32
        %dma_start3A_42 = arith.constant 0 : i32
        %dma_start3A_43 = tpu.memref_slice %arg13[%dma_start3A_41, %dma_start3A_42] : memref<10000x128xf32, #tpu.memory_space<vmem_shared>> -> memref<10000x128xf32, #tpu.memory_space<vmem_shared>>
        tpu.enqueue_indirect_dma source(%arg9 : memref<128x128xf32, #tpu.memory_space<vmem>>) target(%dma_start3A_43 : memref<10000x128xf32, #tpu.memory_space<vmem_shared>>) offsets(%arg8 : memref<128xi32, #tpu.memory_space<vmem>>) semaphore(%run_scoped3A : memref<!tpu.dma_semaphore, #tpu.memory_space<semaphore_mem>>) {add = true}
        %dma_wait3A_44 = arith.constant 0 : i32
        %dma_wait3A_45 = arith.constant 0 : i32
        %dma_wait3A_46 = tpu.memref_slice %arg13[%dma_wait3A_44, %dma_wait3A_45] : memref<10000x128xf32, #tpu.memory_space<vmem_shared>> -> memref<10000x128xf32, #tpu.memory_space<vmem_shared>>
        tpu.wait_indirect_dma semaphore(%run_scoped3A : memref<!tpu.dma_semaphore, #tpu.memory_space<semaphore_mem>>) src(%arg9 : memref<128x128xf32, #tpu.memory_space<vmem>>) dst(%dma_wait3A_46 : memref<10000x128xf32, #tpu.memory_space<vmem_shared>>)
        tpu.yield
      }) : () -> ()
    }
    %scan3A_13 = arith.constant 78 : i32
    %add3A_14 = arith.constant 9984 : i32
    %add3A_15 = arith.addi %mul3A_2, %add3A_14 : i32
    "tpu.region"() ({
      %run_scoped3A = tpu.sem_alloc : memref<!tpu.dma_semaphore, #tpu.memory_space<semaphore_mem>>
      %dma_start3A_31 = tpu.memref_slice %arg3[%add3A_15] : memref<320000xi32, #tpu.memory_space<hbm>> -> memref<16xi32, #tpu.memory_space<hbm>>
      %dma_start3A_32 = tpu.memref_slice %arg3[%add3A_15] : memref<320000xi32, #tpu.memory_space<hbm>> -> memref<16xi32, #tpu.memory_space<hbm>>
      tpu.enqueue_dma source(%dma_start3A_32 : memref<16xi32, #tpu.memory_space<hbm>>) target(%arg10 : memref<16xi32, #tpu.memory_space<vmem>>) target_semaphore(%run_scoped3A : memref<!tpu.dma_semaphore, #tpu.memory_space<semaphore_mem>>)
      %dma_wait3A_33 = tpu.memref_slice %arg3[%add3A_15] : memref<320000xi32, #tpu.memory_space<hbm>> -> memref<16xi32, #tpu.memory_space<hbm>>
      %dma_wait3A_34 = tpu.memref_slice %arg3[%add3A_15] : memref<320000xi32, #tpu.memory_space<hbm>> -> memref<16xi32, #tpu.memory_space<hbm>>
      tpu.wait_dma2 semaphore(%run_scoped3A : memref<!tpu.dma_semaphore, #tpu.memory_space<semaphore_mem>>) src(%dma_wait3A_34 : memref<16xi32, #tpu.memory_space<hbm>>) dst(%arg10 : memref<16xi32, #tpu.memory_space<vmem>>)
      tpu.yield
    }) : () -> ()
    "tpu.region"() ({
      %run_scoped3A = tpu.sem_alloc : memref<!tpu.dma_semaphore, #tpu.memory_space<semaphore_mem>>
      %dma_start3A_31 = tpu.memref_slice %arg4[%add3A_15] : memref<320000xi32, #tpu.memory_space<hbm>> -> memref<16xi32, #tpu.memory_space<hbm>>
      %dma_start3A_32 = tpu.memref_slice %arg4[%add3A_15] : memref<320000xi32, #tpu.memory_space<hbm>> -> memref<16xi32, #tpu.memory_space<hbm>>
      tpu.enqueue_dma source(%dma_start3A_32 : memref<16xi32, #tpu.memory_space<hbm>>) target(%arg11 : memref<16xi32, #tpu.memory_space<vmem>>) target_semaphore(%run_scoped3A : memref<!tpu.dma_semaphore, #tpu.memory_space<semaphore_mem>>)
      %dma_wait3A_33 = tpu.memref_slice %arg4[%add3A_15] : memref<320000xi32, #tpu.memory_space<hbm>> -> memref<16xi32, #tpu.memory_space<hbm>>
      %dma_wait3A_34 = tpu.memref_slice %arg4[%add3A_15] : memref<320000xi32, #tpu.memory_space<hbm>> -> memref<16xi32, #tpu.memory_space<hbm>>
      tpu.wait_dma2 semaphore(%run_scoped3A : memref<!tpu.dma_semaphore, #tpu.memory_space<semaphore_mem>>) src(%dma_wait3A_34 : memref<16xi32, #tpu.memory_space<hbm>>) dst(%arg11 : memref<16xi32, #tpu.memory_space<vmem>>)
      tpu.yield
    }) : () -> ()
    %dma_start3A = arith.constant 0 : i32
    %dma_start3A_16 = arith.constant 0 : i32
    %dma_start3A_17 = tpu.memref_slice %arg2[%dma_start3A, %dma_start3A_16] : memref<10000x128xf32, #tpu.memory_space<hbm>> -> memref<10000x128xf32, #tpu.memory_space<hbm>>
    tpu.enqueue_indirect_dma source(%dma_start3A_17 : memref<10000x128xf32, #tpu.memory_space<hbm>>) target(%arg12 : memref<16x128xf32, #tpu.memory_space<vmem>>) offsets(%arg10 : memref<16xi32, #tpu.memory_space<vmem>>) semaphore(%arg14 : memref<!tpu.dma_semaphore, #tpu.memory_space<semaphore_mem>>)
    %dma_wait3A = arith.constant 0 : i32
    %dma_wait3A_18 = arith.constant 0 : i32
    %dma_wait3A_19 = tpu.memref_slice %arg2[%dma_wait3A, %dma_wait3A_18] : memref<10000x128xf32, #tpu.memory_space<hbm>> -> memref<10000x128xf32, #tpu.memory_space<hbm>>
    tpu.wait_indirect_dma semaphore(%arg14 : memref<!tpu.dma_semaphore, #tpu.memory_space<semaphore_mem>>) src(%dma_wait3A_19 : memref<10000x128xf32, #tpu.memory_space<hbm>>) dst(%arg12 : memref<16x128xf32, #tpu.memory_space<vmem>>)
    "tpu.region"() ({
      %run_scoped3A = tpu.sem_alloc : memref<!tpu.dma_semaphore, #tpu.memory_space<semaphore_mem>>
      %dma_start3A_31 = arith.constant 0 : i32
      %dma_start3A_32 = arith.constant 0 : i32
      %dma_start3A_33 = tpu.memref_slice %arg13[%dma_start3A_31, %dma_start3A_32] : memref<10000x128xf32, #tpu.memory_space<vmem_shared>> -> memref<10000x128xf32, #tpu.memory_space<vmem_shared>>
      tpu.enqueue_indirect_dma source(%arg12 : memref<16x128xf32, #tpu.memory_space<vmem>>) target(%dma_start3A_33 : memref<10000x128xf32, #tpu.memory_space<vmem_shared>>) offsets(%arg11 : memref<16xi32, #tpu.memory_space<vmem>>) semaphore(%run_scoped3A : memref<!tpu.dma_semaphore, #tpu.memory_space<semaphore_mem>>) {add = true}
      %dma_wait3A_34 = arith.constant 0 : i32
      %dma_wait3A_35 = arith.constant 0 : i32
      %dma_wait3A_36 = tpu.memref_slice %arg13[%dma_wait3A_34, %dma_wait3A_35] : memref<10000x128xf32, #tpu.memory_space<vmem_shared>> -> memref<10000x128xf32, #tpu.memory_space<vmem_shared>>
      tpu.wait_indirect_dma semaphore(%run_scoped3A : memref<!tpu.dma_semaphore, #tpu.memory_space<semaphore_mem>>) src(%arg12 : memref<16x128xf32, #tpu.memory_space<vmem>>) dst(%dma_wait3A_36 : memref<10000x128xf32, #tpu.memory_space<vmem_shared>>)
      tpu.yield
    }) : () -> ()
    %barrier3A_20 = arith.constant 0 : index
    tpu.barrier barrier_id(%barrier3A_20)
    %lt3A_21 = arith.constant 15 : i32
    %lt3A_22 = arith.cmpi slt, %arg1, %lt3A_21 : i32
    %convert_element_type3A_23 = arith.extui %lt3A_22 : i1 to i32
    %cond3A_24 = arith.constant 0 : i32
    %cond3A_25 = arith.cmpi ne, %convert_element_type3A_23, %cond3A_24 : i32
    scf.if %cond3A_25 {
      %mul3A_31 = arith.constant 632 : i32
      %mul3A_32 = arith.muli %arg1, %mul3A_31 : i32
      %mul3A_33 = arith.constant 10000 : i32
      %mul3A_34 = arith.muli %arg0, %mul3A_33 : i32
      %mul3A_35 = arith.constant 632 : i32
      %mul3A_36 = arith.muli %arg1, %mul3A_35 : i32
      %add3A_37 = arith.addi %mul3A_34, %mul3A_36 : i32
      "tpu.region"() ({
        %run_scoped3A = tpu.sem_alloc : memref<!tpu.dma_semaphore, #tpu.memory_space<semaphore_mem>>
        %dma_start3A_38 = arith.constant 0 : i32
        %dma_start3A_39 = tpu.memref_slice %arg6[%add3A_37, %dma_start3A_38] : memref<20000x128xf32, #tpu.memory_space<hbm>> -> memref<632x128xf32, #tpu.memory_space<hbm>>
        %dma_start3A_40 = arith.constant 0 : i32
        %dma_start3A_41 = tpu.memref_slice %arg13[%mul3A_32, %dma_start3A_40] : memref<10000x128xf32, #tpu.memory_space<vmem_shared>> -> memref<632x128xf32, #tpu.memory_space<vmem_shared>>
        tpu.enqueue_dma source(%dma_start3A_41 : memref<632x128xf32, #tpu.memory_space<vmem_shared>>) target(%dma_start3A_39 : memref<632x128xf32, #tpu.memory_space<hbm>>) target_semaphore(%run_scoped3A : memref<!tpu.dma_semaphore, #tpu.memory_space<semaphore_mem>>)
        %dma_wait3A_42 = arith.constant 0 : i32
        %dma_wait3A_43 = tpu.memref_slice %arg6[%add3A_37, %dma_wait3A_42] : memref<20000x128xf32, #tpu.memory_space<hbm>> -> memref<632x128xf32, #tpu.memory_space<hbm>>
        %dma_wait3A_44 = arith.constant 0 : i32
        %dma_wait3A_45 = tpu.memref_slice %arg13[%mul3A_32, %dma_wait3A_44] : memref<10000x128xf32, #tpu.memory_space<vmem_shared>> -> memref<632x128xf32, #tpu.memory_space<vmem_shared>>
        tpu.wait_dma2 semaphore(%run_scoped3A : memref<!tpu.dma_semaphore, #tpu.memory_space<semaphore_mem>>) src(%dma_wait3A_45 : memref<632x128xf32, #tpu.memory_space<vmem_shared>>) dst(%dma_wait3A_43 : memref<632x128xf32, #tpu.memory_space<hbm>>)
        tpu.yield
      }) : () -> ()
    } else {
    }
    %eq3A_26 = arith.constant 15 : i32
    %eq3A_27 = arith.cmpi eq, %arg1, %eq3A_26 : i32
    %convert_element_type3A_28 = arith.extui %eq3A_27 : i1 to i32
    %cond3A_29 = arith.constant 0 : i32
    %cond3A_30 = arith.cmpi ne, %convert_element_type3A_28, %cond3A_29 : i32
    scf.if %cond3A_30 {
      %mul3A_31 = arith.constant 10000 : i32
      %mul3A_32 = arith.muli %arg0, %mul3A_31 : i32
      %add3A_33 = arith.constant 9480 : i32
      %add3A_34 = arith.addi %mul3A_32, %add3A_33 : i32
      "tpu.region"() ({
        %run_scoped3A = tpu.sem_alloc : memref<!tpu.dma_semaphore, #tpu.memory_space<semaphore_mem>>
        %dma_start3A_35 = arith.constant 0 : i32
        %dma_start3A_36 = tpu.memref_slice %arg6[%add3A_34, %dma_start3A_35] : memref<20000x128xf32, #tpu.memory_space<hbm>> -> memref<520x128xf32, #tpu.memory_space<hbm>>
        %dma_start3A_37 = arith.constant 9480 : i32
        %dma_start3A_38 = arith.constant 0 : i32
        %dma_start3A_39 = tpu.memref_slice %arg13[%dma_start3A_37, %dma_start3A_38] : memref<10000x128xf32, #tpu.memory_space<vmem_shared>> -> memref<520x128xf32, #tpu.memory_space<vmem_shared>>
        tpu.enqueue_dma source(%dma_start3A_39 : memref<520x128xf32, #tpu.memory_space<vmem_shared>>) target(%dma_start3A_36 : memref<520x128xf32, #tpu.memory_space<hbm>>) target_semaphore(%run_scoped3A : memref<!tpu.dma_semaphore, #tpu.memory_space<semaphore_mem>>)
        %dma_wait3A_40 = arith.constant 0 : i32
        %dma_wait3A_41 = tpu.memref_slice %arg6[%add3A_34, %dma_wait3A_40] : memref<20000x128xf32, #tpu.memory_space<hbm>> -> memref<520x128xf32, #tpu.memory_space<hbm>>
        %dma_wait3A_42 = arith.constant 9480 : i32
        %dma_wait3A_43 = arith.constant 0 : i32
        %dma_wait3A_44 = tpu.memref_slice %arg13[%dma_wait3A_42, %dma_wait3A_43] : memref<10000x128xf32, #tpu.memory_space<vmem_shared>> -> memref<520x128xf32, #tpu.memory_space<vmem_shared>>
        tpu.wait_dma2 semaphore(%run_scoped3A : memref<!tpu.dma_semaphore, #tpu.memory_space<semaphore_mem>>) src(%dma_wait3A_44 : memref<520x128xf32, #tpu.memory_space<vmem_shared>>) dst(%dma_wait3A_41 : memref<520x128xf32, #tpu.memory_space<hbm>>)
        tpu.yield
      }) : () -> ()
    } else {
    }
    return
  }
}

#map = affine_map<(d0, d1) -> (0, 0)>
#map1 = affine_map<(d0, d1) -> (0)>
module attributes {stable_mosaic.version = 14 : i64} {
  func.func @_sc_scatter_add(%arg0: i32, %arg1: i32, %arg2: memref<10000x128xf32, #tpu.memory_space<hbm>>, %arg3: memref<320000xi32, #tpu.memory_space<hbm>>, %arg4: memref<320000xi32, #tpu.memory_space<hbm>>, %arg5: memref<10000x128xf32, #tpu.memory_space<hbm>>, %arg6: memref<20000x128xf32, #tpu.memory_space<hbm>>, %arg7: memref<128xi32, #tpu.memory_space<vmem>>, %arg8: memref<128xi32, #tpu.memory_space<vmem>>, %arg9: memref<128x128xf32, #tpu.memory_space<vmem>>, %arg10: memref<16xi32, #tpu.memory_space<vmem>>, %arg11: memref<16xi32, #tpu.memory_space<vmem>>, %arg12: memref<16x128xf32, #tpu.memory_space<vmem>>, %arg13: memref<10000x128xf32, #tpu.memory_space<vmem_shared>>, %arg14: memref<!tpu.dma_semaphore, #tpu.memory_space<semaphore_mem>>) attributes {dimension_semantics = [#tpu.dimension_semantics<core_parallel>, #tpu.dimension_semantics<subcore_parallel>], iteration_bounds = array<i64: 2, 16>, scalar_prefetch = 0 : i64, scratch_operands = 8 : i64, tpu.core_type = #tpu.core_type<sc_vector_subcore>, window_params = [{transform_indices = #map}, {transform_indices = #map1}, {transform_indices = #map1}, {transform_indices = #map}, {transform_indices = #map}]} {
    %mul3A = arith.constant 16 : i32
    %mul3A_0 = arith.muli %arg0, %mul3A : i32
    %add3A = arith.addi %mul3A_0, %arg1 : i32
    %mul3A_1 = arith.constant 10000 : i32
    %mul3A_2 = arith.muli %add3A, %mul3A_1 : i32
    %lt3A = arith.constant 15 : i32
    %lt3A_3 = arith.cmpi slt, %arg1, %lt3A : i32
    %convert_element_type3A = arith.extui %lt3A_3 : i1 to i32
    %cond3A = arith.constant 0 : i32
    %cond3A_4 = arith.cmpi ne, %convert_element_type3A, %cond3A : i32
    scf.if %cond3A_4 {
      %mul3A_31 = arith.constant 632 : i32
      %mul3A_32 = arith.muli %arg1, %mul3A_31 : i32
      %mul3A_33 = arith.constant 632 : i32
      %mul3A_34 = arith.muli %arg1, %mul3A_33 : i32
      "tpu.region"() ({
        %run_scoped3A = tpu.sem_alloc : memref<!tpu.dma_semaphore, #tpu.memory_space<semaphore_mem>>
        %dma_start3A_35 = arith.constant 0 : i32
        %dma_start3A_36 = tpu.memref_slice %arg13[%mul3A_34, %dma_start3A_35] : memref<10000x128xf32, #tpu.memory_space<vmem_shared>> -> memref<632x128xf32, #tpu.memory_space<vmem_shared>>
        %dma_start3A_37 = arith.constant 0 : i32
        %dma_start3A_38 = tpu.memref_slice %arg5[%mul3A_32, %dma_start3A_37] : memref<10000x128xf32, #tpu.memory_space<hbm>> -> memref<632x128xf32, #tpu.memory_space<hbm>>
        tpu.enqueue_dma source(%dma_start3A_38 : memref<632x128xf32, #tpu.memory_space<hbm>>) target(%dma_start3A_36 : memref<632x128xf32, #tpu.memory_space<vmem_shared>>) target_semaphore(%run_scoped3A : memref<!tpu.dma_semaphore, #tpu.memory_space<semaphore_mem>>)
        %dma_wait3A_39 = arith.constant 0 : i32
        %dma_wait3A_40 = tpu.memref_slice %arg13[%mul3A_34, %dma_wait3A_39] : memref<10000x128xf32, #tpu.memory_space<vmem_shared>> -> memref<632x128xf32, #tpu.memory_space<vmem_shared>>
        %dma_wait3A_41 = arith.constant 0 : i32
        %dma_wait3A_42 = tpu.memref_slice %arg5[%mul3A_32, %dma_wait3A_41] : memref<10000x128xf32, #tpu.memory_space<hbm>> -> memref<632x128xf32, #tpu.memory_space<hbm>>
        tpu.wait_dma2 semaphore(%run_scoped3A : memref<!tpu.dma_semaphore, #tpu.memory_space<semaphore_mem>>) src(%dma_wait3A_42 : memref<632x128xf32, #tpu.memory_space<hbm>>) dst(%dma_wait3A_40 : memref<632x128xf32, #tpu.memory_space<vmem_shared>>)
        tpu.yield
      }) : () -> ()
    } else {
    }
    %eq3A = arith.constant 15 : i32
    %eq3A_5 = arith.cmpi eq, %arg1, %eq3A : i32
    %convert_element_type3A_6 = arith.extui %eq3A_5 : i1 to i32
    %cond3A_7 = arith.constant 0 : i32
    %cond3A_8 = arith.cmpi ne, %convert_element_type3A_6, %cond3A_7 : i32
    scf.if %cond3A_8 {
      "tpu.region"() ({
        %run_scoped3A = tpu.sem_alloc : memref<!tpu.dma_semaphore, #tpu.memory_space<semaphore_mem>>
        %dma_start3A_31 = arith.constant 9480 : i32
        %dma_start3A_32 = arith.constant 0 : i32
        %dma_start3A_33 = tpu.memref_slice %arg13[%dma_start3A_31, %dma_start3A_32] : memref<10000x128xf32, #tpu.memory_space<vmem_shared>> -> memref<520x128xf32, #tpu.memory_space<vmem_shared>>
        %dma_start3A_34 = arith.constant 9480 : i32
        %dma_start3A_35 = arith.constant 0 : i32
        %dma_start3A_36 = tpu.memref_slice %arg5[%dma_start3A_34, %dma_start3A_35] : memref<10000x128xf32, #tpu.memory_space<hbm>> -> memref<520x128xf32, #tpu.memory_space<hbm>>
        tpu.enqueue_dma source(%dma_start3A_36 : memref<520x128xf32, #tpu.memory_space<hbm>>) target(%dma_start3A_33 : memref<520x128xf32, #tpu.memory_space<vmem_shared>>) target_semaphore(%run_scoped3A : memref<!tpu.dma_semaphore, #tpu.memory_space<semaphore_mem>>)
        %dma_wait3A_37 = arith.constant 9480 : i32
        %dma_wait3A_38 = arith.constant 0 : i32
        %dma_wait3A_39 = tpu.memref_slice %arg13[%dma_wait3A_37, %dma_wait3A_38] : memref<10000x128xf32, #tpu.memory_space<vmem_shared>> -> memref<520x128xf32, #tpu.memory_space<vmem_shared>>
        %dma_wait3A_40 = arith.constant 9480 : i32
        %dma_wait3A_41 = arith.constant 0 : i32
        %dma_wait3A_42 = tpu.memref_slice %arg5[%dma_wait3A_40, %dma_wait3A_41] : memref<10000x128xf32, #tpu.memory_space<hbm>> -> memref<520x128xf32, #tpu.memory_space<hbm>>
        tpu.wait_dma2 semaphore(%run_scoped3A : memref<!tpu.dma_semaphore, #tpu.memory_space<semaphore_mem>>) src(%dma_wait3A_42 : memref<520x128xf32, #tpu.memory_space<hbm>>) dst(%dma_wait3A_39 : memref<520x128xf32, #tpu.memory_space<vmem_shared>>)
        tpu.yield
      }) : () -> ()
    } else {
    }
    %barrier3A = arith.constant 0 : index
    tpu.barrier barrier_id(%barrier3A)
    %scan3A = arith.constant 0 : i32
    %scan3A_9 = arith.constant 0 : i32
    %scan3A_10 = arith.constant 78 : i32
    %scan3A_11 = arith.addi %scan3A_9, %scan3A_10 : i32
    %scan3A_12 = arith.constant 1 : i32
    scf.for %scan3A_31 = %scan3A_9 to %scan3A_11 step %scan3A_12  : i32 {
      %mul3A_32 = arith.constant 128 : i32
      %mul3A_33 = arith.muli %scan3A_31, %mul3A_32 : i32
      %add3A_34 = arith.addi %mul3A_2, %mul3A_33 : i32
      "tpu.region"() ({
        %run_scoped3A = tpu.sem_alloc : memref<!tpu.dma_semaphore, #tpu.memory_space<semaphore_mem>>
        %dma_start3A_41 = tpu.memref_slice %arg3[%add3A_34] : memref<320000xi32, #tpu.memory_space<hbm>> -> memref<128xi32, #tpu.memory_space<hbm>>
        %dma_start3A_42 = tpu.memref_slice %arg3[%add3A_34] : memref<320000xi32, #tpu.memory_space<hbm>> -> memref<128xi32, #tpu.memory_space<hbm>>
        tpu.enqueue_dma source(%dma_start3A_42 : memref<128xi32, #tpu.memory_space<hbm>>) target(%arg7 : memref<128xi32, #tpu.memory_space<vmem>>) target_semaphore(%run_scoped3A : memref<!tpu.dma_semaphore, #tpu.memory_space<semaphore_mem>>)
        %dma_wait3A_43 = tpu.memref_slice %arg3[%add3A_34] : memref<320000xi32, #tpu.memory_space<hbm>> -> memref<128xi32, #tpu.memory_space<hbm>>
        %dma_wait3A_44 = tpu.memref_slice %arg3[%add3A_34] : memref<320000xi32, #tpu.memory_space<hbm>> -> memref<128xi32, #tpu.memory_space<hbm>>
        tpu.wait_dma2 semaphore(%run_scoped3A : memref<!tpu.dma_semaphore, #tpu.memory_space<semaphore_mem>>) src(%dma_wait3A_44 : memref<128xi32, #tpu.memory_space<hbm>>) dst(%arg7 : memref<128xi32, #tpu.memory_space<vmem>>)
        tpu.yield
      }) : () -> ()
      "tpu.region"() ({
        %run_scoped3A = tpu.sem_alloc : memref<!tpu.dma_semaphore, #tpu.memory_space<semaphore_mem>>
        %dma_start3A_41 = tpu.memref_slice %arg4[%add3A_34] : memref<320000xi32, #tpu.memory_space<hbm>> -> memref<128xi32, #tpu.memory_space<hbm>>
        %dma_start3A_42 = tpu.memref_slice %arg4[%add3A_34] : memref<320000xi32, #tpu.memory_space<hbm>> -> memref<128xi32, #tpu.memory_space<hbm>>
        tpu.enqueue_dma source(%dma_start3A_42 : memref<128xi32, #tpu.memory_space<hbm>>) target(%arg8 : memref<128xi32, #tpu.memory_space<vmem>>) target_semaphore(%run_scoped3A : memref<!tpu.dma_semaphore, #tpu.memory_space<semaphore_mem>>)
        %dma_wait3A_43 = tpu.memref_slice %arg4[%add3A_34] : memref<320000xi32, #tpu.memory_space<hbm>> -> memref<128xi32, #tpu.memory_space<hbm>>
        %dma_wait3A_44 = tpu.memref_slice %arg4[%add3A_34] : memref<320000xi32, #tpu.memory_space<hbm>> -> memref<128xi32, #tpu.memory_space<hbm>>
        tpu.wait_dma2 semaphore(%run_scoped3A : memref<!tpu.dma_semaphore, #tpu.memory_space<semaphore_mem>>) src(%dma_wait3A_44 : memref<128xi32, #tpu.memory_space<hbm>>) dst(%arg8 : memref<128xi32, #tpu.memory_space<vmem>>)
        tpu.yield
      }) : () -> ()
      %dma_start3A_35 = arith.constant 0 : i32
      %dma_start3A_36 = arith.constant 0 : i32
      %dma_start3A_37 = tpu.memref_slice %arg2[%dma_start3A_35, %dma_start3A_36] : memref<10000x128xf32, #tpu.memory_space<hbm>> -> memref<10000x128xf32, #tpu.memory_space<hbm>>
      tpu.enqueue_indirect_dma source(%dma_start3A_37 : memref<10000x128xf32, #tpu.memory_space<hbm>>) target(%arg9 : memref<128x128xf32, #tpu.memory_space<vmem>>) offsets(%arg7 : memref<128xi32, #tpu.memory_space<vmem>>) semaphore(%arg14 : memref<!tpu.dma_semaphore, #tpu.memory_space<semaphore_mem>>)
      %dma_wait3A_38 = arith.constant 0 : i32
      %dma_wait3A_39 = arith.constant 0 : i32
      %dma_wait3A_40 = tpu.memref_slice %arg2[%dma_wait3A_38, %dma_wait3A_39] : memref<10000x128xf32, #tpu.memory_space<hbm>> -> memref<10000x128xf32, #tpu.memory_space<hbm>>
      tpu.wait_indirect_dma semaphore(%arg14 : memref<!tpu.dma_semaphore, #tpu.memory_space<semaphore_mem>>) src(%dma_wait3A_40 : memref<10000x128xf32, #tpu.memory_space<hbm>>) dst(%arg9 : memref<128x128xf32, #tpu.memory_space<vmem>>)
      "tpu.region"() ({
        %run_scoped3A = tpu.sem_alloc : memref<!tpu.dma_semaphore, #tpu.memory_space<semaphore_mem>>
        %dma_start3A_41 = arith.constant 0 : i32
        %dma_start3A_42 = arith.constant 0 : i32
        %dma_start3A_43 = tpu.memref_slice %arg13[%dma_start3A_41, %dma_start3A_42] : memref<10000x128xf32, #tpu.memory_space<vmem_shared>> -> memref<10000x128xf32, #tpu.memory_space<vmem_shared>>
        tpu.enqueue_indirect_dma source(%arg9 : memref<128x128xf32, #tpu.memory_space<vmem>>) target(%dma_start3A_43 : memref<10000x128xf32, #tpu.memory_space<vmem_shared>>) offsets(%arg8 : memref<128xi32, #tpu.memory_space<vmem>>) semaphore(%run_scoped3A : memref<!tpu.dma_semaphore, #tpu.memory_space<semaphore_mem>>) {add = true}
        %dma_wait3A_44 = arith.constant 0 : i32
        %dma_wait3A_45 = arith.constant 0 : i32
        %dma_wait3A_46 = tpu.memref_slice %arg13[%dma_wait3A_44, %dma_wait3A_45] : memref<10000x128xf32, #tpu.memory_space<vmem_shared>> -> memref<10000x128xf32, #tpu.memory_space<vmem_shared>>
        tpu.wait_indirect_dma semaphore(%run_scoped3A : memref<!tpu.dma_semaphore, #tpu.memory_space<semaphore_mem>>) src(%arg9 : memref<128x128xf32, #tpu.memory_space<vmem>>) dst(%dma_wait3A_46 : memref<10000x128xf32, #tpu.memory_space<vmem_shared>>)
        tpu.yield
      }) : () -> ()
    }
    %scan3A_13 = arith.constant 78 : i32
    %add3A_14 = arith.constant 9984 : i32
    %add3A_15 = arith.addi %mul3A_2, %add3A_14 : i32
    "tpu.region"() ({
      %run_scoped3A = tpu.sem_alloc : memref<!tpu.dma_semaphore, #tpu.memory_space<semaphore_mem>>
      %dma_start3A_31 = tpu.memref_slice %arg3[%add3A_15] : memref<320000xi32, #tpu.memory_space<hbm>> -> memref<16xi32, #tpu.memory_space<hbm>>
      %dma_start3A_32 = tpu.memref_slice %arg3[%add3A_15] : memref<320000xi32, #tpu.memory_space<hbm>> -> memref<16xi32, #tpu.memory_space<hbm>>
      tpu.enqueue_dma source(%dma_start3A_32 : memref<16xi32, #tpu.memory_space<hbm>>) target(%arg10 : memref<16xi32, #tpu.memory_space<vmem>>) target_semaphore(%run_scoped3A : memref<!tpu.dma_semaphore, #tpu.memory_space<semaphore_mem>>)
      %dma_wait3A_33 = tpu.memref_slice %arg3[%add3A_15] : memref<320000xi32, #tpu.memory_space<hbm>> -> memref<16xi32, #tpu.memory_space<hbm>>
      %dma_wait3A_34 = tpu.memref_slice %arg3[%add3A_15] : memref<320000xi32, #tpu.memory_space<hbm>> -> memref<16xi32, #tpu.memory_space<hbm>>
      tpu.wait_dma2 semaphore(%run_scoped3A : memref<!tpu.dma_semaphore, #tpu.memory_space<semaphore_mem>>) src(%dma_wait3A_34 : memref<16xi32, #tpu.memory_space<hbm>>) dst(%arg10 : memref<16xi32, #tpu.memory_space<vmem>>)
      tpu.yield
    }) : () -> ()
    "tpu.region"() ({
      %run_scoped3A = tpu.sem_alloc : memref<!tpu.dma_semaphore, #tpu.memory_space<semaphore_mem>>
      %dma_start3A_31 = tpu.memref_slice %arg4[%add3A_15] : memref<320000xi32, #tpu.memory_space<hbm>> -> memref<16xi32, #tpu.memory_space<hbm>>
      %dma_start3A_32 = tpu.memref_slice %arg4[%add3A_15] : memref<320000xi32, #tpu.memory_space<hbm>> -> memref<16xi32, #tpu.memory_space<hbm>>
      tpu.enqueue_dma source(%dma_start3A_32 : memref<16xi32, #tpu.memory_space<hbm>>) target(%arg11 : memref<16xi32, #tpu.memory_space<vmem>>) target_semaphore(%run_scoped3A : memref<!tpu.dma_semaphore, #tpu.memory_space<semaphore_mem>>)
      %dma_wait3A_33 = tpu.memref_slice %arg4[%add3A_15] : memref<320000xi32, #tpu.memory_space<hbm>> -> memref<16xi32, #tpu.memory_space<hbm>>
      %dma_wait3A_34 = tpu.memref_slice %arg4[%add3A_15] : memref<320000xi32, #tpu.memory_space<hbm>> -> memref<16xi32, #tpu.memory_space<hbm>>
      tpu.wait_dma2 semaphore(%run_scoped3A : memref<!tpu.dma_semaphore, #tpu.memory_space<semaphore_mem>>) src(%dma_wait3A_34 : memref<16xi32, #tpu.memory_space<hbm>>) dst(%arg11 : memref<16xi32, #tpu.memory_space<vmem>>)
      tpu.yield
    }) : () -> ()
    %dma_start3A = arith.constant 0 : i32
    %dma_start3A_16 = arith.constant 0 : i32
    %dma_start3A_17 = tpu.memref_slice %arg2[%dma_start3A, %dma_start3A_16] : memref<10000x128xf32, #tpu.memory_space<hbm>> -> memref<10000x128xf32, #tpu.memory_space<hbm>>
    tpu.enqueue_indirect_dma source(%dma_start3A_17 : memref<10000x128xf32, #tpu.memory_space<hbm>>) target(%arg12 : memref<16x128xf32, #tpu.memory_space<vmem>>) offsets(%arg10 : memref<16xi32, #tpu.memory_space<vmem>>) semaphore(%arg14 : memref<!tpu.dma_semaphore, #tpu.memory_space<semaphore_mem>>)
    %dma_wait3A = arith.constant 0 : i32
    %dma_wait3A_18 = arith.constant 0 : i32
    %dma_wait3A_19 = tpu.memref_slice %arg2[%dma_wait3A, %dma_wait3A_18] : memref<10000x128xf32, #tpu.memory_space<hbm>> -> memref<10000x128xf32, #tpu.memory_space<hbm>>
    tpu.wait_indirect_dma semaphore(%arg14 : memref<!tpu.dma_semaphore, #tpu.memory_space<semaphore_mem>>) src(%dma_wait3A_19 : memref<10000x128xf32, #tpu.memory_space<hbm>>) dst(%arg12 : memref<16x128xf32, #tpu.memory_space<vmem>>)
    "tpu.region"() ({
      %run_scoped3A = tpu.sem_alloc : memref<!tpu.dma_semaphore, #tpu.memory_space<semaphore_mem>>
      %dma_start3A_31 = arith.constant 0 : i32
      %dma_start3A_32 = arith.constant 0 : i32
      %dma_start3A_33 = tpu.memref_slice %arg13[%dma_start3A_31, %dma_start3A_32] : memref<10000x128xf32, #tpu.memory_space<vmem_shared>> -> memref<10000x128xf32, #tpu.memory_space<vmem_shared>>
      tpu.enqueue_indirect_dma source(%arg12 : memref<16x128xf32, #tpu.memory_space<vmem>>) target(%dma_start3A_33 : memref<10000x128xf32, #tpu.memory_space<vmem_shared>>) offsets(%arg11 : memref<16xi32, #tpu.memory_space<vmem>>) semaphore(%run_scoped3A : memref<!tpu.dma_semaphore, #tpu.memory_space<semaphore_mem>>) {add = true}
      %dma_wait3A_34 = arith.constant 0 : i32
      %dma_wait3A_35 = arith.constant 0 : i32
      %dma_wait3A_36 = tpu.memref_slice %arg13[%dma_wait3A_34, %dma_wait3A_35] : memref<10000x128xf32, #tpu.memory_space<vmem_shared>> -> memref<10000x128xf32, #tpu.memory_space<vmem_shared>>
      tpu.wait_indirect_dma semaphore(%run_scoped3A : memref<!tpu.dma_semaphore, #tpu.memory_space<semaphore_mem>>) src(%arg12 : memref<16x128xf32, #tpu.memory_space<vmem>>) dst(%dma_wait3A_36 : memref<10000x128xf32, #tpu.memory_space<vmem_shared>>)
      tpu.yield
    }) : () -> ()
    %barrier3A_20 = arith.constant 0 : index
    tpu.barrier barrier_id(%barrier3A_20)
    %lt3A_21 = arith.constant 15 : i32
    %lt3A_22 = arith.cmpi slt, %arg1, %lt3A_21 : i32
    %convert_element_type3A_23 = arith.extui %lt3A_22 : i1 to i32
    %cond3A_24 = arith.constant 0 : i32
    %cond3A_25 = arith.cmpi ne, %convert_element_type3A_23, %cond3A_24 : i32
    scf.if %cond3A_25 {
      %mul3A_31 = arith.constant 632 : i32
      %mul3A_32 = arith.muli %arg1, %mul3A_31 : i32
      %mul3A_33 = arith.constant 10000 : i32
      %mul3A_34 = arith.muli %arg0, %mul3A_33 : i32
      %mul3A_35 = arith.constant 632 : i32
      %mul3A_36 = arith.muli %arg1, %mul3A_35 : i32
      %add3A_37 = arith.addi %mul3A_34, %mul3A_36 : i32
      "tpu.region"() ({
        %run_scoped3A = tpu.sem_alloc : memref<!tpu.dma_semaphore, #tpu.memory_space<semaphore_mem>>
        %dma_start3A_38 = arith.constant 0 : i32
        %dma_start3A_39 = tpu.memref_slice %arg6[%add3A_37, %dma_start3A_38] : memref<20000x128xf32, #tpu.memory_space<hbm>> -> memref<632x128xf32, #tpu.memory_space<hbm>>
        %dma_start3A_40 = arith.constant 0 : i32
        %dma_start3A_41 = tpu.memref_slice %arg13[%mul3A_32, %dma_start3A_40] : memref<10000x128xf32, #tpu.memory_space<vmem_shared>> -> memref<632x128xf32, #tpu.memory_space<vmem_shared>>
        tpu.enqueue_dma source(%dma_start3A_41 : memref<632x128xf32, #tpu.memory_space<vmem_shared>>) target(%dma_start3A_39 : memref<632x128xf32, #tpu.memory_space<hbm>>) target_semaphore(%run_scoped3A : memref<!tpu.dma_semaphore, #tpu.memory_space<semaphore_mem>>)
        %dma_wait3A_42 = arith.constant 0 : i32
        %dma_wait3A_43 = tpu.memref_slice %arg6[%add3A_37, %dma_wait3A_42] : memref<20000x128xf32, #tpu.memory_space<hbm>> -> memref<632x128xf32, #tpu.memory_space<hbm>>
        %dma_wait3A_44 = arith.constant 0 : i32
        %dma_wait3A_45 = tpu.memref_slice %arg13[%mul3A_32, %dma_wait3A_44] : memref<10000x128xf32, #tpu.memory_space<vmem_shared>> -> memref<632x128xf32, #tpu.memory_space<vmem_shared>>
        tpu.wait_dma2 semaphore(%run_scoped3A : memref<!tpu.dma_semaphore, #tpu.memory_space<semaphore_mem>>) src(%dma_wait3A_45 : memref<632x128xf32, #tpu.memory_space<vmem_shared>>) dst(%dma_wait3A_43 : memref<632x128xf32, #tpu.memory_space<hbm>>)
        tpu.yield
      }) : () -> ()
    } else {
    }
    %eq3A_26 = arith.constant 15 : i32
    %eq3A_27 = arith.cmpi eq, %arg1, %eq3A_26 : i32
    %convert_element_type3A_28 = arith.extui %eq3A_27 : i1 to i32
    %cond3A_29 = arith.constant 0 : i32
    %cond3A_30 = arith.cmpi ne, %convert_element_type3A_28, %cond3A_29 : i32
    scf.if %cond3A_30 {
      %mul3A_31 = arith.constant 10000 : i32
      %mul3A_32 = arith.muli %arg0, %mul3A_31 : i32
      %add3A_33 = arith.constant 9480 : i32
      %add3A_34 = arith.addi %mul3A_32, %add3A_33 : i32
      "tpu.region"() ({
        %run_scoped3A = tpu.sem_alloc : memref<!tpu.dma_semaphore, #tpu.memory_space<semaphore_mem>>
        %dma_start3A_35 = arith.constant 0 : i32
        %dma_start3A_36 = tpu.memref_slice %arg6[%add3A_34, %dma_start3A_35] : memref<20000x128xf32, #tpu.memory_space<hbm>> -> memref<520x128xf32, #tpu.memory_space<hbm>>
        %dma_start3A_37 = arith.constant 9480 : i32
        %dma_start3A_38 = arith.constant 0 : i32
        %dma_start3A_39 = tpu.memref_slice %arg13[%dma_start3A_37, %dma_start3A_38] : memref<10000x128xf32, #tpu.memory_space<vmem_shared>> -> memref<520x128xf32, #tpu.memory_space<vmem_shared>>
        tpu.enqueue_dma source(%dma_start3A_39 : memref<520x128xf32, #tpu.memory_space<vmem_shared>>) target(%dma_start3A_36 : memref<520x128xf32, #tpu.memory_space<hbm>>) target_semaphore(%run_scoped3A : memref<!tpu.dma_semaphore, #tpu.memory_space<semaphore_mem>>)
        %dma_wait3A_40 = arith.constant 0 : i32
        %dma_wait3A_41 = tpu.memref_slice %arg6[%add3A_34, %dma_wait3A_40] : memref<20000x128xf32, #tpu.memory_space<hbm>> -> memref<520x128xf32, #tpu.memory_space<hbm>>
        %dma_wait3A_42 = arith.constant 9480 : i32
        %dma_wait3A_43 = arith.constant 0 : i32
        %dma_wait3A_44 = tpu.memref_slice %arg13[%dma_wait3A_42, %dma_wait3A_43] : memref<10000x128xf32, #tpu.memory_space<vmem_shared>> -> memref<520x128xf32, #tpu.memory_space<vmem_shared>>
        tpu.wait_dma2 semaphore(%run_scoped3A : memref<!tpu.dma_semaphore, #tpu.memory_space<semaphore_mem>>) src(%dma_wait3A_44 : memref<520x128xf32, #tpu.memory_space<vmem_shared>>) dst(%dma_wait3A_41 : memref<520x128xf32, #tpu.memory_space<hbm>>)
        tpu.yield
      }) : () -> ()
    } else {
    }
    return
  }
}

module attributes {stable_mosaic.version = 14 : i64} {
  func.func @_moe_first_body(%arg0: i32, %arg1: memref<1000x128xf32, #tpu.memory_space<vmem>>, %arg2: memref<128x16xf32, #tpu.memory_space<vmem>>, %arg3: memref<1x16xf32, #tpu.memory_space<vmem>>, %arg4: memref<16x128x128xf32, #tpu.memory_space<vmem>>, %arg5: memref<16x128xf32, #tpu.memory_space<vmem>>, %arg6: memref<1000x128xf32, #tpu.memory_space<vmem>>, %arg7: memref<1x1xf32, #tpu.memory_space<vmem>>) attributes {dimension_semantics = [#tpu.dimension_semantics<arbitrary>], iteration_bounds = array<i64: 10>, scalar_prefetch = 0 : i64, scratch_operands = 0 : i64, tpu.core_type = #tpu.core_type<tc>, window_params = [{transform_indices = @transform_0, window_bounds = array<i64: 1000, 128>}, {pipeline_mode = #tpu.pipeline_mode<synchronous>, transform_indices = @transform_1, window_bounds = array<i64: 128, 16>}, {pipeline_mode = #tpu.pipeline_mode<synchronous>, transform_indices = @transform_2, window_bounds = array<i64: 1, 16>}, {pipeline_mode = #tpu.pipeline_mode<synchronous>, transform_indices = @transform_3, window_bounds = array<i64: 16, 128, 128>}, {pipeline_mode = #tpu.pipeline_mode<synchronous>, transform_indices = @transform_4, window_bounds = array<i64: 16, 128>}, {transform_indices = @transform_5, window_bounds = array<i64: 1000, 128>}, {pipeline_mode = #tpu.pipeline_mode<synchronous>, transform_indices = @transform_6, window_bounds = array<i64: 1, 1>}]} {
    %get3A = arith.constant 0 : index
    %get3A_0 = arith.constant 0 : index
    %get3A_1 = vector.load %arg1[%get3A, %get3A_0] : memref<1000x128xf32, #tpu.memory_space<vmem>>, vector<1000x128xf32>
    %get3A_2 = arith.constant 0 : index
    %get3A_3 = arith.constant 0 : index
    %get3A_4 = vector.load %arg2[%get3A_2, %get3A_3] : memref<128x16xf32, #tpu.memory_space<vmem>>, vector<128x16xf32>
    %get3A_5 = arith.constant 0 : index
    %get3A_6 = arith.constant 0 : index
    %get3A_7 = vector.load %arg3[%get3A_5, %get3A_6] : memref<1x16xf32, #tpu.memory_space<vmem>>, vector<1x16xf32>
    %get3A_8 = arith.constant 0 : index
    %get3A_9 = arith.constant 0 : index
    %get3A_10 = vector.load %arg5[%get3A_8, %get3A_9] : memref<16x128xf32, #tpu.memory_space<vmem>>, vector<16x128xf32>
    %dot_general3A = arith.constant dense<0.000000e+00> : vector<1000x16xf32>
    %dot_general3A_11 = tpu.matmul %get3A_1, %get3A_4, %dot_general3A {dimension_numbers = #tpu.dot_dimension_numbers<[1], [0], [0], [1], [0, 0, 1, 1], [], []>, transpose_lhs_hint = false} : vector<1000x128xf32>, vector<128x16xf32>, vector<1000x16xf32> -> vector<1000x16xf32>
    %add3A = vector.broadcast %get3A_7 : vector<1x16xf32> to vector<1000x16xf32>
    %add3A_12 = arith.addf %dot_general3A_11, %add3A : vector<1000x16xf32>
    %argmax3A = tpu.reduce_index %add3A_12 {axis = 1 : i32, kind = #tpu.reduction_kind<arg_max>} : vector<1000x16xf32> -> vector<1000xi32>
    %broadcast_in_dim3A = vector.shape_cast %argmax3A : vector<1000xi32> to vector<1000x1xi32>
    %broadcast_in_dim3A_13 = arith.constant 0.000000e+00 : f32
    %broadcast_in_dim3A_14 = vector.broadcast %broadcast_in_dim3A_13 : f32 to vector<1000x128xf32>
    %get3A_15 = arith.constant 0 : index
    %get3A_16 = arith.constant 0 : index
    %get3A_17 = arith.constant 0 : index
    %get3A_18 = vector.load %arg4[%get3A_15, %get3A_16, %get3A_17] : memref<16x128x128xf32, #tpu.memory_space<vmem>>, vector<1x128x128xf32>
    %get3A_19 = vector.shape_cast %get3A_18 : vector<1x128x128xf32> to vector<128x128xf32>
    %dot_general3A_20 = arith.constant dense<0.000000e+00> : vector<1000x128xf32>
    %dot_general3A_21 = tpu.matmul %get3A_1, %get3A_19, %dot_general3A_20 {dimension_numbers = #tpu.dot_dimension_numbers<[1], [0], [0], [1], [0, 0, 1, 1], [], []>, transpose_lhs_hint = false} : vector<1000x128xf32>, vector<128x128xf32>, vector<1000x128xf32> -> vector<1000x128xf32>
    %slice3A = vector.extract_strided_slice %get3A_10 {offsets = [0, 0], sizes = [1, 128], strides = [1, 1]} : vector<16x128xf32> to vector<1x128xf32>
    %squeeze3A = vector.shape_cast %slice3A : vector<1x128xf32> to vector<128xf32>
    %broadcast_in_dim3A_22 = vector.shape_cast %squeeze3A : vector<128xf32> to vector<1x128xf32>
    %add3A_23 = vector.broadcast %broadcast_in_dim3A_22 : vector<1x128xf32> to vector<1000x128xf32>
    %add3A_24 = arith.addf %dot_general3A_21, %add3A_23 : vector<1000x128xf32>
    %eq3A = arith.constant 0 : i32
    %eq3A_25 = vector.broadcast %eq3A : i32 to vector<1000x1xi32>
    %eq3A_26 = arith.cmpi eq, %broadcast_in_dim3A, %eq3A_25 : vector<1000x1xi32>
    %jit3A = arith.constant 1.000000e+00 : f32
    %jit3A_27 = arith.constant 0.000000e+00 : f32
    %broadcast_in_dim3A_28 = vector.broadcast %jit3A : f32 to vector<1000x1xf32>
    %broadcast_in_dim3A_29 = vector.broadcast %jit3A_27 : f32 to vector<1000x1xf32>
    %select_n3A = arith.select %eq3A_26, %broadcast_in_dim3A_28, %broadcast_in_dim3A_29 : vector<1000x1xi1>, vector<1000x1xf32>
    %mul3A = vector.broadcast %select_n3A : vector<1000x1xf32> to vector<1000x128xf32>
    %mul3A_30 = arith.mulf %mul3A, %add3A_24 : vector<1000x128xf32>
    %add3A_31 = arith.addf %broadcast_in_dim3A_14, %mul3A_30 : vector<1000x128xf32>
    %get3A_32 = arith.constant 1 : index
    %get3A_33 = arith.constant 0 : index
    %get3A_34 = arith.constant 0 : index
    %get3A_35 = vector.load %arg4[%get3A_32, %get3A_33, %get3A_34] : memref<16x128x128xf32, #tpu.memory_space<vmem>>, vector<1x128x128xf32>
    %get3A_36 = vector.shape_cast %get3A_35 : vector<1x128x128xf32> to vector<128x128xf32>
    %dot_general3A_37 = arith.constant dense<0.000000e+00> : vector<1000x128xf32>
    %dot_general3A_38 = tpu.matmul %get3A_1, %get3A_36, %dot_general3A_37 {dimension_numbers = #tpu.dot_dimension_numbers<[1], [0], [0], [1], [0, 0, 1, 1], [], []>, transpose_lhs_hint = false} : vector<1000x128xf32>, vector<128x128xf32>, vector<1000x128xf32> -> vector<1000x128xf32>
    %slice3A_39 = vector.extract_strided_slice %get3A_10 {offsets = [1, 0], sizes = [1, 128], strides = [1, 1]} : vector<16x128xf32> to vector<1x128xf32>
    %squeeze3A_40 = vector.shape_cast %slice3A_39 : vector<1x128xf32> to vector<128xf32>
    %broadcast_in_dim3A_41 = vector.shape_cast %squeeze3A_40 : vector<128xf32> to vector<1x128xf32>
    %add3A_42 = vector.broadcast %broadcast_in_dim3A_41 : vector<1x128xf32> to vector<1000x128xf32>
    %add3A_43 = arith.addf %dot_general3A_38, %add3A_42 : vector<1000x128xf32>
    %eq3A_44 = arith.constant 1 : i32
    %eq3A_45 = vector.broadcast %eq3A_44 : i32 to vector<1000x1xi32>
    %eq3A_46 = arith.cmpi eq, %broadcast_in_dim3A, %eq3A_45 : vector<1000x1xi32>
    %jit3A_47 = arith.constant 1.000000e+00 : f32
    %jit3A_48 = arith.constant 0.000000e+00 : f32
    %broadcast_in_dim3A_49 = vector.broadcast %jit3A_47 : f32 to vector<1000x1xf32>
    %broadcast_in_dim3A_50 = vector.broadcast %jit3A_48 : f32 to vector<1000x1xf32>
    %select_n3A_51 = arith.select %eq3A_46, %broadcast_in_dim3A_49, %broadcast_in_dim3A_50 : vector<1000x1xi1>, vector<1000x1xf32>
    %mul3A_52 = vector.broadcast %select_n3A_51 : vector<1000x1xf32> to vector<1000x128xf32>
    %mul3A_53 = arith.mulf %mul3A_52, %add3A_43 : vector<1000x128xf32>
    %add3A_54 = arith.addf %add3A_31, %mul3A_53 : vector<1000x128xf32>
    %get3A_55 = arith.constant 2 : index
    %get3A_56 = arith.constant 0 : index
    %get3A_57 = arith.constant 0 : index
    %get3A_58 = vector.load %arg4[%get3A_55, %get3A_56, %get3A_57] : memref<16x128x128xf32, #tpu.memory_space<vmem>>, vector<1x128x128xf32>
    %get3A_59 = vector.shape_cast %get3A_58 : vector<1x128x128xf32> to vector<128x128xf32>
    %dot_general3A_60 = arith.constant dense<0.000000e+00> : vector<1000x128xf32>
    %dot_general3A_61 = tpu.matmul %get3A_1, %get3A_59, %dot_general3A_60 {dimension_numbers = #tpu.dot_dimension_numbers<[1], [0], [0], [1], [0, 0, 1, 1], [], []>, transpose_lhs_hint = false} : vector<1000x128xf32>, vector<128x128xf32>, vector<1000x128xf32> -> vector<1000x128xf32>
    %slice3A_62 = vector.extract_strided_slice %get3A_10 {offsets = [2, 0], sizes = [1, 128], strides = [1, 1]} : vector<16x128xf32> to vector<1x128xf32>
    %squeeze3A_63 = vector.shape_cast %slice3A_62 : vector<1x128xf32> to vector<128xf32>
    %broadcast_in_dim3A_64 = vector.shape_cast %squeeze3A_63 : vector<128xf32> to vector<1x128xf32>
    %add3A_65 = vector.broadcast %broadcast_in_dim3A_64 : vector<1x128xf32> to vector<1000x128xf32>
    %add3A_66 = arith.addf %dot_general3A_61, %add3A_65 : vector<1000x128xf32>
    %eq3A_67 = arith.constant 2 : i32
    %eq3A_68 = vector.broadcast %eq3A_67 : i32 to vector<1000x1xi32>
    %eq3A_69 = arith.cmpi eq, %broadcast_in_dim3A, %eq3A_68 : vector<1000x1xi32>
    %jit3A_70 = arith.constant 1.000000e+00 : f32
    %jit3A_71 = arith.constant 0.000000e+00 : f32
    %broadcast_in_dim3A_72 = vector.broadcast %jit3A_70 : f32 to vector<1000x1xf32>
    %broadcast_in_dim3A_73 = vector.broadcast %jit3A_71 : f32 to vector<1000x1xf32>
    %select_n3A_74 = arith.select %eq3A_69, %broadcast_in_dim3A_72, %broadcast_in_dim3A_73 : vector<1000x1xi1>, vector<1000x1xf32>
    %mul3A_75 = vector.broadcast %select_n3A_74 : vector<1000x1xf32> to vector<1000x128xf32>
    %mul3A_76 = arith.mulf %mul3A_75, %add3A_66 : vector<1000x128xf32>
    %add3A_77 = arith.addf %add3A_54, %mul3A_76 : vector<1000x128xf32>
    %get3A_78 = arith.constant 3 : index
    %get3A_79 = arith.constant 0 : index
    %get3A_80 = arith.constant 0 : index
    %get3A_81 = vector.load %arg4[%get3A_78, %get3A_79, %get3A_80] : memref<16x128x128xf32, #tpu.memory_space<vmem>>, vector<1x128x128xf32>
    %get3A_82 = vector.shape_cast %get3A_81 : vector<1x128x128xf32> to vector<128x128xf32>
    %dot_general3A_83 = arith.constant dense<0.000000e+00> : vector<1000x128xf32>
    %dot_general3A_84 = tpu.matmul %get3A_1, %get3A_82, %dot_general3A_83 {dimension_numbers = #tpu.dot_dimension_numbers<[1], [0], [0], [1], [0, 0, 1, 1], [], []>, transpose_lhs_hint = false} : vector<1000x128xf32>, vector<128x128xf32>, vector<1000x128xf32> -> vector<1000x128xf32>
    %slice3A_85 = vector.extract_strided_slice %get3A_10 {offsets = [3, 0], sizes = [1, 128], strides = [1, 1]} : vector<16x128xf32> to vector<1x128xf32>
    %squeeze3A_86 = vector.shape_cast %slice3A_85 : vector<1x128xf32> to vector<128xf32>
    %broadcast_in_dim3A_87 = vector.shape_cast %squeeze3A_86 : vector<128xf32> to vector<1x128xf32>
    %add3A_88 = vector.broadcast %broadcast_in_dim3A_87 : vector<1x128xf32> to vector<1000x128xf32>
    %add3A_89 = arith.addf %dot_general3A_84, %add3A_88 : vector<1000x128xf32>
    %eq3A_90 = arith.constant 3 : i32
    %eq3A_91 = vector.broadcast %eq3A_90 : i32 to vector<1000x1xi32>
    %eq3A_92 = arith.cmpi eq, %broadcast_in_dim3A, %eq3A_91 : vector<1000x1xi32>
    %jit3A_93 = arith.constant 1.000000e+00 : f32
    %jit3A_94 = arith.constant 0.000000e+00 : f32
    %broadcast_in_dim3A_95 = vector.broadcast %jit3A_93 : f32 to vector<1000x1xf32>
    %broadcast_in_dim3A_96 = vector.broadcast %jit3A_94 : f32 to vector<1000x1xf32>
    %select_n3A_97 = arith.select %eq3A_92, %broadcast_in_dim3A_95, %broadcast_in_dim3A_96 : vector<1000x1xi1>, vector<1000x1xf32>
    %mul3A_98 = vector.broadcast %select_n3A_97 : vector<1000x1xf32> to vector<1000x128xf32>
    %mul3A_99 = arith.mulf %mul3A_98, %add3A_89 : vector<1000x128xf32>
    %add3A_100 = arith.addf %add3A_77, %mul3A_99 : vector<1000x128xf32>
    %get3A_101 = arith.constant 4 : index
    %get3A_102 = arith.constant 0 : index
    %get3A_103 = arith.constant 0 : index
    %get3A_104 = vector.load %arg4[%get3A_101, %get3A_102, %get3A_103] : memref<16x128x128xf32, #tpu.memory_space<vmem>>, vector<1x128x128xf32>
    %get3A_105 = vector.shape_cast %get3A_104 : vector<1x128x128xf32> to vector<128x128xf32>
    %dot_general3A_106 = arith.constant dense<0.000000e+00> : vector<1000x128xf32>
    %dot_general3A_107 = tpu.matmul %get3A_1, %get3A_105, %dot_general3A_106 {dimension_numbers = #tpu.dot_dimension_numbers<[1], [0], [0], [1], [0, 0, 1, 1], [], []>, transpose_lhs_hint = false} : vector<1000x128xf32>, vector<128x128xf32>, vector<1000x128xf32> -> vector<1000x128xf32>
    %slice3A_108 = vector.extract_strided_slice %get3A_10 {offsets = [4, 0], sizes = [1, 128], strides = [1, 1]} : vector<16x128xf32> to vector<1x128xf32>
    %squeeze3A_109 = vector.shape_cast %slice3A_108 : vector<1x128xf32> to vector<128xf32>
    %broadcast_in_dim3A_110 = vector.shape_cast %squeeze3A_109 : vector<128xf32> to vector<1x128xf32>
    %add3A_111 = vector.broadcast %broadcast_in_dim3A_110 : vector<1x128xf32> to vector<1000x128xf32>
    %add3A_112 = arith.addf %dot_general3A_107, %add3A_111 : vector<1000x128xf32>
    %eq3A_113 = arith.constant 4 : i32
    %eq3A_114 = vector.broadcast %eq3A_113 : i32 to vector<1000x1xi32>
    %eq3A_115 = arith.cmpi eq, %broadcast_in_dim3A, %eq3A_114 : vector<1000x1xi32>
    %jit3A_116 = arith.constant 1.000000e+00 : f32
    %jit3A_117 = arith.constant 0.000000e+00 : f32
    %broadcast_in_dim3A_118 = vector.broadcast %jit3A_116 : f32 to vector<1000x1xf32>
    %broadcast_in_dim3A_119 = vector.broadcast %jit3A_117 : f32 to vector<1000x1xf32>
    %select_n3A_120 = arith.select %eq3A_115, %broadcast_in_dim3A_118, %broadcast_in_dim3A_119 : vector<1000x1xi1>, vector<1000x1xf32>
    %mul3A_121 = vector.broadcast %select_n3A_120 : vector<1000x1xf32> to vector<1000x128xf32>
    %mul3A_122 = arith.mulf %mul3A_121, %add3A_112 : vector<1000x128xf32>
    %add3A_123 = arith.addf %add3A_100, %mul3A_122 : vector<1000x128xf32>
    %get3A_124 = arith.constant 5 : index
    %get3A_125 = arith.constant 0 : index
    %get3A_126 = arith.constant 0 : index
    %get3A_127 = vector.load %arg4[%get3A_124, %get3A_125, %get3A_126] : memref<16x128x128xf32, #tpu.memory_space<vmem>>, vector<1x128x128xf32>
    %get3A_128 = vector.shape_cast %get3A_127 : vector<1x128x128xf32> to vector<128x128xf32>
    %dot_general3A_129 = arith.constant dense<0.000000e+00> : vector<1000x128xf32>
    %dot_general3A_130 = tpu.matmul %get3A_1, %get3A_128, %dot_general3A_129 {dimension_numbers = #tpu.dot_dimension_numbers<[1], [0], [0], [1], [0, 0, 1, 1], [], []>, transpose_lhs_hint = false} : vector<1000x128xf32>, vector<128x128xf32>, vector<1000x128xf32> -> vector<1000x128xf32>
    %slice3A_131 = vector.extract_strided_slice %get3A_10 {offsets = [5, 0], sizes = [1, 128], strides = [1, 1]} : vector<16x128xf32> to vector<1x128xf32>
    %squeeze3A_132 = vector.shape_cast %slice3A_131 : vector<1x128xf32> to vector<128xf32>
    %broadcast_in_dim3A_133 = vector.shape_cast %squeeze3A_132 : vector<128xf32> to vector<1x128xf32>
    %add3A_134 = vector.broadcast %broadcast_in_dim3A_133 : vector<1x128xf32> to vector<1000x128xf32>
    %add3A_135 = arith.addf %dot_general3A_130, %add3A_134 : vector<1000x128xf32>
    %eq3A_136 = arith.constant 5 : i32
    %eq3A_137 = vector.broadcast %eq3A_136 : i32 to vector<1000x1xi32>
    %eq3A_138 = arith.cmpi eq, %broadcast_in_dim3A, %eq3A_137 : vector<1000x1xi32>
    %jit3A_139 = arith.constant 1.000000e+00 : f32
    %jit3A_140 = arith.constant 0.000000e+00 : f32
    %broadcast_in_dim3A_141 = vector.broadcast %jit3A_139 : f32 to vector<1000x1xf32>
    %broadcast_in_dim3A_142 = vector.broadcast %jit3A_140 : f32 to vector<1000x1xf32>
    %select_n3A_143 = arith.select %eq3A_138, %broadcast_in_dim3A_141, %broadcast_in_dim3A_142 : vector<1000x1xi1>, vector<1000x1xf32>
    %mul3A_144 = vector.broadcast %select_n3A_143 : vector<1000x1xf32> to vector<1000x128xf32>
    %mul3A_145 = arith.mulf %mul3A_144, %add3A_135 : vector<1000x128xf32>
    %add3A_146 = arith.addf %add3A_123, %mul3A_145 : vector<1000x128xf32>
    %get3A_147 = arith.constant 6 : index
    %get3A_148 = arith.constant 0 : index
    %get3A_149 = arith.constant 0 : index
    %get3A_150 = vector.load %arg4[%get3A_147, %get3A_148, %get3A_149] : memref<16x128x128xf32, #tpu.memory_space<vmem>>, vector<1x128x128xf32>
    %get3A_151 = vector.shape_cast %get3A_150 : vector<1x128x128xf32> to vector<128x128xf32>
    %dot_general3A_152 = arith.constant dense<0.000000e+00> : vector<1000x128xf32>
    %dot_general3A_153 = tpu.matmul %get3A_1, %get3A_151, %dot_general3A_152 {dimension_numbers = #tpu.dot_dimension_numbers<[1], [0], [0], [1], [0, 0, 1, 1], [], []>, transpose_lhs_hint = false} : vector<1000x128xf32>, vector<128x128xf32>, vector<1000x128xf32> -> vector<1000x128xf32>
    %slice3A_154 = vector.extract_strided_slice %get3A_10 {offsets = [6, 0], sizes = [1, 128], strides = [1, 1]} : vector<16x128xf32> to vector<1x128xf32>
    %squeeze3A_155 = vector.shape_cast %slice3A_154 : vector<1x128xf32> to vector<128xf32>
    %broadcast_in_dim3A_156 = vector.shape_cast %squeeze3A_155 : vector<128xf32> to vector<1x128xf32>
    %add3A_157 = vector.broadcast %broadcast_in_dim3A_156 : vector<1x128xf32> to vector<1000x128xf32>
    %add3A_158 = arith.addf %dot_general3A_153, %add3A_157 : vector<1000x128xf32>
    %eq3A_159 = arith.constant 6 : i32
    %eq3A_160 = vector.broadcast %eq3A_159 : i32 to vector<1000x1xi32>
    %eq3A_161 = arith.cmpi eq, %broadcast_in_dim3A, %eq3A_160 : vector<1000x1xi32>
    %jit3A_162 = arith.constant 1.000000e+00 : f32
    %jit3A_163 = arith.constant 0.000000e+00 : f32
    %broadcast_in_dim3A_164 = vector.broadcast %jit3A_162 : f32 to vector<1000x1xf32>
    %broadcast_in_dim3A_165 = vector.broadcast %jit3A_163 : f32 to vector<1000x1xf32>
    %select_n3A_166 = arith.select %eq3A_161, %broadcast_in_dim3A_164, %broadcast_in_dim3A_165 : vector<1000x1xi1>, vector<1000x1xf32>
    %mul3A_167 = vector.broadcast %select_n3A_166 : vector<1000x1xf32> to vector<1000x128xf32>
    %mul3A_168 = arith.mulf %mul3A_167, %add3A_158 : vector<1000x128xf32>
    %add3A_169 = arith.addf %add3A_146, %mul3A_168 : vector<1000x128xf32>
    %get3A_170 = arith.constant 7 : index
    %get3A_171 = arith.constant 0 : index
    %get3A_172 = arith.constant 0 : index
    %get3A_173 = vector.load %arg4[%get3A_170, %get3A_171, %get3A_172] : memref<16x128x128xf32, #tpu.memory_space<vmem>>, vector<1x128x128xf32>
    %get3A_174 = vector.shape_cast %get3A_173 : vector<1x128x128xf32> to vector<128x128xf32>
    %dot_general3A_175 = arith.constant dense<0.000000e+00> : vector<1000x128xf32>
    %dot_general3A_176 = tpu.matmul %get3A_1, %get3A_174, %dot_general3A_175 {dimension_numbers = #tpu.dot_dimension_numbers<[1], [0], [0], [1], [0, 0, 1, 1], [], []>, transpose_lhs_hint = false} : vector<1000x128xf32>, vector<128x128xf32>, vector<1000x128xf32> -> vector<1000x128xf32>
    %slice3A_177 = vector.extract_strided_slice %get3A_10 {offsets = [7, 0], sizes = [1, 128], strides = [1, 1]} : vector<16x128xf32> to vector<1x128xf32>
    %squeeze3A_178 = vector.shape_cast %slice3A_177 : vector<1x128xf32> to vector<128xf32>
    %broadcast_in_dim3A_179 = vector.shape_cast %squeeze3A_178 : vector<128xf32> to vector<1x128xf32>
    %add3A_180 = vector.broadcast %broadcast_in_dim3A_179 : vector<1x128xf32> to vector<1000x128xf32>
    %add3A_181 = arith.addf %dot_general3A_176, %add3A_180 : vector<1000x128xf32>
    %eq3A_182 = arith.constant 7 : i32
    %eq3A_183 = vector.broadcast %eq3A_182 : i32 to vector<1000x1xi32>
    %eq3A_184 = arith.cmpi eq, %broadcast_in_dim3A, %eq3A_183 : vector<1000x1xi32>
    %jit3A_185 = arith.constant 1.000000e+00 : f32
    %jit3A_186 = arith.constant 0.000000e+00 : f32
    %broadcast_in_dim3A_187 = vector.broadcast %jit3A_185 : f32 to vector<1000x1xf32>
    %broadcast_in_dim3A_188 = vector.broadcast %jit3A_186 : f32 to vector<1000x1xf32>
    %select_n3A_189 = arith.select %eq3A_184, %broadcast_in_dim3A_187, %broadcast_in_dim3A_188 : vector<1000x1xi1>, vector<1000x1xf32>
    %mul3A_190 = vector.broadcast %select_n3A_189 : vector<1000x1xf32> to vector<1000x128xf32>
    %mul3A_191 = arith.mulf %mul3A_190, %add3A_181 : vector<1000x128xf32>
    %add3A_192 = arith.addf %add3A_169, %mul3A_191 : vector<1000x128xf32>
    %get3A_193 = arith.constant 8 : index
    %get3A_194 = arith.constant 0 : index
    %get3A_195 = arith.constant 0 : index
    %get3A_196 = vector.load %arg4[%get3A_193, %get3A_194, %get3A_195] : memref<16x128x128xf32, #tpu.memory_space<vmem>>, vector<1x128x128xf32>
    %get3A_197 = vector.shape_cast %get3A_196 : vector<1x128x128xf32> to vector<128x128xf32>
    %dot_general3A_198 = arith.constant dense<0.000000e+00> : vector<1000x128xf32>
    %dot_general3A_199 = tpu.matmul %get3A_1, %get3A_197, %dot_general3A_198 {dimension_numbers = #tpu.dot_dimension_numbers<[1], [0], [0], [1], [0, 0, 1, 1], [], []>, transpose_lhs_hint = false} : vector<1000x128xf32>, vector<128x128xf32>, vector<1000x128xf32> -> vector<1000x128xf32>
    %slice3A_200 = vector.extract_strided_slice %get3A_10 {offsets = [8, 0], sizes = [1, 128], strides = [1, 1]} : vector<16x128xf32> to vector<1x128xf32>
    %squeeze3A_201 = vector.shape_cast %slice3A_200 : vector<1x128xf32> to vector<128xf32>
    %broadcast_in_dim3A_202 = vector.shape_cast %squeeze3A_201 : vector<128xf32> to vector<1x128xf32>
    %add3A_203 = vector.broadcast %broadcast_in_dim3A_202 : vector<1x128xf32> to vector<1000x128xf32>
    %add3A_204 = arith.addf %dot_general3A_199, %add3A_203 : vector<1000x128xf32>
    %eq3A_205 = arith.constant 8 : i32
    %eq3A_206 = vector.broadcast %eq3A_205 : i32 to vector<1000x1xi32>
    %eq3A_207 = arith.cmpi eq, %broadcast_in_dim3A, %eq3A_206 : vector<1000x1xi32>
    %jit3A_208 = arith.constant 1.000000e+00 : f32
    %jit3A_209 = arith.constant 0.000000e+00 : f32
    %broadcast_in_dim3A_210 = vector.broadcast %jit3A_208 : f32 to vector<1000x1xf32>
    %broadcast_in_dim3A_211 = vector.broadcast %jit3A_209 : f32 to vector<1000x1xf32>
    %select_n3A_212 = arith.select %eq3A_207, %broadcast_in_dim3A_210, %broadcast_in_dim3A_211 : vector<1000x1xi1>, vector<1000x1xf32>
    %mul3A_213 = vector.broadcast %select_n3A_212 : vector<1000x1xf32> to vector<1000x128xf32>
    %mul3A_214 = arith.mulf %mul3A_213, %add3A_204 : vector<1000x128xf32>
    %add3A_215 = arith.addf %add3A_192, %mul3A_214 : vector<1000x128xf32>
    %get3A_216 = arith.constant 9 : index
    %get3A_217 = arith.constant 0 : index
    %get3A_218 = arith.constant 0 : index
    %get3A_219 = vector.load %arg4[%get3A_216, %get3A_217, %get3A_218] : memref<16x128x128xf32, #tpu.memory_space<vmem>>, vector<1x128x128xf32>
    %get3A_220 = vector.shape_cast %get3A_219 : vector<1x128x128xf32> to vector<128x128xf32>
    %dot_general3A_221 = arith.constant dense<0.000000e+00> : vector<1000x128xf32>
    %dot_general3A_222 = tpu.matmul %get3A_1, %get3A_220, %dot_general3A_221 {dimension_numbers = #tpu.dot_dimension_numbers<[1], [0], [0], [1], [0, 0, 1, 1], [], []>, transpose_lhs_hint = false} : vector<1000x128xf32>, vector<128x128xf32>, vector<1000x128xf32> -> vector<1000x128xf32>
    %slice3A_223 = vector.extract_strided_slice %get3A_10 {offsets = [9, 0], sizes = [1, 128], strides = [1, 1]} : vector<16x128xf32> to vector<1x128xf32>
    %squeeze3A_224 = vector.shape_cast %slice3A_223 : vector<1x128xf32> to vector<128xf32>
    %broadcast_in_dim3A_225 = vector.shape_cast %squeeze3A_224 : vector<128xf32> to vector<1x128xf32>
    %add3A_226 = vector.broadcast %broadcast_in_dim3A_225 : vector<1x128xf32> to vector<1000x128xf32>
    %add3A_227 = arith.addf %dot_general3A_222, %add3A_226 : vector<1000x128xf32>
    %eq3A_228 = arith.constant 9 : i32
    %eq3A_229 = vector.broadcast %eq3A_228 : i32 to vector<1000x1xi32>
    %eq3A_230 = arith.cmpi eq, %broadcast_in_dim3A, %eq3A_229 : vector<1000x1xi32>
    %jit3A_231 = arith.constant 1.000000e+00 : f32
    %jit3A_232 = arith.constant 0.000000e+00 : f32
    %broadcast_in_dim3A_233 = vector.broadcast %jit3A_231 : f32 to vector<1000x1xf32>
    %broadcast_in_dim3A_234 = vector.broadcast %jit3A_232 : f32 to vector<1000x1xf32>
    %select_n3A_235 = arith.select %eq3A_230, %broadcast_in_dim3A_233, %broadcast_in_dim3A_234 : vector<1000x1xi1>, vector<1000x1xf32>
    %mul3A_236 = vector.broadcast %select_n3A_235 : vector<1000x1xf32> to vector<1000x128xf32>
    %mul3A_237 = arith.mulf %mul3A_236, %add3A_227 : vector<1000x128xf32>
    %add3A_238 = arith.addf %add3A_215, %mul3A_237 : vector<1000x128xf32>
    %get3A_239 = arith.constant 10 : index
    %get3A_240 = arith.constant 0 : index
    %get3A_241 = arith.constant 0 : index
    %get3A_242 = vector.load %arg4[%get3A_239, %get3A_240, %get3A_241] : memref<16x128x128xf32, #tpu.memory_space<vmem>>, vector<1x128x128xf32>
    %get3A_243 = vector.shape_cast %get3A_242 : vector<1x128x128xf32> to vector<128x128xf32>
    %dot_general3A_244 = arith.constant dense<0.000000e+00> : vector<1000x128xf32>
    %dot_general3A_245 = tpu.matmul %get3A_1, %get3A_243, %dot_general3A_244 {dimension_numbers = #tpu.dot_dimension_numbers<[1], [0], [0], [1], [0, 0, 1, 1], [], []>, transpose_lhs_hint = false} : vector<1000x128xf32>, vector<128x128xf32>, vector<1000x128xf32> -> vector<1000x128xf32>
    %slice3A_246 = vector.extract_strided_slice %get3A_10 {offsets = [10, 0], sizes = [1, 128], strides = [1, 1]} : vector<16x128xf32> to vector<1x128xf32>
    %squeeze3A_247 = vector.shape_cast %slice3A_246 : vector<1x128xf32> to vector<128xf32>
    %broadcast_in_dim3A_248 = vector.shape_cast %squeeze3A_247 : vector<128xf32> to vector<1x128xf32>
    %add3A_249 = vector.broadcast %broadcast_in_dim3A_248 : vector<1x128xf32> to vector<1000x128xf32>
    %add3A_250 = arith.addf %dot_general3A_245, %add3A_249 : vector<1000x128xf32>
    %eq3A_251 = arith.constant 10 : i32
    %eq3A_252 = vector.broadcast %eq3A_251 : i32 to vector<1000x1xi32>
    %eq3A_253 = arith.cmpi eq, %broadcast_in_dim3A, %eq3A_252 : vector<1000x1xi32>
    %jit3A_254 = arith.constant 1.000000e+00 : f32
    %jit3A_255 = arith.constant 0.000000e+00 : f32
    %broadcast_in_dim3A_256 = vector.broadcast %jit3A_254 : f32 to vector<1000x1xf32>
    %broadcast_in_dim3A_257 = vector.broadcast %jit3A_255 : f32 to vector<1000x1xf32>
    %select_n3A_258 = arith.select %eq3A_253, %broadcast_in_dim3A_256, %broadcast_in_dim3A_257 : vector<1000x1xi1>, vector<1000x1xf32>
    %mul3A_259 = vector.broadcast %select_n3A_258 : vector<1000x1xf32> to vector<1000x128xf32>
    %mul3A_260 = arith.mulf %mul3A_259, %add3A_250 : vector<1000x128xf32>
    %add3A_261 = arith.addf %add3A_238, %mul3A_260 : vector<1000x128xf32>
    %get3A_262 = arith.constant 11 : index
    %get3A_263 = arith.constant 0 : index
    %get3A_264 = arith.constant 0 : index
    %get3A_265 = vector.load %arg4[%get3A_262, %get3A_263, %get3A_264] : memref<16x128x128xf32, #tpu.memory_space<vmem>>, vector<1x128x128xf32>
    %get3A_266 = vector.shape_cast %get3A_265 : vector<1x128x128xf32> to vector<128x128xf32>
    %dot_general3A_267 = arith.constant dense<0.000000e+00> : vector<1000x128xf32>
    %dot_general3A_268 = tpu.matmul %get3A_1, %get3A_266, %dot_general3A_267 {dimension_numbers = #tpu.dot_dimension_numbers<[1], [0], [0], [1], [0, 0, 1, 1], [], []>, transpose_lhs_hint = false} : vector<1000x128xf32>, vector<128x128xf32>, vector<1000x128xf32> -> vector<1000x128xf32>
    %slice3A_269 = vector.extract_strided_slice %get3A_10 {offsets = [11, 0], sizes = [1, 128], strides = [1, 1]} : vector<16x128xf32> to vector<1x128xf32>
    %squeeze3A_270 = vector.shape_cast %slice3A_269 : vector<1x128xf32> to vector<128xf32>
    %broadcast_in_dim3A_271 = vector.shape_cast %squeeze3A_270 : vector<128xf32> to vector<1x128xf32>
    %add3A_272 = vector.broadcast %broadcast_in_dim3A_271 : vector<1x128xf32> to vector<1000x128xf32>
    %add3A_273 = arith.addf %dot_general3A_268, %add3A_272 : vector<1000x128xf32>
    %eq3A_274 = arith.constant 11 : i32
    %eq3A_275 = vector.broadcast %eq3A_274 : i32 to vector<1000x1xi32>
    %eq3A_276 = arith.cmpi eq, %broadcast_in_dim3A, %eq3A_275 : vector<1000x1xi32>
    %jit3A_277 = arith.constant 1.000000e+00 : f32
    %jit3A_278 = arith.constant 0.000000e+00 : f32
    %broadcast_in_dim3A_279 = vector.broadcast %jit3A_277 : f32 to vector<1000x1xf32>
    %broadcast_in_dim3A_280 = vector.broadcast %jit3A_278 : f32 to vector<1000x1xf32>
    %select_n3A_281 = arith.select %eq3A_276, %broadcast_in_dim3A_279, %broadcast_in_dim3A_280 : vector<1000x1xi1>, vector<1000x1xf32>
    %mul3A_282 = vector.broadcast %select_n3A_281 : vector<1000x1xf32> to vector<1000x128xf32>
    %mul3A_283 = arith.mulf %mul3A_282, %add3A_273 : vector<1000x128xf32>
    %add3A_284 = arith.addf %add3A_261, %mul3A_283 : vector<1000x128xf32>
    %get3A_285 = arith.constant 12 : index
    %get3A_286 = arith.constant 0 : index
    %get3A_287 = arith.constant 0 : index
    %get3A_288 = vector.load %arg4[%get3A_285, %get3A_286, %get3A_287] : memref<16x128x128xf32, #tpu.memory_space<vmem>>, vector<1x128x128xf32>
    %get3A_289 = vector.shape_cast %get3A_288 : vector<1x128x128xf32> to vector<128x128xf32>
    %dot_general3A_290 = arith.constant dense<0.000000e+00> : vector<1000x128xf32>
    %dot_general3A_291 = tpu.matmul %get3A_1, %get3A_289, %dot_general3A_290 {dimension_numbers = #tpu.dot_dimension_numbers<[1], [0], [0], [1], [0, 0, 1, 1], [], []>, transpose_lhs_hint = false} : vector<1000x128xf32>, vector<128x128xf32>, vector<1000x128xf32> -> vector<1000x128xf32>
    %slice3A_292 = vector.extract_strided_slice %get3A_10 {offsets = [12, 0], sizes = [1, 128], strides = [1, 1]} : vector<16x128xf32> to vector<1x128xf32>
    %squeeze3A_293 = vector.shape_cast %slice3A_292 : vector<1x128xf32> to vector<128xf32>
    %broadcast_in_dim3A_294 = vector.shape_cast %squeeze3A_293 : vector<128xf32> to vector<1x128xf32>
    %add3A_295 = vector.broadcast %broadcast_in_dim3A_294 : vector<1x128xf32> to vector<1000x128xf32>
    %add3A_296 = arith.addf %dot_general3A_291, %add3A_295 : vector<1000x128xf32>
    %eq3A_297 = arith.constant 12 : i32
    %eq3A_298 = vector.broadcast %eq3A_297 : i32 to vector<1000x1xi32>
    %eq3A_299 = arith.cmpi eq, %broadcast_in_dim3A, %eq3A_298 : vector<1000x1xi32>
    %jit3A_300 = arith.constant 1.000000e+00 : f32
    %jit3A_301 = arith.constant 0.000000e+00 : f32
    %broadcast_in_dim3A_302 = vector.broadcast %jit3A_300 : f32 to vector<1000x1xf32>
    %broadcast_in_dim3A_303 = vector.broadcast %jit3A_301 : f32 to vector<1000x1xf32>
    %select_n3A_304 = arith.select %eq3A_299, %broadcast_in_dim3A_302, %broadcast_in_dim3A_303 : vector<1000x1xi1>, vector<1000x1xf32>
    %mul3A_305 = vector.broadcast %select_n3A_304 : vector<1000x1xf32> to vector<1000x128xf32>
    %mul3A_306 = arith.mulf %mul3A_305, %add3A_296 : vector<1000x128xf32>
    %add3A_307 = arith.addf %add3A_284, %mul3A_306 : vector<1000x128xf32>
    %get3A_308 = arith.constant 13 : index
    %get3A_309 = arith.constant 0 : index
    %get3A_310 = arith.constant 0 : index
    %get3A_311 = vector.load %arg4[%get3A_308, %get3A_309, %get3A_310] : memref<16x128x128xf32, #tpu.memory_space<vmem>>, vector<1x128x128xf32>
    %get3A_312 = vector.shape_cast %get3A_311 : vector<1x128x128xf32> to vector<128x128xf32>
    %dot_general3A_313 = arith.constant dense<0.000000e+00> : vector<1000x128xf32>
    %dot_general3A_314 = tpu.matmul %get3A_1, %get3A_312, %dot_general3A_313 {dimension_numbers = #tpu.dot_dimension_numbers<[1], [0], [0], [1], [0, 0, 1, 1], [], []>, transpose_lhs_hint = false} : vector<1000x128xf32>, vector<128x128xf32>, vector<1000x128xf32> -> vector<1000x128xf32>
    %slice3A_315 = vector.extract_strided_slice %get3A_10 {offsets = [13, 0], sizes = [1, 128], strides = [1, 1]} : vector<16x128xf32> to vector<1x128xf32>
    %squeeze3A_316 = vector.shape_cast %slice3A_315 : vector<1x128xf32> to vector<128xf32>
    %broadcast_in_dim3A_317 = vector.shape_cast %squeeze3A_316 : vector<128xf32> to vector<1x128xf32>
    %add3A_318 = vector.broadcast %broadcast_in_dim3A_317 : vector<1x128xf32> to vector<1000x128xf32>
    %add3A_319 = arith.addf %dot_general3A_314, %add3A_318 : vector<1000x128xf32>
    %eq3A_320 = arith.constant 13 : i32
    %eq3A_321 = vector.broadcast %eq3A_320 : i32 to vector<1000x1xi32>
    %eq3A_322 = arith.cmpi eq, %broadcast_in_dim3A, %eq3A_321 : vector<1000x1xi32>
    %jit3A_323 = arith.constant 1.000000e+00 : f32
    %jit3A_324 = arith.constant 0.000000e+00 : f32
    %broadcast_in_dim3A_325 = vector.broadcast %jit3A_323 : f32 to vector<1000x1xf32>
    %broadcast_in_dim3A_326 = vector.broadcast %jit3A_324 : f32 to vector<1000x1xf32>
    %select_n3A_327 = arith.select %eq3A_322, %broadcast_in_dim3A_325, %broadcast_in_dim3A_326 : vector<1000x1xi1>, vector<1000x1xf32>
    %mul3A_328 = vector.broadcast %select_n3A_327 : vector<1000x1xf32> to vector<1000x128xf32>
    %mul3A_329 = arith.mulf %mul3A_328, %add3A_319 : vector<1000x128xf32>
    %add3A_330 = arith.addf %add3A_307, %mul3A_329 : vector<1000x128xf32>
    %get3A_331 = arith.constant 14 : index
    %get3A_332 = arith.constant 0 : index
    %get3A_333 = arith.constant 0 : index
    %get3A_334 = vector.load %arg4[%get3A_331, %get3A_332, %get3A_333] : memref<16x128x128xf32, #tpu.memory_space<vmem>>, vector<1x128x128xf32>
    %get3A_335 = vector.shape_cast %get3A_334 : vector<1x128x128xf32> to vector<128x128xf32>
    %dot_general3A_336 = arith.constant dense<0.000000e+00> : vector<1000x128xf32>
    %dot_general3A_337 = tpu.matmul %get3A_1, %get3A_335, %dot_general3A_336 {dimension_numbers = #tpu.dot_dimension_numbers<[1], [0], [0], [1], [0, 0, 1, 1], [], []>, transpose_lhs_hint = false} : vector<1000x128xf32>, vector<128x128xf32>, vector<1000x128xf32> -> vector<1000x128xf32>
    %slice3A_338 = vector.extract_strided_slice %get3A_10 {offsets = [14, 0], sizes = [1, 128], strides = [1, 1]} : vector<16x128xf32> to vector<1x128xf32>
    %squeeze3A_339 = vector.shape_cast %slice3A_338 : vector<1x128xf32> to vector<128xf32>
    %broadcast_in_dim3A_340 = vector.shape_cast %squeeze3A_339 : vector<128xf32> to vector<1x128xf32>
    %add3A_341 = vector.broadcast %broadcast_in_dim3A_340 : vector<1x128xf32> to vector<1000x128xf32>
    %add3A_342 = arith.addf %dot_general3A_337, %add3A_341 : vector<1000x128xf32>
    %eq3A_343 = arith.constant 14 : i32
    %eq3A_344 = vector.broadcast %eq3A_343 : i32 to vector<1000x1xi32>
    %eq3A_345 = arith.cmpi eq, %broadcast_in_dim3A, %eq3A_344 : vector<1000x1xi32>
    %jit3A_346 = arith.constant 1.000000e+00 : f32
    %jit3A_347 = arith.constant 0.000000e+00 : f32
    %broadcast_in_dim3A_348 = vector.broadcast %jit3A_346 : f32 to vector<1000x1xf32>
    %broadcast_in_dim3A_349 = vector.broadcast %jit3A_347 : f32 to vector<1000x1xf32>
    %select_n3A_350 = arith.select %eq3A_345, %broadcast_in_dim3A_348, %broadcast_in_dim3A_349 : vector<1000x1xi1>, vector<1000x1xf32>
    %mul3A_351 = vector.broadcast %select_n3A_350 : vector<1000x1xf32> to vector<1000x128xf32>
    %mul3A_352 = arith.mulf %mul3A_351, %add3A_342 : vector<1000x128xf32>
    %add3A_353 = arith.addf %add3A_330, %mul3A_352 : vector<1000x128xf32>
    %get3A_354 = arith.constant 15 : index
    %get3A_355 = arith.constant 0 : index
    %get3A_356 = arith.constant 0 : index
    %get3A_357 = vector.load %arg4[%get3A_354, %get3A_355, %get3A_356] : memref<16x128x128xf32, #tpu.memory_space<vmem>>, vector<1x128x128xf32>
    %get3A_358 = vector.shape_cast %get3A_357 : vector<1x128x128xf32> to vector<128x128xf32>
    %dot_general3A_359 = arith.constant dense<0.000000e+00> : vector<1000x128xf32>
    %dot_general3A_360 = tpu.matmul %get3A_1, %get3A_358, %dot_general3A_359 {dimension_numbers = #tpu.dot_dimension_numbers<[1], [0], [0], [1], [0, 0, 1, 1], [], []>, transpose_lhs_hint = false} : vector<1000x128xf32>, vector<128x128xf32>, vector<1000x128xf32> -> vector<1000x128xf32>
    %slice3A_361 = vector.extract_strided_slice %get3A_10 {offsets = [15, 0], sizes = [1, 128], strides = [1, 1]} : vector<16x128xf32> to vector<1x128xf32>
    %squeeze3A_362 = vector.shape_cast %slice3A_361 : vector<1x128xf32> to vector<128xf32>
    %broadcast_in_dim3A_363 = vector.shape_cast %squeeze3A_362 : vector<128xf32> to vector<1x128xf32>
    %add3A_364 = vector.broadcast %broadcast_in_dim3A_363 : vector<1x128xf32> to vector<1000x128xf32>
    %add3A_365 = arith.addf %dot_general3A_360, %add3A_364 : vector<1000x128xf32>
    %eq3A_366 = arith.constant 15 : i32
    %eq3A_367 = vector.broadcast %eq3A_366 : i32 to vector<1000x1xi32>
    %eq3A_368 = arith.cmpi eq, %broadcast_in_dim3A, %eq3A_367 : vector<1000x1xi32>
    %jit3A_369 = arith.constant 1.000000e+00 : f32
    %jit3A_370 = arith.constant 0.000000e+00 : f32
    %broadcast_in_dim3A_371 = vector.broadcast %jit3A_369 : f32 to vector<1000x1xf32>
    %broadcast_in_dim3A_372 = vector.broadcast %jit3A_370 : f32 to vector<1000x1xf32>
    %select_n3A_373 = arith.select %eq3A_368, %broadcast_in_dim3A_371, %broadcast_in_dim3A_372 : vector<1000x1xi1>, vector<1000x1xf32>
    %mul3A_374 = vector.broadcast %select_n3A_373 : vector<1000x1xf32> to vector<1000x128xf32>
    %mul3A_375 = arith.mulf %mul3A_374, %add3A_365 : vector<1000x128xf32>
    %add3A_376 = arith.addf %add3A_353, %mul3A_375 : vector<1000x128xf32>
    %reduce_sum3A = arith.constant dense<0.000000e+00> : vector<1000xf32>
    %reduce_sum3A_377 = vector.multi_reduction <add>, %add3A_12, %reduce_sum3A [1] : vector<1000x16xf32> to vector<1000xf32>
    %broadcast_in_dim3A_378 = vector.shape_cast %reduce_sum3A_377 : vector<1000xf32> to vector<1000x1xf32>
    %div3A = arith.constant 1.600000e+01 : f32
    %div3A_379 = vector.broadcast %div3A : f32 to vector<1000x1xf32>
    %div3A_380 = arith.divf %broadcast_in_dim3A_378, %div3A_379 : vector<1000x1xf32>
    %sub3A = vector.broadcast %div3A_380 : vector<1000x1xf32> to vector<1000x16xf32>
    %sub3A_381 = arith.subf %add3A_12, %sub3A : vector<1000x16xf32>
    %mul3A_382 = arith.mulf %sub3A_381, %sub3A_381 : vector<1000x16xf32>
    %reduce_sum3A_383 = arith.constant dense<0.000000e+00> : vector<1000xf32>
    %reduce_sum3A_384 = vector.multi_reduction <add>, %mul3A_382, %reduce_sum3A_383 [1] : vector<1000x16xf32> to vector<1000xf32>
    %broadcast_in_dim3A_385 = vector.shape_cast %reduce_sum3A_384 : vector<1000xf32> to vector<1000x1xf32>
    %div3A_386 = arith.constant 1.500000e+01 : f32
    %div3A_387 = vector.broadcast %div3A_386 : f32 to vector<1000x1xf32>
    %div3A_388 = arith.divf %broadcast_in_dim3A_385, %div3A_387 : vector<1000x1xf32>
    %sqrt3A = math.sqrt %div3A_388 : vector<1000x1xf32>
    %reduce_sum3A_389 = vector.shape_cast %sqrt3A : vector<1000x1xf32> to vector<1x1000x1xf32>
    %reduce_sum3A_390 = arith.constant dense<0.000000e+00> : vector<1xf32>
    %reduce_sum3A_391 = vector.multi_reduction <add>, %reduce_sum3A_389, %reduce_sum3A_390 [1, 2] : vector<1x1000x1xf32> to vector<1xf32>
    %reduce_sum3A_392 = vector.shape_cast %reduce_sum3A_391 : vector<1xf32> to vector<1x1x1xf32>
    %reduce_sum3A_393 = vector.extract %reduce_sum3A_392[0, 0, 0] : f32 from vector<1x1x1xf32>
    %swap3A = arith.constant 0 : index
    %swap3A_394 = arith.constant 0 : index
    %swap3A_395 = vector.load %arg6[%swap3A, %swap3A_394] : memref<1000x128xf32, #tpu.memory_space<vmem>>, vector<1000x128xf32>
    tpu.vector_store %arg6[%swap3A, %swap3A_394], %add3A_376 {strides = array<i32>} : memref<1000x128xf32, #tpu.memory_space<vmem>>, vector<1000x128xf32>,
    %broadcast_in_dim3A_396 = vector.broadcast %reduce_sum3A_393 : f32 to vector<1x1xf32>
    %eq3A_397 = arith.constant 0 : i32
    %eq3A_398 = arith.cmpi eq, %arg0, %eq3A_397 : i32
    %convert_element_type3A = arith.extui %eq3A_398 : i1 to i32
    %cond3A = arith.constant 0 : i32
    %cond3A_399 = arith.cmpi ne, %convert_element_type3A, %cond3A : i32
    scf.if %cond3A_399 {
      %swap3A_404 = arith.constant 0 : index
      %swap3A_405 = arith.constant 0 : index
      %swap3A_406 = vector.load %arg7[%swap3A_404, %swap3A_405] : memref<1x1xf32, #tpu.memory_space<vmem>>, vector<1x1xf32>
      tpu.vector_store %arg7[%swap3A_404, %swap3A_405], %broadcast_in_dim3A_396 {strides = array<i32>} : memref<1x1xf32, #tpu.memory_space<vmem>>, vector<1x1xf32>,
    } else {
    }
    %gt3A = arith.constant 0 : i32
    %gt3A_400 = arith.cmpi sgt, %arg0, %gt3A : i32
    %convert_element_type3A_401 = arith.extui %gt3A_400 : i1 to i32
    %cond3A_402 = arith.constant 0 : i32
    %cond3A_403 = arith.cmpi ne, %convert_element_type3A_401, %cond3A_402 : i32
    scf.if %cond3A_403 {
      %get3A_404 = arith.constant 0 : index
      %get3A_405 = arith.constant 0 : index
      %get3A_406 = vector.load %arg7[%get3A_404, %get3A_405] : memref<1x1xf32, #tpu.memory_space<vmem>>, vector<1x1xf32>
      %add3A_407 = arith.addf %get3A_406, %broadcast_in_dim3A_396 : vector<1x1xf32>
      %swap3A_408 = arith.constant 0 : index
      %swap3A_409 = arith.constant 0 : index
      %swap3A_410 = vector.load %arg7[%swap3A_408, %swap3A_409] : memref<1x1xf32, #tpu.memory_space<vmem>>, vector<1x1xf32>
      tpu.vector_store %arg7[%swap3A_408, %swap3A_409], %add3A_407 {strides = array<i32>} : memref<1x1xf32, #tpu.memory_space<vmem>>, vector<1x1xf32>,
    } else {
    }
    return
  }
  func.func @transform_0(%arg0: i32) -> (i32, i32) {
    %c0_i32 = arith.constant 0 : i32
    %c0_i32_0 = arith.constant 0 : i32
    return %arg0, %c0_i32 : i32, i32
  }
  func.func @transform_1(%arg0: i32) -> (i32, i32) {
    %c0_i32 = arith.constant 0 : i32
    %c0_i32_0 = arith.constant 0 : i32
    %c0_i32_1 = arith.constant 0 : i32
    return %c0_i32, %c0_i32_0 : i32, i32
  }
  func.func @transform_2(%arg0: i32) -> (i32, i32) {
    %c0_i32 = arith.constant 0 : i32
    %c0_i32_0 = arith.constant 0 : i32
    %c0_i32_1 = arith.constant 0 : i32
    return %c0_i32, %c0_i32_0 : i32, i32
  }
  func.func @transform_3(%arg0: i32) -> (i32, i32, i32) {
    %c0_i32 = arith.constant 0 : i32
    %c0_i32_0 = arith.constant 0 : i32
    %c0_i32_1 = arith.constant 0 : i32
    %c0_i32_2 = arith.constant 0 : i32
    return %c0_i32, %c0_i32_0, %c0_i32_1 : i32, i32, i32
  }
  func.func @transform_4(%arg0: i32) -> (i32, i32) {
    %c0_i32 = arith.constant 0 : i32
    %c0_i32_0 = arith.constant 0 : i32
    %c0_i32_1 = arith.constant 0 : i32
    return %c0_i32, %c0_i32_0 : i32, i32
  }
  func.func @transform_5(%arg0: i32) -> (i32, i32) {
    %c0_i32 = arith.constant 0 : i32
    %c0_i32_0 = arith.constant 0 : i32
    return %arg0, %c0_i32 : i32, i32
  }
  func.func @transform_6(%arg0: i32) -> (i32, i32) {
    %c0_i32 = arith.constant 0 : i32
    %c0_i32_0 = arith.constant 0 : i32
    %c0_i32_1 = arith.constant 0 : i32
    return %c0_i32, %c0_i32_0 : i32, i32
  }
}

module attributes {stable_mosaic.version = 14 : i64} {
  func.func @_moe_next_body(%arg0: i32, %arg1: memref<1000x128xf32, #tpu.memory_space<vmem>>, %arg2: memref<1000x128xf32, #tpu.memory_space<vmem>>, %arg3: memref<1x128xf32, #tpu.memory_space<vmem>>, %arg4: memref<128x16xf32, #tpu.memory_space<vmem>>, %arg5: memref<1x16xf32, #tpu.memory_space<vmem>>, %arg6: memref<16x128x128xf32, #tpu.memory_space<vmem>>, %arg7: memref<16x128xf32, #tpu.memory_space<vmem>>, %arg8: memref<1000x128xf32, #tpu.memory_space<vmem>>, %arg9: memref<1x1xf32, #tpu.memory_space<vmem>>) attributes {dimension_semantics = [#tpu.dimension_semantics<arbitrary>], iteration_bounds = array<i64: 10>, scalar_prefetch = 0 : i64, scratch_operands = 0 : i64, tpu.core_type = #tpu.core_type<tc>, window_params = [{transform_indices = @transform_0, window_bounds = array<i64: 1000, 128>}, {transform_indices = @transform_1, window_bounds = array<i64: 1000, 128>}, {pipeline_mode = #tpu.pipeline_mode<synchronous>, transform_indices = @transform_2, window_bounds = array<i64: 1, 128>}, {pipeline_mode = #tpu.pipeline_mode<synchronous>, transform_indices = @transform_3, window_bounds = array<i64: 128, 16>}, {pipeline_mode = #tpu.pipeline_mode<synchronous>, transform_indices = @transform_4, window_bounds = array<i64: 1, 16>}, {pipeline_mode = #tpu.pipeline_mode<synchronous>, transform_indices = @transform_5, window_bounds = array<i64: 16, 128, 128>}, {pipeline_mode = #tpu.pipeline_mode<synchronous>, transform_indices = @transform_6, window_bounds = array<i64: 16, 128>}, {transform_indices = @transform_7, window_bounds = array<i64: 1000, 128>}, {pipeline_mode = #tpu.pipeline_mode<synchronous>, transform_indices = @transform_8, window_bounds = array<i64: 1, 1>}]} {
    %get3A = arith.constant 0 : index
    %get3A_0 = arith.constant 0 : index
    %get3A_1 = vector.load %arg1[%get3A, %get3A_0] : memref<1000x128xf32, #tpu.memory_space<vmem>>, vector<1000x128xf32>
    %get3A_2 = arith.constant 0 : index
    %get3A_3 = arith.constant 0 : index
    %get3A_4 = vector.load %arg2[%get3A_2, %get3A_3] : memref<1000x128xf32, #tpu.memory_space<vmem>>, vector<1000x128xf32>
    %add3A = arith.addf %get3A_1, %get3A_4 : vector<1000x128xf32>
    %get3A_5 = arith.constant 0 : index
    %get3A_6 = arith.constant 0 : index
    %get3A_7 = vector.load %arg3[%get3A_5, %get3A_6] : memref<1x128xf32, #tpu.memory_space<vmem>>, vector<1x128xf32>
    %add3A_8 = vector.broadcast %get3A_7 : vector<1x128xf32> to vector<1000x128xf32>
    %add3A_9 = arith.addf %add3A, %add3A_8 : vector<1000x128xf32>
    %max3A = arith.constant 0.000000e+00 : f32
    %max3A_10 = vector.broadcast %max3A : f32 to vector<1000x128xf32>
    %max3A_11 = arith.maximumf %add3A_9, %max3A_10 : vector<1000x128xf32>
    %get3A_12 = arith.constant 0 : index
    %get3A_13 = arith.constant 0 : index
    %get3A_14 = vector.load %arg4[%get3A_12, %get3A_13] : memref<128x16xf32, #tpu.memory_space<vmem>>, vector<128x16xf32>
    %get3A_15 = arith.constant 0 : index
    %get3A_16 = arith.constant 0 : index
    %get3A_17 = vector.load %arg5[%get3A_15, %get3A_16] : memref<1x16xf32, #tpu.memory_space<vmem>>, vector<1x16xf32>
    %get3A_18 = arith.constant 0 : index
    %get3A_19 = arith.constant 0 : index
    %get3A_20 = vector.load %arg7[%get3A_18, %get3A_19] : memref<16x128xf32, #tpu.memory_space<vmem>>, vector<16x128xf32>
    %dot_general3A = arith.constant dense<0.000000e+00> : vector<1000x16xf32>
    %dot_general3A_21 = tpu.matmul %max3A_11, %get3A_14, %dot_general3A {dimension_numbers = #tpu.dot_dimension_numbers<[1], [0], [0], [1], [0, 0, 1, 1], [], []>, transpose_lhs_hint = false} : vector<1000x128xf32>, vector<128x16xf32>, vector<1000x16xf32> -> vector<1000x16xf32>
    %add3A_22 = vector.broadcast %get3A_17 : vector<1x16xf32> to vector<1000x16xf32>
    %add3A_23 = arith.addf %dot_general3A_21, %add3A_22 : vector<1000x16xf32>
    %argmax3A = tpu.reduce_index %add3A_23 {axis = 1 : i32, kind = #tpu.reduction_kind<arg_max>} : vector<1000x16xf32> -> vector<1000xi32>
    %broadcast_in_dim3A = vector.shape_cast %argmax3A : vector<1000xi32> to vector<1000x1xi32>
    %broadcast_in_dim3A_24 = arith.constant 0.000000e+00 : f32
    %broadcast_in_dim3A_25 = vector.broadcast %broadcast_in_dim3A_24 : f32 to vector<1000x128xf32>
    %get3A_26 = arith.constant 0 : index
    %get3A_27 = arith.constant 0 : index
    %get3A_28 = arith.constant 0 : index
    %get3A_29 = vector.load %arg6[%get3A_26, %get3A_27, %get3A_28] : memref<16x128x128xf32, #tpu.memory_space<vmem>>, vector<1x128x128xf32>
    %get3A_30 = vector.shape_cast %get3A_29 : vector<1x128x128xf32> to vector<128x128xf32>
    %dot_general3A_31 = arith.constant dense<0.000000e+00> : vector<1000x128xf32>
    %dot_general3A_32 = tpu.matmul %max3A_11, %get3A_30, %dot_general3A_31 {dimension_numbers = #tpu.dot_dimension_numbers<[1], [0], [0], [1], [0, 0, 1, 1], [], []>, transpose_lhs_hint = false} : vector<1000x128xf32>, vector<128x128xf32>, vector<1000x128xf32> -> vector<1000x128xf32>
    %slice3A = vector.extract_strided_slice %get3A_20 {offsets = [0, 0], sizes = [1, 128], strides = [1, 1]} : vector<16x128xf32> to vector<1x128xf32>
    %squeeze3A = vector.shape_cast %slice3A : vector<1x128xf32> to vector<128xf32>
    %broadcast_in_dim3A_33 = vector.shape_cast %squeeze3A : vector<128xf32> to vector<1x128xf32>
    %add3A_34 = vector.broadcast %broadcast_in_dim3A_33 : vector<1x128xf32> to vector<1000x128xf32>
    %add3A_35 = arith.addf %dot_general3A_32, %add3A_34 : vector<1000x128xf32>
    %eq3A = arith.constant 0 : i32
    %eq3A_36 = vector.broadcast %eq3A : i32 to vector<1000x1xi32>
    %eq3A_37 = arith.cmpi eq, %broadcast_in_dim3A, %eq3A_36 : vector<1000x1xi32>
    %jit3A = arith.constant 1.000000e+00 : f32
    %jit3A_38 = arith.constant 0.000000e+00 : f32
    %broadcast_in_dim3A_39 = vector.broadcast %jit3A : f32 to vector<1000x1xf32>
    %broadcast_in_dim3A_40 = vector.broadcast %jit3A_38 : f32 to vector<1000x1xf32>
    %select_n3A = arith.select %eq3A_37, %broadcast_in_dim3A_39, %broadcast_in_dim3A_40 : vector<1000x1xi1>, vector<1000x1xf32>
    %mul3A = vector.broadcast %select_n3A : vector<1000x1xf32> to vector<1000x128xf32>
    %mul3A_41 = arith.mulf %mul3A, %add3A_35 : vector<1000x128xf32>
    %add3A_42 = arith.addf %broadcast_in_dim3A_25, %mul3A_41 : vector<1000x128xf32>
    %get3A_43 = arith.constant 1 : index
    %get3A_44 = arith.constant 0 : index
    %get3A_45 = arith.constant 0 : index
    %get3A_46 = vector.load %arg6[%get3A_43, %get3A_44, %get3A_45] : memref<16x128x128xf32, #tpu.memory_space<vmem>>, vector<1x128x128xf32>
    %get3A_47 = vector.shape_cast %get3A_46 : vector<1x128x128xf32> to vector<128x128xf32>
    %dot_general3A_48 = arith.constant dense<0.000000e+00> : vector<1000x128xf32>
    %dot_general3A_49 = tpu.matmul %max3A_11, %get3A_47, %dot_general3A_48 {dimension_numbers = #tpu.dot_dimension_numbers<[1], [0], [0], [1], [0, 0, 1, 1], [], []>, transpose_lhs_hint = false} : vector<1000x128xf32>, vector<128x128xf32>, vector<1000x128xf32> -> vector<1000x128xf32>
    %slice3A_50 = vector.extract_strided_slice %get3A_20 {offsets = [1, 0], sizes = [1, 128], strides = [1, 1]} : vector<16x128xf32> to vector<1x128xf32>
    %squeeze3A_51 = vector.shape_cast %slice3A_50 : vector<1x128xf32> to vector<128xf32>
    %broadcast_in_dim3A_52 = vector.shape_cast %squeeze3A_51 : vector<128xf32> to vector<1x128xf32>
    %add3A_53 = vector.broadcast %broadcast_in_dim3A_52 : vector<1x128xf32> to vector<1000x128xf32>
    %add3A_54 = arith.addf %dot_general3A_49, %add3A_53 : vector<1000x128xf32>
    %eq3A_55 = arith.constant 1 : i32
    %eq3A_56 = vector.broadcast %eq3A_55 : i32 to vector<1000x1xi32>
    %eq3A_57 = arith.cmpi eq, %broadcast_in_dim3A, %eq3A_56 : vector<1000x1xi32>
    %jit3A_58 = arith.constant 1.000000e+00 : f32
    %jit3A_59 = arith.constant 0.000000e+00 : f32
    %broadcast_in_dim3A_60 = vector.broadcast %jit3A_58 : f32 to vector<1000x1xf32>
    %broadcast_in_dim3A_61 = vector.broadcast %jit3A_59 : f32 to vector<1000x1xf32>
    %select_n3A_62 = arith.select %eq3A_57, %broadcast_in_dim3A_60, %broadcast_in_dim3A_61 : vector<1000x1xi1>, vector<1000x1xf32>
    %mul3A_63 = vector.broadcast %select_n3A_62 : vector<1000x1xf32> to vector<1000x128xf32>
    %mul3A_64 = arith.mulf %mul3A_63, %add3A_54 : vector<1000x128xf32>
    %add3A_65 = arith.addf %add3A_42, %mul3A_64 : vector<1000x128xf32>
    %get3A_66 = arith.constant 2 : index
    %get3A_67 = arith.constant 0 : index
    %get3A_68 = arith.constant 0 : index
    %get3A_69 = vector.load %arg6[%get3A_66, %get3A_67, %get3A_68] : memref<16x128x128xf32, #tpu.memory_space<vmem>>, vector<1x128x128xf32>
    %get3A_70 = vector.shape_cast %get3A_69 : vector<1x128x128xf32> to vector<128x128xf32>
    %dot_general3A_71 = arith.constant dense<0.000000e+00> : vector<1000x128xf32>
    %dot_general3A_72 = tpu.matmul %max3A_11, %get3A_70, %dot_general3A_71 {dimension_numbers = #tpu.dot_dimension_numbers<[1], [0], [0], [1], [0, 0, 1, 1], [], []>, transpose_lhs_hint = false} : vector<1000x128xf32>, vector<128x128xf32>, vector<1000x128xf32> -> vector<1000x128xf32>
    %slice3A_73 = vector.extract_strided_slice %get3A_20 {offsets = [2, 0], sizes = [1, 128], strides = [1, 1]} : vector<16x128xf32> to vector<1x128xf32>
    %squeeze3A_74 = vector.shape_cast %slice3A_73 : vector<1x128xf32> to vector<128xf32>
    %broadcast_in_dim3A_75 = vector.shape_cast %squeeze3A_74 : vector<128xf32> to vector<1x128xf32>
    %add3A_76 = vector.broadcast %broadcast_in_dim3A_75 : vector<1x128xf32> to vector<1000x128xf32>
    %add3A_77 = arith.addf %dot_general3A_72, %add3A_76 : vector<1000x128xf32>
    %eq3A_78 = arith.constant 2 : i32
    %eq3A_79 = vector.broadcast %eq3A_78 : i32 to vector<1000x1xi32>
    %eq3A_80 = arith.cmpi eq, %broadcast_in_dim3A, %eq3A_79 : vector<1000x1xi32>
    %jit3A_81 = arith.constant 1.000000e+00 : f32
    %jit3A_82 = arith.constant 0.000000e+00 : f32
    %broadcast_in_dim3A_83 = vector.broadcast %jit3A_81 : f32 to vector<1000x1xf32>
    %broadcast_in_dim3A_84 = vector.broadcast %jit3A_82 : f32 to vector<1000x1xf32>
    %select_n3A_85 = arith.select %eq3A_80, %broadcast_in_dim3A_83, %broadcast_in_dim3A_84 : vector<1000x1xi1>, vector<1000x1xf32>
    %mul3A_86 = vector.broadcast %select_n3A_85 : vector<1000x1xf32> to vector<1000x128xf32>
    %mul3A_87 = arith.mulf %mul3A_86, %add3A_77 : vector<1000x128xf32>
    %add3A_88 = arith.addf %add3A_65, %mul3A_87 : vector<1000x128xf32>
    %get3A_89 = arith.constant 3 : index
    %get3A_90 = arith.constant 0 : index
    %get3A_91 = arith.constant 0 : index
    %get3A_92 = vector.load %arg6[%get3A_89, %get3A_90, %get3A_91] : memref<16x128x128xf32, #tpu.memory_space<vmem>>, vector<1x128x128xf32>
    %get3A_93 = vector.shape_cast %get3A_92 : vector<1x128x128xf32> to vector<128x128xf32>
    %dot_general3A_94 = arith.constant dense<0.000000e+00> : vector<1000x128xf32>
    %dot_general3A_95 = tpu.matmul %max3A_11, %get3A_93, %dot_general3A_94 {dimension_numbers = #tpu.dot_dimension_numbers<[1], [0], [0], [1], [0, 0, 1, 1], [], []>, transpose_lhs_hint = false} : vector<1000x128xf32>, vector<128x128xf32>, vector<1000x128xf32> -> vector<1000x128xf32>
    %slice3A_96 = vector.extract_strided_slice %get3A_20 {offsets = [3, 0], sizes = [1, 128], strides = [1, 1]} : vector<16x128xf32> to vector<1x128xf32>
    %squeeze3A_97 = vector.shape_cast %slice3A_96 : vector<1x128xf32> to vector<128xf32>
    %broadcast_in_dim3A_98 = vector.shape_cast %squeeze3A_97 : vector<128xf32> to vector<1x128xf32>
    %add3A_99 = vector.broadcast %broadcast_in_dim3A_98 : vector<1x128xf32> to vector<1000x128xf32>
    %add3A_100 = arith.addf %dot_general3A_95, %add3A_99 : vector<1000x128xf32>
    %eq3A_101 = arith.constant 3 : i32
    %eq3A_102 = vector.broadcast %eq3A_101 : i32 to vector<1000x1xi32>
    %eq3A_103 = arith.cmpi eq, %broadcast_in_dim3A, %eq3A_102 : vector<1000x1xi32>
    %jit3A_104 = arith.constant 1.000000e+00 : f32
    %jit3A_105 = arith.constant 0.000000e+00 : f32
    %broadcast_in_dim3A_106 = vector.broadcast %jit3A_104 : f32 to vector<1000x1xf32>
    %broadcast_in_dim3A_107 = vector.broadcast %jit3A_105 : f32 to vector<1000x1xf32>
    %select_n3A_108 = arith.select %eq3A_103, %broadcast_in_dim3A_106, %broadcast_in_dim3A_107 : vector<1000x1xi1>, vector<1000x1xf32>
    %mul3A_109 = vector.broadcast %select_n3A_108 : vector<1000x1xf32> to vector<1000x128xf32>
    %mul3A_110 = arith.mulf %mul3A_109, %add3A_100 : vector<1000x128xf32>
    %add3A_111 = arith.addf %add3A_88, %mul3A_110 : vector<1000x128xf32>
    %get3A_112 = arith.constant 4 : index
    %get3A_113 = arith.constant 0 : index
    %get3A_114 = arith.constant 0 : index
    %get3A_115 = vector.load %arg6[%get3A_112, %get3A_113, %get3A_114] : memref<16x128x128xf32, #tpu.memory_space<vmem>>, vector<1x128x128xf32>
    %get3A_116 = vector.shape_cast %get3A_115 : vector<1x128x128xf32> to vector<128x128xf32>
    %dot_general3A_117 = arith.constant dense<0.000000e+00> : vector<1000x128xf32>
    %dot_general3A_118 = tpu.matmul %max3A_11, %get3A_116, %dot_general3A_117 {dimension_numbers = #tpu.dot_dimension_numbers<[1], [0], [0], [1], [0, 0, 1, 1], [], []>, transpose_lhs_hint = false} : vector<1000x128xf32>, vector<128x128xf32>, vector<1000x128xf32> -> vector<1000x128xf32>
    %slice3A_119 = vector.extract_strided_slice %get3A_20 {offsets = [4, 0], sizes = [1, 128], strides = [1, 1]} : vector<16x128xf32> to vector<1x128xf32>
    %squeeze3A_120 = vector.shape_cast %slice3A_119 : vector<1x128xf32> to vector<128xf32>
    %broadcast_in_dim3A_121 = vector.shape_cast %squeeze3A_120 : vector<128xf32> to vector<1x128xf32>
    %add3A_122 = vector.broadcast %broadcast_in_dim3A_121 : vector<1x128xf32> to vector<1000x128xf32>
    %add3A_123 = arith.addf %dot_general3A_118, %add3A_122 : vector<1000x128xf32>
    %eq3A_124 = arith.constant 4 : i32
    %eq3A_125 = vector.broadcast %eq3A_124 : i32 to vector<1000x1xi32>
    %eq3A_126 = arith.cmpi eq, %broadcast_in_dim3A, %eq3A_125 : vector<1000x1xi32>
    %jit3A_127 = arith.constant 1.000000e+00 : f32
    %jit3A_128 = arith.constant 0.000000e+00 : f32
    %broadcast_in_dim3A_129 = vector.broadcast %jit3A_127 : f32 to vector<1000x1xf32>
    %broadcast_in_dim3A_130 = vector.broadcast %jit3A_128 : f32 to vector<1000x1xf32>
    %select_n3A_131 = arith.select %eq3A_126, %broadcast_in_dim3A_129, %broadcast_in_dim3A_130 : vector<1000x1xi1>, vector<1000x1xf32>
    %mul3A_132 = vector.broadcast %select_n3A_131 : vector<1000x1xf32> to vector<1000x128xf32>
    %mul3A_133 = arith.mulf %mul3A_132, %add3A_123 : vector<1000x128xf32>
    %add3A_134 = arith.addf %add3A_111, %mul3A_133 : vector<1000x128xf32>
    %get3A_135 = arith.constant 5 : index
    %get3A_136 = arith.constant 0 : index
    %get3A_137 = arith.constant 0 : index
    %get3A_138 = vector.load %arg6[%get3A_135, %get3A_136, %get3A_137] : memref<16x128x128xf32, #tpu.memory_space<vmem>>, vector<1x128x128xf32>
    %get3A_139 = vector.shape_cast %get3A_138 : vector<1x128x128xf32> to vector<128x128xf32>
    %dot_general3A_140 = arith.constant dense<0.000000e+00> : vector<1000x128xf32>
    %dot_general3A_141 = tpu.matmul %max3A_11, %get3A_139, %dot_general3A_140 {dimension_numbers = #tpu.dot_dimension_numbers<[1], [0], [0], [1], [0, 0, 1, 1], [], []>, transpose_lhs_hint = false} : vector<1000x128xf32>, vector<128x128xf32>, vector<1000x128xf32> -> vector<1000x128xf32>
    %slice3A_142 = vector.extract_strided_slice %get3A_20 {offsets = [5, 0], sizes = [1, 128], strides = [1, 1]} : vector<16x128xf32> to vector<1x128xf32>
    %squeeze3A_143 = vector.shape_cast %slice3A_142 : vector<1x128xf32> to vector<128xf32>
    %broadcast_in_dim3A_144 = vector.shape_cast %squeeze3A_143 : vector<128xf32> to vector<1x128xf32>
    %add3A_145 = vector.broadcast %broadcast_in_dim3A_144 : vector<1x128xf32> to vector<1000x128xf32>
    %add3A_146 = arith.addf %dot_general3A_141, %add3A_145 : vector<1000x128xf32>
    %eq3A_147 = arith.constant 5 : i32
    %eq3A_148 = vector.broadcast %eq3A_147 : i32 to vector<1000x1xi32>
    %eq3A_149 = arith.cmpi eq, %broadcast_in_dim3A, %eq3A_148 : vector<1000x1xi32>
    %jit3A_150 = arith.constant 1.000000e+00 : f32
    %jit3A_151 = arith.constant 0.000000e+00 : f32
    %broadcast_in_dim3A_152 = vector.broadcast %jit3A_150 : f32 to vector<1000x1xf32>
    %broadcast_in_dim3A_153 = vector.broadcast %jit3A_151 : f32 to vector<1000x1xf32>
    %select_n3A_154 = arith.select %eq3A_149, %broadcast_in_dim3A_152, %broadcast_in_dim3A_153 : vector<1000x1xi1>, vector<1000x1xf32>
    %mul3A_155 = vector.broadcast %select_n3A_154 : vector<1000x1xf32> to vector<1000x128xf32>
    %mul3A_156 = arith.mulf %mul3A_155, %add3A_146 : vector<1000x128xf32>
    %add3A_157 = arith.addf %add3A_134, %mul3A_156 : vector<1000x128xf32>
    %get3A_158 = arith.constant 6 : index
    %get3A_159 = arith.constant 0 : index
    %get3A_160 = arith.constant 0 : index
    %get3A_161 = vector.load %arg6[%get3A_158, %get3A_159, %get3A_160] : memref<16x128x128xf32, #tpu.memory_space<vmem>>, vector<1x128x128xf32>
    %get3A_162 = vector.shape_cast %get3A_161 : vector<1x128x128xf32> to vector<128x128xf32>
    %dot_general3A_163 = arith.constant dense<0.000000e+00> : vector<1000x128xf32>
    %dot_general3A_164 = tpu.matmul %max3A_11, %get3A_162, %dot_general3A_163 {dimension_numbers = #tpu.dot_dimension_numbers<[1], [0], [0], [1], [0, 0, 1, 1], [], []>, transpose_lhs_hint = false} : vector<1000x128xf32>, vector<128x128xf32>, vector<1000x128xf32> -> vector<1000x128xf32>
    %slice3A_165 = vector.extract_strided_slice %get3A_20 {offsets = [6, 0], sizes = [1, 128], strides = [1, 1]} : vector<16x128xf32> to vector<1x128xf32>
    %squeeze3A_166 = vector.shape_cast %slice3A_165 : vector<1x128xf32> to vector<128xf32>
    %broadcast_in_dim3A_167 = vector.shape_cast %squeeze3A_166 : vector<128xf32> to vector<1x128xf32>
    %add3A_168 = vector.broadcast %broadcast_in_dim3A_167 : vector<1x128xf32> to vector<1000x128xf32>
    %add3A_169 = arith.addf %dot_general3A_164, %add3A_168 : vector<1000x128xf32>
    %eq3A_170 = arith.constant 6 : i32
    %eq3A_171 = vector.broadcast %eq3A_170 : i32 to vector<1000x1xi32>
    %eq3A_172 = arith.cmpi eq, %broadcast_in_dim3A, %eq3A_171 : vector<1000x1xi32>
    %jit3A_173 = arith.constant 1.000000e+00 : f32
    %jit3A_174 = arith.constant 0.000000e+00 : f32
    %broadcast_in_dim3A_175 = vector.broadcast %jit3A_173 : f32 to vector<1000x1xf32>
    %broadcast_in_dim3A_176 = vector.broadcast %jit3A_174 : f32 to vector<1000x1xf32>
    %select_n3A_177 = arith.select %eq3A_172, %broadcast_in_dim3A_175, %broadcast_in_dim3A_176 : vector<1000x1xi1>, vector<1000x1xf32>
    %mul3A_178 = vector.broadcast %select_n3A_177 : vector<1000x1xf32> to vector<1000x128xf32>
    %mul3A_179 = arith.mulf %mul3A_178, %add3A_169 : vector<1000x128xf32>
    %add3A_180 = arith.addf %add3A_157, %mul3A_179 : vector<1000x128xf32>
    %get3A_181 = arith.constant 7 : index
    %get3A_182 = arith.constant 0 : index
    %get3A_183 = arith.constant 0 : index
    %get3A_184 = vector.load %arg6[%get3A_181, %get3A_182, %get3A_183] : memref<16x128x128xf32, #tpu.memory_space<vmem>>, vector<1x128x128xf32>
    %get3A_185 = vector.shape_cast %get3A_184 : vector<1x128x128xf32> to vector<128x128xf32>
    %dot_general3A_186 = arith.constant dense<0.000000e+00> : vector<1000x128xf32>
    %dot_general3A_187 = tpu.matmul %max3A_11, %get3A_185, %dot_general3A_186 {dimension_numbers = #tpu.dot_dimension_numbers<[1], [0], [0], [1], [0, 0, 1, 1], [], []>, transpose_lhs_hint = false} : vector<1000x128xf32>, vector<128x128xf32>, vector<1000x128xf32> -> vector<1000x128xf32>
    %slice3A_188 = vector.extract_strided_slice %get3A_20 {offsets = [7, 0], sizes = [1, 128], strides = [1, 1]} : vector<16x128xf32> to vector<1x128xf32>
    %squeeze3A_189 = vector.shape_cast %slice3A_188 : vector<1x128xf32> to vector<128xf32>
    %broadcast_in_dim3A_190 = vector.shape_cast %squeeze3A_189 : vector<128xf32> to vector<1x128xf32>
    %add3A_191 = vector.broadcast %broadcast_in_dim3A_190 : vector<1x128xf32> to vector<1000x128xf32>
    %add3A_192 = arith.addf %dot_general3A_187, %add3A_191 : vector<1000x128xf32>
    %eq3A_193 = arith.constant 7 : i32
    %eq3A_194 = vector.broadcast %eq3A_193 : i32 to vector<1000x1xi32>
    %eq3A_195 = arith.cmpi eq, %broadcast_in_dim3A, %eq3A_194 : vector<1000x1xi32>
    %jit3A_196 = arith.constant 1.000000e+00 : f32
    %jit3A_197 = arith.constant 0.000000e+00 : f32
    %broadcast_in_dim3A_198 = vector.broadcast %jit3A_196 : f32 to vector<1000x1xf32>
    %broadcast_in_dim3A_199 = vector.broadcast %jit3A_197 : f32 to vector<1000x1xf32>
    %select_n3A_200 = arith.select %eq3A_195, %broadcast_in_dim3A_198, %broadcast_in_dim3A_199 : vector<1000x1xi1>, vector<1000x1xf32>
    %mul3A_201 = vector.broadcast %select_n3A_200 : vector<1000x1xf32> to vector<1000x128xf32>
    %mul3A_202 = arith.mulf %mul3A_201, %add3A_192 : vector<1000x128xf32>
    %add3A_203 = arith.addf %add3A_180, %mul3A_202 : vector<1000x128xf32>
    %get3A_204 = arith.constant 8 : index
    %get3A_205 = arith.constant 0 : index
    %get3A_206 = arith.constant 0 : index
    %get3A_207 = vector.load %arg6[%get3A_204, %get3A_205, %get3A_206] : memref<16x128x128xf32, #tpu.memory_space<vmem>>, vector<1x128x128xf32>
    %get3A_208 = vector.shape_cast %get3A_207 : vector<1x128x128xf32> to vector<128x128xf32>
    %dot_general3A_209 = arith.constant dense<0.000000e+00> : vector<1000x128xf32>
    %dot_general3A_210 = tpu.matmul %max3A_11, %get3A_208, %dot_general3A_209 {dimension_numbers = #tpu.dot_dimension_numbers<[1], [0], [0], [1], [0, 0, 1, 1], [], []>, transpose_lhs_hint = false} : vector<1000x128xf32>, vector<128x128xf32>, vector<1000x128xf32> -> vector<1000x128xf32>
    %slice3A_211 = vector.extract_strided_slice %get3A_20 {offsets = [8, 0], sizes = [1, 128], strides = [1, 1]} : vector<16x128xf32> to vector<1x128xf32>
    %squeeze3A_212 = vector.shape_cast %slice3A_211 : vector<1x128xf32> to vector<128xf32>
    %broadcast_in_dim3A_213 = vector.shape_cast %squeeze3A_212 : vector<128xf32> to vector<1x128xf32>
    %add3A_214 = vector.broadcast %broadcast_in_dim3A_213 : vector<1x128xf32> to vector<1000x128xf32>
    %add3A_215 = arith.addf %dot_general3A_210, %add3A_214 : vector<1000x128xf32>
    %eq3A_216 = arith.constant 8 : i32
    %eq3A_217 = vector.broadcast %eq3A_216 : i32 to vector<1000x1xi32>
    %eq3A_218 = arith.cmpi eq, %broadcast_in_dim3A, %eq3A_217 : vector<1000x1xi32>
    %jit3A_219 = arith.constant 1.000000e+00 : f32
    %jit3A_220 = arith.constant 0.000000e+00 : f32
    %broadcast_in_dim3A_221 = vector.broadcast %jit3A_219 : f32 to vector<1000x1xf32>
    %broadcast_in_dim3A_222 = vector.broadcast %jit3A_220 : f32 to vector<1000x1xf32>
    %select_n3A_223 = arith.select %eq3A_218, %broadcast_in_dim3A_221, %broadcast_in_dim3A_222 : vector<1000x1xi1>, vector<1000x1xf32>
    %mul3A_224 = vector.broadcast %select_n3A_223 : vector<1000x1xf32> to vector<1000x128xf32>
    %mul3A_225 = arith.mulf %mul3A_224, %add3A_215 : vector<1000x128xf32>
    %add3A_226 = arith.addf %add3A_203, %mul3A_225 : vector<1000x128xf32>
    %get3A_227 = arith.constant 9 : index
    %get3A_228 = arith.constant 0 : index
    %get3A_229 = arith.constant 0 : index
    %get3A_230 = vector.load %arg6[%get3A_227, %get3A_228, %get3A_229] : memref<16x128x128xf32, #tpu.memory_space<vmem>>, vector<1x128x128xf32>
    %get3A_231 = vector.shape_cast %get3A_230 : vector<1x128x128xf32> to vector<128x128xf32>
    %dot_general3A_232 = arith.constant dense<0.000000e+00> : vector<1000x128xf32>
    %dot_general3A_233 = tpu.matmul %max3A_11, %get3A_231, %dot_general3A_232 {dimension_numbers = #tpu.dot_dimension_numbers<[1], [0], [0], [1], [0, 0, 1, 1], [], []>, transpose_lhs_hint = false} : vector<1000x128xf32>, vector<128x128xf32>, vector<1000x128xf32> -> vector<1000x128xf32>
    %slice3A_234 = vector.extract_strided_slice %get3A_20 {offsets = [9, 0], sizes = [1, 128], strides = [1, 1]} : vector<16x128xf32> to vector<1x128xf32>
    %squeeze3A_235 = vector.shape_cast %slice3A_234 : vector<1x128xf32> to vector<128xf32>
    %broadcast_in_dim3A_236 = vector.shape_cast %squeeze3A_235 : vector<128xf32> to vector<1x128xf32>
    %add3A_237 = vector.broadcast %broadcast_in_dim3A_236 : vector<1x128xf32> to vector<1000x128xf32>
    %add3A_238 = arith.addf %dot_general3A_233, %add3A_237 : vector<1000x128xf32>
    %eq3A_239 = arith.constant 9 : i32
    %eq3A_240 = vector.broadcast %eq3A_239 : i32 to vector<1000x1xi32>
    %eq3A_241 = arith.cmpi eq, %broadcast_in_dim3A, %eq3A_240 : vector<1000x1xi32>
    %jit3A_242 = arith.constant 1.000000e+00 : f32
    %jit3A_243 = arith.constant 0.000000e+00 : f32
    %broadcast_in_dim3A_244 = vector.broadcast %jit3A_242 : f32 to vector<1000x1xf32>
    %broadcast_in_dim3A_245 = vector.broadcast %jit3A_243 : f32 to vector<1000x1xf32>
    %select_n3A_246 = arith.select %eq3A_241, %broadcast_in_dim3A_244, %broadcast_in_dim3A_245 : vector<1000x1xi1>, vector<1000x1xf32>
    %mul3A_247 = vector.broadcast %select_n3A_246 : vector<1000x1xf32> to vector<1000x128xf32>
    %mul3A_248 = arith.mulf %mul3A_247, %add3A_238 : vector<1000x128xf32>
    %add3A_249 = arith.addf %add3A_226, %mul3A_248 : vector<1000x128xf32>
    %get3A_250 = arith.constant 10 : index
    %get3A_251 = arith.constant 0 : index
    %get3A_252 = arith.constant 0 : index
    %get3A_253 = vector.load %arg6[%get3A_250, %get3A_251, %get3A_252] : memref<16x128x128xf32, #tpu.memory_space<vmem>>, vector<1x128x128xf32>
    %get3A_254 = vector.shape_cast %get3A_253 : vector<1x128x128xf32> to vector<128x128xf32>
    %dot_general3A_255 = arith.constant dense<0.000000e+00> : vector<1000x128xf32>
    %dot_general3A_256 = tpu.matmul %max3A_11, %get3A_254, %dot_general3A_255 {dimension_numbers = #tpu.dot_dimension_numbers<[1], [0], [0], [1], [0, 0, 1, 1], [], []>, transpose_lhs_hint = false} : vector<1000x128xf32>, vector<128x128xf32>, vector<1000x128xf32> -> vector<1000x128xf32>
    %slice3A_257 = vector.extract_strided_slice %get3A_20 {offsets = [10, 0], sizes = [1, 128], strides = [1, 1]} : vector<16x128xf32> to vector<1x128xf32>
    %squeeze3A_258 = vector.shape_cast %slice3A_257 : vector<1x128xf32> to vector<128xf32>
    %broadcast_in_dim3A_259 = vector.shape_cast %squeeze3A_258 : vector<128xf32> to vector<1x128xf32>
    %add3A_260 = vector.broadcast %broadcast_in_dim3A_259 : vector<1x128xf32> to vector<1000x128xf32>
    %add3A_261 = arith.addf %dot_general3A_256, %add3A_260 : vector<1000x128xf32>
    %eq3A_262 = arith.constant 10 : i32
    %eq3A_263 = vector.broadcast %eq3A_262 : i32 to vector<1000x1xi32>
    %eq3A_264 = arith.cmpi eq, %broadcast_in_dim3A, %eq3A_263 : vector<1000x1xi32>
    %jit3A_265 = arith.constant 1.000000e+00 : f32
    %jit3A_266 = arith.constant 0.000000e+00 : f32
    %broadcast_in_dim3A_267 = vector.broadcast %jit3A_265 : f32 to vector<1000x1xf32>
    %broadcast_in_dim3A_268 = vector.broadcast %jit3A_266 : f32 to vector<1000x1xf32>
    %select_n3A_269 = arith.select %eq3A_264, %broadcast_in_dim3A_267, %broadcast_in_dim3A_268 : vector<1000x1xi1>, vector<1000x1xf32>
    %mul3A_270 = vector.broadcast %select_n3A_269 : vector<1000x1xf32> to vector<1000x128xf32>
    %mul3A_271 = arith.mulf %mul3A_270, %add3A_261 : vector<1000x128xf32>
    %add3A_272 = arith.addf %add3A_249, %mul3A_271 : vector<1000x128xf32>
    %get3A_273 = arith.constant 11 : index
    %get3A_274 = arith.constant 0 : index
    %get3A_275 = arith.constant 0 : index
    %get3A_276 = vector.load %arg6[%get3A_273, %get3A_274, %get3A_275] : memref<16x128x128xf32, #tpu.memory_space<vmem>>, vector<1x128x128xf32>
    %get3A_277 = vector.shape_cast %get3A_276 : vector<1x128x128xf32> to vector<128x128xf32>
    %dot_general3A_278 = arith.constant dense<0.000000e+00> : vector<1000x128xf32>
    %dot_general3A_279 = tpu.matmul %max3A_11, %get3A_277, %dot_general3A_278 {dimension_numbers = #tpu.dot_dimension_numbers<[1], [0], [0], [1], [0, 0, 1, 1], [], []>, transpose_lhs_hint = false} : vector<1000x128xf32>, vector<128x128xf32>, vector<1000x128xf32> -> vector<1000x128xf32>
    %slice3A_280 = vector.extract_strided_slice %get3A_20 {offsets = [11, 0], sizes = [1, 128], strides = [1, 1]} : vector<16x128xf32> to vector<1x128xf32>
    %squeeze3A_281 = vector.shape_cast %slice3A_280 : vector<1x128xf32> to vector<128xf32>
    %broadcast_in_dim3A_282 = vector.shape_cast %squeeze3A_281 : vector<128xf32> to vector<1x128xf32>
    %add3A_283 = vector.broadcast %broadcast_in_dim3A_282 : vector<1x128xf32> to vector<1000x128xf32>
    %add3A_284 = arith.addf %dot_general3A_279, %add3A_283 : vector<1000x128xf32>
    %eq3A_285 = arith.constant 11 : i32
    %eq3A_286 = vector.broadcast %eq3A_285 : i32 to vector<1000x1xi32>
    %eq3A_287 = arith.cmpi eq, %broadcast_in_dim3A, %eq3A_286 : vector<1000x1xi32>
    %jit3A_288 = arith.constant 1.000000e+00 : f32
    %jit3A_289 = arith.constant 0.000000e+00 : f32
    %broadcast_in_dim3A_290 = vector.broadcast %jit3A_288 : f32 to vector<1000x1xf32>
    %broadcast_in_dim3A_291 = vector.broadcast %jit3A_289 : f32 to vector<1000x1xf32>
    %select_n3A_292 = arith.select %eq3A_287, %broadcast_in_dim3A_290, %broadcast_in_dim3A_291 : vector<1000x1xi1>, vector<1000x1xf32>
    %mul3A_293 = vector.broadcast %select_n3A_292 : vector<1000x1xf32> to vector<1000x128xf32>
    %mul3A_294 = arith.mulf %mul3A_293, %add3A_284 : vector<1000x128xf32>
    %add3A_295 = arith.addf %add3A_272, %mul3A_294 : vector<1000x128xf32>
    %get3A_296 = arith.constant 12 : index
    %get3A_297 = arith.constant 0 : index
    %get3A_298 = arith.constant 0 : index
    %get3A_299 = vector.load %arg6[%get3A_296, %get3A_297, %get3A_298] : memref<16x128x128xf32, #tpu.memory_space<vmem>>, vector<1x128x128xf32>
    %get3A_300 = vector.shape_cast %get3A_299 : vector<1x128x128xf32> to vector<128x128xf32>
    %dot_general3A_301 = arith.constant dense<0.000000e+00> : vector<1000x128xf32>
    %dot_general3A_302 = tpu.matmul %max3A_11, %get3A_300, %dot_general3A_301 {dimension_numbers = #tpu.dot_dimension_numbers<[1], [0], [0], [1], [0, 0, 1, 1], [], []>, transpose_lhs_hint = false} : vector<1000x128xf32>, vector<128x128xf32>, vector<1000x128xf32> -> vector<1000x128xf32>
    %slice3A_303 = vector.extract_strided_slice %get3A_20 {offsets = [12, 0], sizes = [1, 128], strides = [1, 1]} : vector<16x128xf32> to vector<1x128xf32>
    %squeeze3A_304 = vector.shape_cast %slice3A_303 : vector<1x128xf32> to vector<128xf32>
    %broadcast_in_dim3A_305 = vector.shape_cast %squeeze3A_304 : vector<128xf32> to vector<1x128xf32>
    %add3A_306 = vector.broadcast %broadcast_in_dim3A_305 : vector<1x128xf32> to vector<1000x128xf32>
    %add3A_307 = arith.addf %dot_general3A_302, %add3A_306 : vector<1000x128xf32>
    %eq3A_308 = arith.constant 12 : i32
    %eq3A_309 = vector.broadcast %eq3A_308 : i32 to vector<1000x1xi32>
    %eq3A_310 = arith.cmpi eq, %broadcast_in_dim3A, %eq3A_309 : vector<1000x1xi32>
    %jit3A_311 = arith.constant 1.000000e+00 : f32
    %jit3A_312 = arith.constant 0.000000e+00 : f32
    %broadcast_in_dim3A_313 = vector.broadcast %jit3A_311 : f32 to vector<1000x1xf32>
    %broadcast_in_dim3A_314 = vector.broadcast %jit3A_312 : f32 to vector<1000x1xf32>
    %select_n3A_315 = arith.select %eq3A_310, %broadcast_in_dim3A_313, %broadcast_in_dim3A_314 : vector<1000x1xi1>, vector<1000x1xf32>
    %mul3A_316 = vector.broadcast %select_n3A_315 : vector<1000x1xf32> to vector<1000x128xf32>
    %mul3A_317 = arith.mulf %mul3A_316, %add3A_307 : vector<1000x128xf32>
    %add3A_318 = arith.addf %add3A_295, %mul3A_317 : vector<1000x128xf32>
    %get3A_319 = arith.constant 13 : index
    %get3A_320 = arith.constant 0 : index
    %get3A_321 = arith.constant 0 : index
    %get3A_322 = vector.load %arg6[%get3A_319, %get3A_320, %get3A_321] : memref<16x128x128xf32, #tpu.memory_space<vmem>>, vector<1x128x128xf32>
    %get3A_323 = vector.shape_cast %get3A_322 : vector<1x128x128xf32> to vector<128x128xf32>
    %dot_general3A_324 = arith.constant dense<0.000000e+00> : vector<1000x128xf32>
    %dot_general3A_325 = tpu.matmul %max3A_11, %get3A_323, %dot_general3A_324 {dimension_numbers = #tpu.dot_dimension_numbers<[1], [0], [0], [1], [0, 0, 1, 1], [], []>, transpose_lhs_hint = false} : vector<1000x128xf32>, vector<128x128xf32>, vector<1000x128xf32> -> vector<1000x128xf32>
    %slice3A_326 = vector.extract_strided_slice %get3A_20 {offsets = [13, 0], sizes = [1, 128], strides = [1, 1]} : vector<16x128xf32> to vector<1x128xf32>
    %squeeze3A_327 = vector.shape_cast %slice3A_326 : vector<1x128xf32> to vector<128xf32>
    %broadcast_in_dim3A_328 = vector.shape_cast %squeeze3A_327 : vector<128xf32> to vector<1x128xf32>
    %add3A_329 = vector.broadcast %broadcast_in_dim3A_328 : vector<1x128xf32> to vector<1000x128xf32>
    %add3A_330 = arith.addf %dot_general3A_325, %add3A_329 : vector<1000x128xf32>
    %eq3A_331 = arith.constant 13 : i32
    %eq3A_332 = vector.broadcast %eq3A_331 : i32 to vector<1000x1xi32>
    %eq3A_333 = arith.cmpi eq, %broadcast_in_dim3A, %eq3A_332 : vector<1000x1xi32>
    %jit3A_334 = arith.constant 1.000000e+00 : f32
    %jit3A_335 = arith.constant 0.000000e+00 : f32
    %broadcast_in_dim3A_336 = vector.broadcast %jit3A_334 : f32 to vector<1000x1xf32>
    %broadcast_in_dim3A_337 = vector.broadcast %jit3A_335 : f32 to vector<1000x1xf32>
    %select_n3A_338 = arith.select %eq3A_333, %broadcast_in_dim3A_336, %broadcast_in_dim3A_337 : vector<1000x1xi1>, vector<1000x1xf32>
    %mul3A_339 = vector.broadcast %select_n3A_338 : vector<1000x1xf32> to vector<1000x128xf32>
    %mul3A_340 = arith.mulf %mul3A_339, %add3A_330 : vector<1000x128xf32>
    %add3A_341 = arith.addf %add3A_318, %mul3A_340 : vector<1000x128xf32>
    %get3A_342 = arith.constant 14 : index
    %get3A_343 = arith.constant 0 : index
    %get3A_344 = arith.constant 0 : index
    %get3A_345 = vector.load %arg6[%get3A_342, %get3A_343, %get3A_344] : memref<16x128x128xf32, #tpu.memory_space<vmem>>, vector<1x128x128xf32>
    %get3A_346 = vector.shape_cast %get3A_345 : vector<1x128x128xf32> to vector<128x128xf32>
    %dot_general3A_347 = arith.constant dense<0.000000e+00> : vector<1000x128xf32>
    %dot_general3A_348 = tpu.matmul %max3A_11, %get3A_346, %dot_general3A_347 {dimension_numbers = #tpu.dot_dimension_numbers<[1], [0], [0], [1], [0, 0, 1, 1], [], []>, transpose_lhs_hint = false} : vector<1000x128xf32>, vector<128x128xf32>, vector<1000x128xf32> -> vector<1000x128xf32>
    %slice3A_349 = vector.extract_strided_slice %get3A_20 {offsets = [14, 0], sizes = [1, 128], strides = [1, 1]} : vector<16x128xf32> to vector<1x128xf32>
    %squeeze3A_350 = vector.shape_cast %slice3A_349 : vector<1x128xf32> to vector<128xf32>
    %broadcast_in_dim3A_351 = vector.shape_cast %squeeze3A_350 : vector<128xf32> to vector<1x128xf32>
    %add3A_352 = vector.broadcast %broadcast_in_dim3A_351 : vector<1x128xf32> to vector<1000x128xf32>
    %add3A_353 = arith.addf %dot_general3A_348, %add3A_352 : vector<1000x128xf32>
    %eq3A_354 = arith.constant 14 : i32
    %eq3A_355 = vector.broadcast %eq3A_354 : i32 to vector<1000x1xi32>
    %eq3A_356 = arith.cmpi eq, %broadcast_in_dim3A, %eq3A_355 : vector<1000x1xi32>
    %jit3A_357 = arith.constant 1.000000e+00 : f32
    %jit3A_358 = arith.constant 0.000000e+00 : f32
    %broadcast_in_dim3A_359 = vector.broadcast %jit3A_357 : f32 to vector<1000x1xf32>
    %broadcast_in_dim3A_360 = vector.broadcast %jit3A_358 : f32 to vector<1000x1xf32>
    %select_n3A_361 = arith.select %eq3A_356, %broadcast_in_dim3A_359, %broadcast_in_dim3A_360 : vector<1000x1xi1>, vector<1000x1xf32>
    %mul3A_362 = vector.broadcast %select_n3A_361 : vector<1000x1xf32> to vector<1000x128xf32>
    %mul3A_363 = arith.mulf %mul3A_362, %add3A_353 : vector<1000x128xf32>
    %add3A_364 = arith.addf %add3A_341, %mul3A_363 : vector<1000x128xf32>
    %get3A_365 = arith.constant 15 : index
    %get3A_366 = arith.constant 0 : index
    %get3A_367 = arith.constant 0 : index
    %get3A_368 = vector.load %arg6[%get3A_365, %get3A_366, %get3A_367] : memref<16x128x128xf32, #tpu.memory_space<vmem>>, vector<1x128x128xf32>
    %get3A_369 = vector.shape_cast %get3A_368 : vector<1x128x128xf32> to vector<128x128xf32>
    %dot_general3A_370 = arith.constant dense<0.000000e+00> : vector<1000x128xf32>
    %dot_general3A_371 = tpu.matmul %max3A_11, %get3A_369, %dot_general3A_370 {dimension_numbers = #tpu.dot_dimension_numbers<[1], [0], [0], [1], [0, 0, 1, 1], [], []>, transpose_lhs_hint = false} : vector<1000x128xf32>, vector<128x128xf32>, vector<1000x128xf32> -> vector<1000x128xf32>
    %slice3A_372 = vector.extract_strided_slice %get3A_20 {offsets = [15, 0], sizes = [1, 128], strides = [1, 1]} : vector<16x128xf32> to vector<1x128xf32>
    %squeeze3A_373 = vector.shape_cast %slice3A_372 : vector<1x128xf32> to vector<128xf32>
    %broadcast_in_dim3A_374 = vector.shape_cast %squeeze3A_373 : vector<128xf32> to vector<1x128xf32>
    %add3A_375 = vector.broadcast %broadcast_in_dim3A_374 : vector<1x128xf32> to vector<1000x128xf32>
    %add3A_376 = arith.addf %dot_general3A_371, %add3A_375 : vector<1000x128xf32>
    %eq3A_377 = arith.constant 15 : i32
    %eq3A_378 = vector.broadcast %eq3A_377 : i32 to vector<1000x1xi32>
    %eq3A_379 = arith.cmpi eq, %broadcast_in_dim3A, %eq3A_378 : vector<1000x1xi32>
    %jit3A_380 = arith.constant 1.000000e+00 : f32
    %jit3A_381 = arith.constant 0.000000e+00 : f32
    %broadcast_in_dim3A_382 = vector.broadcast %jit3A_380 : f32 to vector<1000x1xf32>
    %broadcast_in_dim3A_383 = vector.broadcast %jit3A_381 : f32 to vector<1000x1xf32>
    %select_n3A_384 = arith.select %eq3A_379, %broadcast_in_dim3A_382, %broadcast_in_dim3A_383 : vector<1000x1xi1>, vector<1000x1xf32>
    %mul3A_385 = vector.broadcast %select_n3A_384 : vector<1000x1xf32> to vector<1000x128xf32>
    %mul3A_386 = arith.mulf %mul3A_385, %add3A_376 : vector<1000x128xf32>
    %add3A_387 = arith.addf %add3A_364, %mul3A_386 : vector<1000x128xf32>
    %reduce_sum3A = arith.constant dense<0.000000e+00> : vector<1000xf32>
    %reduce_sum3A_388 = vector.multi_reduction <add>, %add3A_23, %reduce_sum3A [1] : vector<1000x16xf32> to vector<1000xf32>
    %broadcast_in_dim3A_389 = vector.shape_cast %reduce_sum3A_388 : vector<1000xf32> to vector<1000x1xf32>
    %div3A = arith.constant 1.600000e+01 : f32
    %div3A_390 = vector.broadcast %div3A : f32 to vector<1000x1xf32>
    %div3A_391 = arith.divf %broadcast_in_dim3A_389, %div3A_390 : vector<1000x1xf32>
    %sub3A = vector.broadcast %div3A_391 : vector<1000x1xf32> to vector<1000x16xf32>
    %sub3A_392 = arith.subf %add3A_23, %sub3A : vector<1000x16xf32>
    %mul3A_393 = arith.mulf %sub3A_392, %sub3A_392 : vector<1000x16xf32>
    %reduce_sum3A_394 = arith.constant dense<0.000000e+00> : vector<1000xf32>
    %reduce_sum3A_395 = vector.multi_reduction <add>, %mul3A_393, %reduce_sum3A_394 [1] : vector<1000x16xf32> to vector<1000xf32>
    %broadcast_in_dim3A_396 = vector.shape_cast %reduce_sum3A_395 : vector<1000xf32> to vector<1000x1xf32>
    %div3A_397 = arith.constant 1.500000e+01 : f32
    %div3A_398 = vector.broadcast %div3A_397 : f32 to vector<1000x1xf32>
    %div3A_399 = arith.divf %broadcast_in_dim3A_396, %div3A_398 : vector<1000x1xf32>
    %sqrt3A = math.sqrt %div3A_399 : vector<1000x1xf32>
    %reduce_sum3A_400 = vector.shape_cast %sqrt3A : vector<1000x1xf32> to vector<1x1000x1xf32>
    %reduce_sum3A_401 = arith.constant dense<0.000000e+00> : vector<1xf32>
    %reduce_sum3A_402 = vector.multi_reduction <add>, %reduce_sum3A_400, %reduce_sum3A_401 [1, 2] : vector<1x1000x1xf32> to vector<1xf32>
    %reduce_sum3A_403 = vector.shape_cast %reduce_sum3A_402 : vector<1xf32> to vector<1x1x1xf32>
    %reduce_sum3A_404 = vector.extract %reduce_sum3A_403[0, 0, 0] : f32 from vector<1x1x1xf32>
    %swap3A = arith.constant 0 : index
    %swap3A_405 = arith.constant 0 : index
    %swap3A_406 = vector.load %arg8[%swap3A, %swap3A_405] : memref<1000x128xf32, #tpu.memory_space<vmem>>, vector<1000x128xf32>
    tpu.vector_store %arg8[%swap3A, %swap3A_405], %add3A_387 {strides = array<i32>} : memref<1000x128xf32, #tpu.memory_space<vmem>>, vector<1000x128xf32>,
    %broadcast_in_dim3A_407 = vector.broadcast %reduce_sum3A_404 : f32 to vector<1x1xf32>
    %eq3A_408 = arith.constant 0 : i32
    %eq3A_409 = arith.cmpi eq, %arg0, %eq3A_408 : i32
    %convert_element_type3A = arith.extui %eq3A_409 : i1 to i32
    %cond3A = arith.constant 0 : i32
    %cond3A_410 = arith.cmpi ne, %convert_element_type3A, %cond3A : i32
    scf.if %cond3A_410 {
      %swap3A_415 = arith.constant 0 : index
      %swap3A_416 = arith.constant 0 : index
      %swap3A_417 = vector.load %arg9[%swap3A_415, %swap3A_416] : memref<1x1xf32, #tpu.memory_space<vmem>>, vector<1x1xf32>
      tpu.vector_store %arg9[%swap3A_415, %swap3A_416], %broadcast_in_dim3A_407 {strides = array<i32>} : memref<1x1xf32, #tpu.memory_space<vmem>>, vector<1x1xf32>,
    } else {
    }
    %gt3A = arith.constant 0 : i32
    %gt3A_411 = arith.cmpi sgt, %arg0, %gt3A : i32
    %convert_element_type3A_412 = arith.extui %gt3A_411 : i1 to i32
    %cond3A_413 = arith.constant 0 : i32
    %cond3A_414 = arith.cmpi ne, %convert_element_type3A_412, %cond3A_413 : i32
    scf.if %cond3A_414 {
      %get3A_415 = arith.constant 0 : index
      %get3A_416 = arith.constant 0 : index
      %get3A_417 = vector.load %arg9[%get3A_415, %get3A_416] : memref<1x1xf32, #tpu.memory_space<vmem>>, vector<1x1xf32>
      %add3A_418 = arith.addf %get3A_417, %broadcast_in_dim3A_407 : vector<1x1xf32>
      %swap3A_419 = arith.constant 0 : index
      %swap3A_420 = arith.constant 0 : index
      %swap3A_421 = vector.load %arg9[%swap3A_419, %swap3A_420] : memref<1x1xf32, #tpu.memory_space<vmem>>, vector<1x1xf32>
      tpu.vector_store %arg9[%swap3A_419, %swap3A_420], %add3A_418 {strides = array<i32>} : memref<1x1xf32, #tpu.memory_space<vmem>>, vector<1x1xf32>,
    } else {
    }
    return
  }
  func.func @transform_0(%arg0: i32) -> (i32, i32) {
    %c0_i32 = arith.constant 0 : i32
    %c0_i32_0 = arith.constant 0 : i32
    return %arg0, %c0_i32 : i32, i32
  }
  func.func @transform_1(%arg0: i32) -> (i32, i32) {
    %c0_i32 = arith.constant 0 : i32
    %c0_i32_0 = arith.constant 0 : i32
    return %arg0, %c0_i32 : i32, i32
  }
  func.func @transform_2(%arg0: i32) -> (i32, i32) {
    %c0_i32 = arith.constant 0 : i32
    %c0_i32_0 = arith.constant 0 : i32
    %c0_i32_1 = arith.constant 0 : i32
    return %c0_i32, %c0_i32_0 : i32, i32
  }
  func.func @transform_3(%arg0: i32) -> (i32, i32) {
    %c0_i32 = arith.constant 0 : i32
    %c0_i32_0 = arith.constant 0 : i32
    %c0_i32_1 = arith.constant 0 : i32
    return %c0_i32, %c0_i32_0 : i32, i32
  }
  func.func @transform_4(%arg0: i32) -> (i32, i32) {
    %c0_i32 = arith.constant 0 : i32
    %c0_i32_0 = arith.constant 0 : i32
    %c0_i32_1 = arith.constant 0 : i32
    return %c0_i32, %c0_i32_0 : i32, i32
  }
  func.func @transform_5(%arg0: i32) -> (i32, i32, i32) {
    %c0_i32 = arith.constant 0 : i32
    %c0_i32_0 = arith.constant 0 : i32
    %c0_i32_1 = arith.constant 0 : i32
    %c0_i32_2 = arith.constant 0 : i32
    return %c0_i32, %c0_i32_0, %c0_i32_1 : i32, i32, i32
  }
  func.func @transform_6(%arg0: i32) -> (i32, i32) {
    %c0_i32 = arith.constant 0 : i32
    %c0_i32_0 = arith.constant 0 : i32
    %c0_i32_1 = arith.constant 0 : i32
    return %c0_i32, %c0_i32_0 : i32, i32
  }
  func.func @transform_7(%arg0: i32) -> (i32, i32) {
    %c0_i32 = arith.constant 0 : i32
    %c0_i32_0 = arith.constant 0 : i32
    return %arg0, %c0_i32 : i32, i32
  }
  func.func @transform_8(%arg0: i32) -> (i32, i32) {
    %c0_i32 = arith.constant 0 : i32
    %c0_i32_0 = arith.constant 0 : i32
    %c0_i32_1 = arith.constant 0 : i32
    return %c0_i32, %c0_i32_0 : i32, i32
  }
}

module attributes {stable_mosaic.version = 14 : i64} {
  func.func @_final_mm_body(%arg0: i32, %arg1: memref<1000x128xf32, #tpu.memory_space<vmem>>, %arg2: memref<1000x128xf32, #tpu.memory_space<vmem>>, %arg3: memref<1x128xf32, #tpu.memory_space<vmem>>, %arg4: memref<128x128xf32, #tpu.memory_space<vmem>>, %arg5: memref<1000x128xf32, #tpu.memory_space<vmem>>) attributes {dimension_semantics = [#tpu.dimension_semantics<arbitrary>], iteration_bounds = array<i64: 10>, scalar_prefetch = 0 : i64, scratch_operands = 0 : i64, tpu.core_type = #tpu.core_type<tc>, window_params = [{transform_indices = @transform_0, window_bounds = array<i64: 1000, 128>}, {transform_indices = @transform_1, window_bounds = array<i64: 1000, 128>}, {pipeline_mode = #tpu.pipeline_mode<synchronous>, transform_indices = @transform_2, window_bounds = array<i64: 1, 128>}, {pipeline_mode = #tpu.pipeline_mode<synchronous>, transform_indices = @transform_3, window_bounds = array<i64: 128, 128>}, {transform_indices = @transform_4, window_bounds = array<i64: 1000, 128>}]} {
    %get3A = arith.constant 0 : index
    %get3A_0 = arith.constant 0 : index
    %get3A_1 = vector.load %arg1[%get3A, %get3A_0] : memref<1000x128xf32, #tpu.memory_space<vmem>>, vector<1000x128xf32>
    %get3A_2 = arith.constant 0 : index
    %get3A_3 = arith.constant 0 : index
    %get3A_4 = vector.load %arg2[%get3A_2, %get3A_3] : memref<1000x128xf32, #tpu.memory_space<vmem>>, vector<1000x128xf32>
    %add3A = arith.addf %get3A_1, %get3A_4 : vector<1000x128xf32>
    %get3A_5 = arith.constant 0 : index
    %get3A_6 = arith.constant 0 : index
    %get3A_7 = vector.load %arg3[%get3A_5, %get3A_6] : memref<1x128xf32, #tpu.memory_space<vmem>>, vector<1x128xf32>
    %add3A_8 = vector.broadcast %get3A_7 : vector<1x128xf32> to vector<1000x128xf32>
    %add3A_9 = arith.addf %add3A, %add3A_8 : vector<1000x128xf32>
    %max3A = arith.constant 0.000000e+00 : f32
    %max3A_10 = vector.broadcast %max3A : f32 to vector<1000x128xf32>
    %max3A_11 = arith.maximumf %add3A_9, %max3A_10 : vector<1000x128xf32>
    %get3A_12 = arith.constant 0 : index
    %get3A_13 = arith.constant 0 : index
    %get3A_14 = vector.load %arg4[%get3A_12, %get3A_13] : memref<128x128xf32, #tpu.memory_space<vmem>>, vector<128x128xf32>
    %dot_general3A = arith.constant dense<0.000000e+00> : vector<1000x128xf32>
    %dot_general3A_15 = tpu.matmul %max3A_11, %get3A_14, %dot_general3A {dimension_numbers = #tpu.dot_dimension_numbers<[1], [0], [0], [1], [0, 0, 1, 1], [], []>, transpose_lhs_hint = false} : vector<1000x128xf32>, vector<128x128xf32>, vector<1000x128xf32> -> vector<1000x128xf32>
    %swap3A = arith.constant 0 : index
    %swap3A_16 = arith.constant 0 : index
    %swap3A_17 = vector.load %arg5[%swap3A, %swap3A_16] : memref<1000x128xf32, #tpu.memory_space<vmem>>, vector<1000x128xf32>
    tpu.vector_store %arg5[%swap3A, %swap3A_16], %dot_general3A_15 {strides = array<i32>} : memref<1000x128xf32, #tpu.memory_space<vmem>>, vector<1000x128xf32>,
    return
  }
  func.func @transform_0(%arg0: i32) -> (i32, i32) {
    %c0_i32 = arith.constant 0 : i32
    %c0_i32_0 = arith.constant 0 : i32
    return %arg0, %c0_i32 : i32, i32
  }
  func.func @transform_1(%arg0: i32) -> (i32, i32) {
    %c0_i32 = arith.constant 0 : i32
    %c0_i32_0 = arith.constant 0 : i32
    return %arg0, %c0_i32 : i32, i32
  }
  func.func @transform_2(%arg0: i32) -> (i32, i32) {
    %c0_i32 = arith.constant 0 : i32
    %c0_i32_0 = arith.constant 0 : i32
    %c0_i32_1 = arith.constant 0 : i32
    return %c0_i32, %c0_i32_0 : i32, i32
  }
  func.func @transform_3(%arg0: i32) -> (i32, i32) {
    %c0_i32 = arith.constant 0 : i32
    %c0_i32_0 = arith.constant 0 : i32
    %c0_i32_1 = arith.constant 0 : i32
    return %c0_i32, %c0_i32_0 : i32, i32
  }
  func.func @transform_4(%arg0: i32) -> (i32, i32) {
    %c0_i32 = arith.constant 0 : i32
    %c0_i32_0 = arith.constant 0 : i32
    return %arg0, %c0_i32 : i32, i32
  }
}

module attributes {stable_mosaic.version = 14 : i64} {
  func.func @_combine_body(%arg0: i32, %arg1: memref<1000x128xf32, #tpu.memory_space<vmem>>, %arg2: memref<1000x128xf32, #tpu.memory_space<vmem>>, %arg3: memref<1x128xf32, #tpu.memory_space<vmem>>, %arg4: memref<1000x128xf32, #tpu.memory_space<vmem>>) attributes {dimension_semantics = [#tpu.dimension_semantics<arbitrary>], iteration_bounds = array<i64: 10>, scalar_prefetch = 0 : i64, scratch_operands = 0 : i64, tpu.core_type = #tpu.core_type<tc>, window_params = [{transform_indices = @transform_0, window_bounds = array<i64: 1000, 128>}, {transform_indices = @transform_1, window_bounds = array<i64: 1000, 128>}, {pipeline_mode = #tpu.pipeline_mode<synchronous>, transform_indices = @transform_2, window_bounds = array<i64: 1, 128>}, {transform_indices = @transform_3, window_bounds = array<i64: 1000, 128>}]} {
    %get3A = arith.constant 0 : index
    %get3A_0 = arith.constant 0 : index
    %get3A_1 = vector.load %arg1[%get3A, %get3A_0] : memref<1000x128xf32, #tpu.memory_space<vmem>>, vector<1000x128xf32>
    %get3A_2 = arith.constant 0 : index
    %get3A_3 = arith.constant 0 : index
    %get3A_4 = vector.load %arg2[%get3A_2, %get3A_3] : memref<1000x128xf32, #tpu.memory_space<vmem>>, vector<1000x128xf32>
    %add3A = arith.addf %get3A_1, %get3A_4 : vector<1000x128xf32>
    %get3A_5 = arith.constant 0 : index
    %get3A_6 = arith.constant 0 : index
    %get3A_7 = vector.load %arg3[%get3A_5, %get3A_6] : memref<1x128xf32, #tpu.memory_space<vmem>>, vector<1x128xf32>
    %add3A_8 = vector.broadcast %get3A_7 : vector<1x128xf32> to vector<1000x128xf32>
    %add3A_9 = arith.addf %add3A, %add3A_8 : vector<1000x128xf32>
    %swap3A = arith.constant 0 : index
    %swap3A_10 = arith.constant 0 : index
    %swap3A_11 = vector.load %arg4[%swap3A, %swap3A_10] : memref<1000x128xf32, #tpu.memory_space<vmem>>, vector<1000x128xf32>
    tpu.vector_store %arg4[%swap3A, %swap3A_10], %add3A_9 {strides = array<i32>} : memref<1000x128xf32, #tpu.memory_space<vmem>>, vector<1000x128xf32>,
    return
  }
  func.func @transform_0(%arg0: i32) -> (i32, i32) {
    %c0_i32 = arith.constant 0 : i32
    %c0_i32_0 = arith.constant 0 : i32
    return %arg0, %c0_i32 : i32, i32
  }
  func.func @transform_1(%arg0: i32) -> (i32, i32) {
    %c0_i32 = arith.constant 0 : i32
    %c0_i32_0 = arith.constant 0 : i32
    return %arg0, %c0_i32 : i32, i32
  }
  func.func @transform_2(%arg0: i32) -> (i32, i32) {
    %c0_i32 = arith.constant 0 : i32
    %c0_i32_0 = arith.constant 0 : i32
    %c0_i32_1 = arith.constant 0 : i32
    return %c0_i32, %c0_i32_0 : i32, i32
  }
  func.func @transform_3(%arg0: i32) -> (i32, i32) {
    %c0_i32 = arith.constant 0 : i32
    %c0_i32_0 = arith.constant 0 : i32
    return %arg0, %c0_i32 : i32, i32
  }
}

</mosaic_0001>

<sc_bundles>
// kernel: kernel.12.cloned.1.call-start
scs
__scs_entry_jumppad:
0x0: {  	(pc) =	sbr.rel $0x88, $3  }
0x1: {  	(tag) =	ssettag $0x0;
	lr =	simm.s32 $0x1  }
0x2: {  	[smem:$0x3F93] =	sst lr;
	_ =	strace $0xD0000000  }
0x3: {  	_ = 	snop  }
0x4: {  	_ = 	snop  }
0x5: {  	_ = 	snop  }
0x6: {  	_ = 	snop  }
0x7: {  	_ = 	snop  }
__scs_overlays_trampoline_lowered:
0x8: {  	[smem:$0x3FA2] =	sst s0  }
0x9: {  	[smem:$0x3FA3] =	sst s1  }
0xa: {  	[smem:$0x3FA4] =	sst s2  }
0xb: {  	[smem:$0x3FA5] =	sst s3  }
0xc: {  	[smem:$0x3FA6] =	sst s4  }
0xd: {  	[smem:$0x3FA7] =	sst s5  }
0xe: {  	[smem:$0x3FA8] =	sst s6  }
0xf: {  	[smem:$0x3FA9] =	sst s7  }
0x10: {  	[smem:$0x3FAA] =	sst s8  }
0x11: {  	[smem:$0x3FAB] =	sst s9;
	s0 =	simm.s32 @!p0 $0x0  }
0x12: {  	s1 =	sld [smem:$0x3F91];
	s0 =	simm.s32 @p0 $0x1  }
0x13: {  	[smem:$0x3FAC] =	sst s0;
	s0 =	simm.s32 @!p1 $0x0  }
0x14: {  	s2 =	sld [smem:$0x3F90];
	s0 =	simm.s32 @p1 $0x1  }
0x15: {  	[smem:$0x3FAD] =	sst s0;
	s0 =	simm.s32 @!p2 $0x0  }
0x16: {  	s3 =	sld [smem:$0x3FDB];
	s0 =	simm.s32 @p2 $0x1  }
0x17: {  	s4 =	simm.s32 $0x1BF5;
	[smem:$0x3FAF] =	sst s0  }
0x18: {  	s0 =	sld [smem:$0x3F92];
	_ =	swait.ge [sflag:s4], $0x0  }
0x19: {  	s7 =	sld [smem:$0x3F93]  }
0x1a: {  	s8 =	sadd.s32 $0xFFFFE003, lr  }
0x1b: {  	s9 =	sadd.s32 $0xFFFFFEF7, lr;
	s5 =	simm.s32 $0xFFFFFFFF;
	p2 =	slt.u32 s8, $0xFFFFF086  }
0x1c: {  	p1 =	slt.u32 s9, $0xF7A;
	s5 =	simm.s32 @!p2 $0x0  }
0x1d: {  	s5 =	simm.s32 @p1 $0x1;
	p0 =	seq.s32 s7, s2  }
0x1e: {  	s7 =	smul.u32 @!p0 $0xF7A, s2;
	p2 =	seq.s32 @!p0 s5, $0x0  }
0x1f: {  	s9 =	smul.u32 $0xF7A, s1;
	s8 =	simm.s32 @!p0 $0x1BF5;
	p2 =	por !p2, p0  }
0x20: {  	[sflag:s8] =	ssyncset.s32 @!p0 $0xFFFFF086;
	s6 =	sadd.s32 @!p0 s3, s7;
	s7 =	simm.s32 @!p0 $0x108  }
0x21: {  	s3 =	sadd.s32 s3, s9;
	s6 =	sadd.s32 @!p0 $0x88, s6;
	s7 =	simm.s32 @p2 $0x1082  }
0x22: {  	[simem:s7], [sflag:s8] =	dma.local @!p0 [hbm:s6], $0xF7A  }
0x23: {  	s9 =	sor.u32 $0xD0000000, s2;
	s6 =	simm.s32 $0x108;
	_ =	swait.ge @!p0 [sflag:s8], $0x0  }
0x24: {  	s3 =	sadd.s32 $0x88, s3;
	s6 =	simm.s32 @!p1 $0x1082;
	[sflag:s4] =	ssyncset.s32 $0xFFFFF086  }
0x25: {  	[simem:s6], [sflag:s4] =	dma.local [hbm:s3], $0xF7A  }
0x26: {  	[smem:$0x3F93] =	sst s1;
	(tag) =	ssettag s2;
	_ =	strace s9  }
0x27: {  	s1 =	sld [smem:$0x3FA3]  }
0x28: {  	s2 =	sld [smem:$0x3FA4]  }
0x29: {  	s4 =	sld [smem:$0x3FA6]  }
0x2a: {  	p0 =	seq.s32 s5, $0x0;
	s5 =	sld [smem:$0x3FA7]  }
0x2b: {  	s6 =	sld [smem:$0x3FA8]  }
0x2c: {  	s7 =	sld [smem:$0x3FA9]  }
0x2d: {  	s3 =	simm.s32 $0x108;
	s8 =	sld [smem:$0x3FAA]  }
0x2e: {  	s3 =	simm.s32 @!p0 $0x1082;
	s9 =	sld [smem:$0x3FAB]  }
0x2f: {  	lr =	sadd.s32 s0, s3;
	s0 =	sld [smem:$0x3FA2]  }
0x30: {  	s3 =	sld [smem:$0x3FA5]  }
0x31: {  	[smem:$0x3FAE] =	sst s10  }
0x32: {  	s10 =	sld [smem:$0x3FAC];
	_ =	sdelay $0x3  }
0x33: {  	p0 =	seq.s32 s10, $0x1;
	s10 =	sld [smem:$0x3FAE];
	_ =	sdelay $0x3  }
0x34: {  	[smem:$0x3FAE] =	sst s10  }
0x35: {  	s10 =	sld [smem:$0x3FAD];
	_ =	sdelay $0x3  }
0x36: {  	p1 =	seq.s32 s10, $0x1;
	s10 =	sld [smem:$0x3FAE];
	_ =	sdelay $0x3  }
0x37: {  	[smem:$0x3FAE] =	sst s10  }
0x38: {  	s10 =	sld [smem:$0x3FAF]  }
0x39: {  	_ = 	snop;
	(pc) =	sbr.ind lr, $3  }
0x3a: {  	_ = 	snop  }
0x3b: {  	_ = 	snop  }
0x3c: {  	p2 =	seq.s32 s10, $0x1;
	s10 =	sld [smem:$0x3FAE]  }
0x3d: {  	_ =	shalt  }
0x3e: {  	_ =	shalt  }
0x3f: {  	_ =	shalt  }
0x40: {  	_ =	shalt  }
0x41: {  	_ =	shalt  }
0x42: {  	_ =	shalt  }
0x43: {  	_ =	shalt  }
0x44: {  	_ =	shalt  }
0x45: {  	_ =	shalt  }
0x46: {  	_ =	shalt  }
0x47: {  	_ =	shalt  }
0x48: {  	_ =	shalt  }
0x49: {  	_ =	shalt  }
0x4a: {  	_ =	shalt  }
0x4b: {  	_ =	shalt  }
0x4c: {  	_ =	shalt  }
0x4d: {  	_ =	shalt  }
0x4e: {  	_ =	shalt  }
0x4f: {  	_ =	shalt  }
0x50: {  	_ =	shalt  }
0x51: {  	_ =	shalt  }
0x52: {  	_ =	shalt  }
0x53: {  	_ =	shalt  }
0x54: {  	_ =	shalt  }
0x55: {  	_ =	shalt  }
0x56: {  	_ =	shalt  }
0x57: {  	_ =	shalt  }
0x58: {  	_ =	shalt  }
0x59: {  	_ =	shalt  }
0x5a: {  	_ =	shalt  }
0x5b: {  	_ =	shalt  }
0x5c: {  	_ =	shalt  }
0x5d: {  	_ =	shalt  }
0x5e: {  	_ =	shalt  }
0x5f: {  	_ =	shalt  }
0x60: {  	_ =	shalt  }
0x61: {  	_ =	shalt  }
0x62: {  	_ =	shalt  }
0x63: {  	_ =	shalt  }
0x64: {  	_ =	shalt  }
0x65: {  	_ =	shalt  }
0x66: {  	_ =	shalt  }
0x67: {  	_ =	shalt  }
0x68: {  	_ =	shalt  }
0x69: {  	_ =	shalt  }
0x6a: {  	_ =	shalt  }
0x6b: {  	_ =	shalt  }
0x6c: {  	_ =	shalt  }
0x6d: {  	_ =	shalt  }
0x6e: {  	_ =	shalt  }
0x6f: {  	_ =	shalt  }
0x70: {  	_ =	shalt  }
0x71: {  	_ =	shalt  }
0x72: {  	_ =	shalt  }
0x73: {  	_ =	shalt  }
0x74: {  	_ =	shalt  }
0x75: {  	_ =	shalt  }
0x76: {  	_ =	shalt  }
0x77: {  	_ =	shalt  }
0x78: {  	_ =	shalt  }
0x79: {  	_ =	shalt  }
0x7a: {  	_ =	shalt  }
0x7b: {  	_ =	shalt  }
0x7c: {  	_ =	shalt  }
0x7d: {  	_ =	shalt  }
0x7e: {  	_ =	shalt  }
0x7f: {  	_ =	shalt  }
0x80: {  	_ =	shalt  }
0x81: {  	_ =	shalt  }
0x82: {  	_ =	shalt  }
0x83: {  	_ =	shalt  }
0x84: {  	_ =	shalt  }
0x85: {  	_ =	shalt  }
0x86: {  	_ =	shalt  }
0x87: {  	_ =	shalt  }
.Lfunc_end0:
.L_simem_size_0:
called_computation.1_lowered:
.L_overlay_start_0:
0x88: {  	s2 =	sld [smem:$0x3FD9]  }
0x89: {  	s3 =	sld [smem:$0x3FFE];
	_ =	sdelay $0x1  }
0x8a: {  	s1 =	srdreg.scid  }
0x8b: {  	s0 =	sand.u32 $0x1, s1  }
0x8c: {  	s14 =	sshll.u32 s0, $0xA;
	s2 =	sadd.s32 s3, s2  }
0x8d: {  	s2 =	sadd.s32 s2, s14  }
0x8e: {  	[smem:$0x3FBA] =	sst s2  }
0x8f: {  	_ = 	snop  }
0x90: {  	s2 =	sld [smem:$0x3FD0];
	_ =	sdelay $0x2  }
0x91: {  	s15 =	simm.s32 $0xA;
	s4 =	simm.s32 $0x10  }
0x92: {  	[smem:s4], [sflag:s15] =	dma.local [hbm:s2], $0x1  }
0x93: {  	_ =	swait.eq [sflag:s15], $0x1  }
0x94: {  	[sflag:s15] =	ssyncset.done $0x0  }
0x95: {  	[sflag:s15] =	ssyncadd.s32 $0xFFFFFFFF  }
0x96: {  	s16 =	sld [smem:$0x10];
	(tm) =	ssettm $0x1  }
0x97: {  	s17 =	sld [smem:$0x3FFB];
	_ =	sdelay $0x3  }
0x98: {  	_ =	strace s17  }
0x99: {  	s3 =	sld [smem:$0x3FFC];
	_ =	sdelay $0x3  }
0x9a: {  	_ =	strace s3  }
0x9b: {  	s3 =	sld [smem:$0x3FFD];
	_ =	sdelay $0x3  }
0x9c: {  	_ =	strace s3  }
0x9d: {  	_ =	strace $0x8FFFFFFF  }
0x9e: {  	s18 =	sld [smem:$0x3FDB];
	_ =	sdelay $0x1  }
0x9f: {  	s19 =	simm.s32 $_scs_section_size  }
0xa0: {  	s5 =	simm.s32 $_size__tile_overlayer_lowered;
	s6 =	simm.s32 $_tile_overlayer_lowered  }
0xa1: {  	s22 =	simm.s32 $0x1BFF;
	s21 =	sshll.u32 s6, $0x1;
	s3 =	sadd.s32 s19, s18  }
0xa2: {  	s7 =	simm.s32 $0x0;
	s20 =	sshll.u32 s5, $0x1;
	s5 =	sadd.s32 s21, s3  }
0xa3: {  	[timem:s7], [sflag:s22] =	dma.local [hbm:s5], s20  }
0xa4: {  	_ =	swait.ge [sflag:s22], s20  }
0xa5: {  	s4 =	ssub.s32 $0x0, s20;
	[sflag:s22] =	ssyncset.done $0x0  }
0xa6: {  	[sflag:s22] =	ssyncadd.s32 s4;
	_ =	sdelay $0x1  }
0xa7: {  	s23 =	simm.s32 $0x1B8B  }
0xa8: {  	_ =	swait.ge [sflag:s23], $0x1  }
0xa9: {  	[sflag:s23] =	ssyncset.done $0x0  }
0xaa: {  	s25 =	simm.s32 $0x1B8E;
	s24 =	sld [smem:$0x3FFE];
	[sflag:s23] =	ssyncadd.s32 $0xFFFFFFFF  }
0xab: {  	s26 =	simm.s32 $execute0_lowered;
	[smem:$0x3FD2] =	sst s25  }
0xac: {  	s5 =	sshll.u32 s26, $0x1;
	_ =	strace $0x80000049;
	[dreg:$0x1] =	wrdreg $0xFFFFFFFF  }
0xad: {  	s28 =	simm.s32 $_size_execute0_lowered;
	s3 =	sadd.s32 s3, s5;
	[dreg:$0x0] =	wrdreg $0x0  }
0xae: {  	s5 =	sshll.u32 s28, $0x1;
	[dreg:$0x2] =	wrdreg s3  }
0xaf: {  	[dreg:$0x3] =	wrdreg s5  }
0xb0: {  	[dreg:$0x4] =	wrdreg $0xC0  }
0xb1: {  	_ =	task [dreg:s7], $0x5FFFF  }
0xb2: {  	[dreg:$0x1] =	wrdreg $0xFFFFFFFF  }
0xb3: {  	[dreg:$0x0] =	wrdreg $0x60  }
0xb4: {  	[dreg:$0x2] =	wrdreg s16  }
0xb5: {  	[dreg:$0x3] =	wrdreg s24  }
0xb6: {  	[dreg:$0x4] =	wrdreg $0x4A000  }
0xb7: {  	[dreg:$0x5] =	wrdreg $0x9  }
0xb8: {  	_ =	task.clear_ibuf [dreg:s7], $0x6FFFF;
	_ =	strace $0x90000049  }
0xb9: {  	s29 =	simm.s32 $0x9;
	_ =	strace $0x8000004B  }
0xba: {  	_ =	swait.ge [sflag:s29], $0x1  }
0xbb: {  	[sflag:s29] =	ssyncadd.s32 $0xFFFFFFFF  }
0xbc: {  	_ =	strace $0x9000004B  }
0xbd: {  	_ =	sfence  }
0xbe: {  	s30 =	sld [smem:$0x0];
	_ =	sdelay $0x2  }
0xbf: {  	s31 =	sshll.u32 s1, $0xD;
	s1 =	sshrl.u32 s1, $0x2  }
0xc0: {  	s3 =	sand.u32 $0x4000, s31;
	s1 =	sadd.s32 s1, s30  }
0xc1: {  	s0 =	sor.u32 s3, s0;
	s1 =	sshll.u32 s1, $0x11  }
0xc2: {  	s0 =	sor.u32 s1, s0  }
0xc3: {  	s0 =	sadd.s32 $0x8F2B, s0  }
0xc4: {  	[sflag:s0] =	ssyncadd.remote.s32 $0x1  }
0xc5: {  	_ =	sfence.sel $0xFFFF  }
0xc6: {  	[dreg:$0x0] =	wrdreg $0xFFFFFFFF;
	(pc) =	sbr.abs _section_cstart, $3  }
0xc7: {  	[dreg:$0x1] =	wrdreg $0xFFFFFFFF  }
0xc8: {  	_ =	task.clear_ibuf [dreg:s7], $0x2FFFF;
	_ =	strace $0x9FFFFFFF  }
0xc9: {  	(tm) =	ssettm $0x7FFFFFFF  }
tec
execute0_lowered:
.L_overlay_start_1:
0x0: {  	(tag) =	ssettag $0x1  }
0x1: {  	s1 =	rddreg [dreg:$0x0]  }
0x2: {  	s6 =	rddreg [dreg:$0x1]  }
0x3: {  	s3 =	rddreg [dreg:$0x2]  }
0x4: {  	s0 =	rddreg [dreg:$0x3]  }
0x5: {  	s4 =	simm.s32 $0x0;
	s2 =	stileid.u32;
	s5 =	srdreg.scid  }
0x6: {  	s19 =	simm.s32 $0x100;
	s20 =	simm.s32 $0x1;
	s21 =	simm.s32 $0x4100  }
0x7: {  	s22 =	simm.s32 $0x4180;
	s23 =	simm.s32 $0x10;
	s24 =	simm.s32 $0x4200  }
0x8: {  	[smem:$0x7FF] =	sst s4;
	s9 =	smul.u32 $0x2780, s2;
	s13 =	sadd.s32 $0xCC00, s6  }
0x9: {  	s12 =	sadd.s32 $0x2E00, s6;
	s7 =	sand.u32 $0x1, s5;
	s10 =	smul.u32 $0x4F000, s2  }
0xa: {  	s11 =	sadd.s32 $0x3E000, s6;
	s18 =	smul.u32 $0x2710, s2;
	p0 =	seq.s32 s2, $0xF  }
0xb: {  	s25 =	simm.s32 $0x0;
	_ =	strace $0x8000004A;
	s30 =	smul.u32 $0x138800, s7  }
0xc: {  	s8 =	sshll.u32 s7, $0x4;
	s14 =	ssub.s32 $0x2, s7;
	s17 =	smul.u32 $0x27100, s7  }
0xd: {  	s29 =	sadd.s32 s9, s6;
	s8 =	sor.u32 s2, s8;
	s15 =	sshrl.u32 s14, $0x1  }
0xe: {  	s10 =	sshrl.u32 s10, $0x2;
	s6 =	sadd.s32 $0x3BC80, s6;
	s8 =	smul.u32 $0x2710, s8  }
0xf: {  	s14 =	ssub.s32 s14, s15;
	s16 =	sadd.s32 s10, s3;
	s5 =	sadd.s32 $0x16C00, s29  }
0x10: {  	s15 =	sadd.s32 $0x128400, s3;
	s10 =	sshrl.u32 s30, $0x3;
	s9 =	sadd.s32 s9, s17  }
0x11: {  	s17 =	sadd.s32 s18, s17;
	s18 =	simm.s32 $0x80;
	s10 =	sadd.s32 s11, s10  }
0x12: {  	s9 =	sadd.s32 s11, s9;
	s11 =	smax.u32 s14, $0x1;
	s31 =	sshrl.u32 s17, $0x3  }
0x13: {  	s17 =	sshll.u32 @!p0 s2, $0x6;
	s14 =	sshrl.u32 @p0 s15, $0x3;
	s8 =	sshrl.u32 s8, $0x3  }
0x14: {  	s16 =	sshrl.u32 @!p0 s16, $0x3;
	s10 =	sadd.s32 $0x25080, s10;
	s8 =	sadd.s32 $0x4E0, s8  }
0x15: {  	s15 =	sor.u32 @!p0 $0x1C02, s17;
	s17 =	simm.s32 $0x2;
	s7 =	sadd.s32 s13, s8  }
0x16: {  	s8 =	sadd.s32 s12, s8;
	s12 =	sadd.s32 s31, s12;
	s13 =	sadd.s32 s31, s13  }
.LBB2_1:
0x17: {  	s26 =	simm.s32 @p0 $0x1FC2  }
0x18: {  	[spmem:s14], [sflag:s26] =	dma.local @p0 [hbm:s6], $0x2080  }
0x19: {  	s26 =	simm.s32 @p0 $0x2  }
0x1a: {  	_ =	swait.ge @p0 [sflag:s26], $0x2080  }
0x1b: {  	[sflag:s26] =	ssyncset.done @p0 $0x0  }
0x1c: {  	[sflag:s26] =	ssyncadd.s32 @p0 $0xFFFFDF80;
	s26 =	simm.s32 @!p0 $0x2  }
0x1d: {  	[spmem:s16], [sflag:s15] =	dma.local @!p0 [hbm:s5], $0x2780  }
0x1e: {  	_ =	swait.ge @!p0 [sflag:s26], $0x2780  }
0x1f: {  	[sflag:s26] =	ssyncset.done @!p0 $0x0  }
0x20: {  	[sflag:s26] =	ssyncadd.s32 @!p0 $0xFFFFD880  }
0x21: {  	s30 =	sadd.s32 $0x0, s13;
	[bflag:$0x0] =	sbarrier.arrive $0xFFFF  }
0x22: {  	[tilespmem:s4], [sflag:$0x2] =	stream.linear.gather [hbm4b:s30+s4], $0x80, $0x38;
	[tilespmem:$0x18280] =	vst v63  }
0x23: {  	_ =	swait.ge [sflag:s17], $0x80  }
0x24: {  	[sflag:s17] =	ssyncset.done $0x0  }
0x25: {  	s31 =	sadd.s32 $0x0, s12;
	[sflag:s17] =	ssyncadd.s32 $0xFFFFFF80  }
0x26: {  	[tilespmem:s18], [sflag:$0x2] =	stream.linear.gather [hbm4b:s31+s4], $0x80, $0x38;
	[tilespmem:$0x18280] =	vst v63  }
0x27: {  	_ =	swait.ge [sflag:s17], $0x80  }
0x28: {  	[sflag:s17] =	ssyncset.done $0x0  }
0x29: {  	[sflag:s17] =	ssyncadd.s32 $0xFFFFFF80  }
0x2a: {  	[tilespmem:s19], [sflag:$0x1] =	stream.indirect.gather [hbm4b:s1+s18], $0x80, s4, s18, $0xb8;
	[tilespmem:$0x18280] =	vst v63  }
0x2b: {  	_ =	swait.ge [sflag:s20], $0x4000  }
0x2c: {  	[sflag:s20] =	ssyncset.done $0x0  }
0x2d: {  	[sflag:s20] =	ssyncadd.s32 $0xFFFFC000  }
0x2e: {  	[spmem:s3] =	stream.indirect.scatter.add.f32 [tilespmem:s19], [sflag:$0x2], $0x80, s18, s18, $0xb8;
	[tilespmem:$0x18280] =	vst v63  }
0x2f: {  	_ =	swait.ge [sflag:s17], $0x4000  }
0x30: {  	s28 =	simm.s32 $0x20;
	s26 =	simm.s32 $0x10;
	[sflag:s17] =	ssyncset.done $0x0  }
.LBB2_2:
0x31: {  	s29 =	sadd.s32 s26, s13  }
0x32: {  	[sflag:s17] =	ssyncadd.s32 $0xFFFFC000;
	s30 =	smov.u32 s28;
	s31 =	sadd.s32 $0x10, s28  }
0x33: {  	[tilespmem:s4], [sflag:$0x2] =	stream.linear.gather [hbm4b:s29+s4], $0x80, $0x38;
	[tilespmem:$0x18280] =	vst v63  }
0x34: {  	p1 =	sne.s32 s28, $0x4D0;
	_ =	swait.ge [sflag:s17], $0x80  }
0x35: {  	[sflag:s17] =	ssyncset.done $0x0  }
0x36: {  	s28 =	sadd.s32 s26, s12;
	s26 =	smov.u32 s30;
	[sflag:s17] =	ssyncadd.s32 $0xFFFFFF80  }
0x37: {  	[tilespmem:s18], [sflag:$0x2] =	stream.linear.gather [hbm4b:s28+s4], $0x80, $0x38;
	[tilespmem:$0x18280] =	vst v63  }
0x38: {  	_ =	swait.ge [sflag:s17], $0x80  }
0x39: {  	[sflag:s17] =	ssyncset.done $0x0  }
0x3a: {  	[sflag:s17] =	ssyncadd.s32 $0xFFFFFF80  }
0x3b: {  	[tilespmem:s19], [sflag:$0x1] =	stream.indirect.gather [hbm4b:s1+s18], $0x80, s4, s18, $0xb8;
	[tilespmem:$0x18280] =	vst v63  }
0x3c: {  	_ =	swait.ge [sflag:s20], $0x4000  }
.Ltmp0:
0x3d: {  	[sflag:s20] =	ssyncset.done $0x0;
	(pc) =	sbr.rel @p1 .LBB2_2-.Ltmp0, $4  }
0x3e: {  	[sflag:s20] =	ssyncadd.s32 $0xFFFFC000  }
0x3f: {  	[spmem:s3] =	stream.indirect.scatter.add.f32 [tilespmem:s19], [sflag:$0x2], $0x80, s18, s18, $0xb8;
	[tilespmem:$0x18280] =	vst v63  }
0x40: {  	_ =	swait.ge [sflag:s17], $0x4000  }
0x41: {  	s28 =	smov.u32 s31;
	[sflag:s17] =	ssyncset.done $0x0  }
0x42: {  	s28 =	sadd.s32 s26, s13;
	[sflag:s17] =	ssyncadd.s32 $0xFFFFC000  }
0x43: {  	[tilespmem:s4], [sflag:$0x2] =	stream.linear.gather [hbm4b:s28+s4], $0x80, $0x38;
	[tilespmem:$0x18280] =	vst v63  }
0x44: {  	_ =	swait.ge [sflag:s17], $0x80  }
0x45: {  	[sflag:s17] =	ssyncset.done $0x0  }
0x46: {  	s31 =	sadd.s32 s26, s12;
	[sflag:s17] =	ssyncadd.s32 $0xFFFFFF80  }
0x47: {  	[tilespmem:s18], [sflag:$0x2] =	stream.linear.gather [hbm4b:s31+s4], $0x80, $0x38;
	[tilespmem:$0x18280] =	vst v63  }
0x48: {  	_ =	swait.ge [sflag:s17], $0x80  }
0x49: {  	[sflag:s17] =	ssyncset.done $0x0  }
0x4a: {  	[sflag:s17] =	ssyncadd.s32 $0xFFFFFF80  }
0x4b: {  	[tilespmem:s19], [sflag:$0x1] =	stream.indirect.gather [hbm4b:s1+s18], $0x80, s4, s18, $0xb8;
	[tilespmem:$0x18280] =	vst v63  }
0x4c: {  	_ =	swait.ge [sflag:s20], $0x4000  }
0x4d: {  	[sflag:s20] =	ssyncset.done $0x0  }
0x4e: {  	[sflag:s20] =	ssyncadd.s32 $0xFFFFC000  }
0x4f: {  	[spmem:s3] =	stream.indirect.scatter.add.f32 [tilespmem:s19], [sflag:$0x2], $0x80, s18, s18, $0xb8;
	[tilespmem:$0x18280] =	vst v63  }
0x50: {  	_ =	swait.ge [sflag:s17], $0x4000  }
0x51: {  	[sflag:s17] =	ssyncset.done $0x0  }
0x52: {  	[sflag:s17] =	ssyncadd.s32 $0xFFFFC000  }
0x53: {  	[tilespmem:s21], [sflag:$0x2] =	stream.linear.gather [hbm4b:s7+s4], $0x10, $0x38;
	[tilespmem:$0x18280] =	vst v63  }
0x54: {  	_ =	swait.ge [sflag:s17], $0x10  }
0x55: {  	[sflag:s17] =	ssyncset.done $0x0  }
0x56: {  	[sflag:s17] =	ssyncadd.s32 $0xFFFFFFF0  }
0x57: {  	[tilespmem:s22], [sflag:$0x2] =	stream.linear.gather [hbm4b:s8+s4], $0x10, $0x38;
	[tilespmem:$0x18280] =	vst v63  }
0x58: {  	_ =	swait.ge [sflag:s17], $0x10  }
0x59: {  	[sflag:s17] =	ssyncset.done $0x0  }
0x5a: {  	[sflag:s17] =	ssyncadd.s32 $0xFFFFFFF0  }
0x5b: {  	[tilespmem:s24], [sflag:$0x1] =	stream.indirect.gather [hbm4b:s1+s23], $0x80, s21, s23, $0xb8;
	[tilespmem:$0x18280] =	vst v63  }
0x5c: {  	_ =	swait.ge [sflag:s20], $0x800  }
0x5d: {  	[sflag:s20] =	ssyncset.done $0x0  }
0x5e: {  	[sflag:s20] =	ssyncadd.s32 $0xFFFFF800  }
0x5f: {  	[spmem:s3] =	stream.indirect.scatter.add.f32 [tilespmem:s24], [sflag:$0x2], $0x80, s22, s23, $0xb8;
	[tilespmem:$0x18280] =	vst v63  }
0x60: {  	_ =	swait.ge [sflag:s17], $0x800  }
0x61: {  	[sflag:s17] =	ssyncset.done $0x0  }
0x62: {  	[sflag:s17] =	ssyncadd.s32 $0xFFFFF800  }
0x63: {  	s26 =	simm.s32 @p0 $0x1FC2;
	[bflag:$0x0] =	sbarrier.arrive $0xFFFF  }
0x64: {  	[hbm:s10], [sflag:s26] =	dma.local @p0 [spmem:s14], $0x2080  }
0x65: {  	s26 =	simm.s32 @p0 $0x2  }
0x66: {  	s25 =	sadd.s32 $0x1, s25;
	_ =	swait.ge @p0 [sflag:s26], $0x2080  }
0x67: {  	p1 =	sne.s32 s25, s11;
	[sflag:s26] =	ssyncset.done @p0 $0x0  }
.Ltmp1:
0x68: {  	[sflag:s26] =	ssyncadd.s32 @p0 $0xFFFFDF80;
	s26 =	simm.s32 @!p0 $0x2;
	(pc) =	sbr.rel @p1 .LBB2_1-.Ltmp1, $4  }
0x69: {  	[hbm:s9], [sflag:s15] =	dma.local @!p0 [spmem:s16], $0x2780  }
0x6a: {  	_ =	swait.ge @!p0 [sflag:s26], $0x2780  }
0x6b: {  	[sflag:s26] =	ssyncset.done @!p0 $0x0  }
0x6c: {  	[sflag:s26] =	ssyncadd.s32 @!p0 $0xFFFFD880  }
0x6d: {  	_ =	sfence.sel $0x180000  }
0x6e: {  	[bflag:$0x0] =	sbarrier.arrive $0xFFFF  }
0x6f: {  	p0 =	sne.s32 s2, $0x0;
	_ =	strace $0x9000004A  }
0x70: {  	s0 =	sadd.s32 @!p0 $0x100000, s0;
	[bflag:$0x2] =	sbarrier.arrive $0xFFFF  }
0x71: {  	[sflag:s0] =	ssyncadd.tile.s32 @!p0 $0x1;
	_ =	shalt  }
.Lfunc_end2:
_tile_overlayer_lowered:
.L_overlay_start_2:
0x72: {  	(tag) =	ssettag $0x2  }
0x73: {  	s0 =	rddreg [dreg:$0x0];
	s2 =	stileid.u32  }
0x74: {  	s1 =	rddreg [dreg:$0x1];
	p0 =	sne.s32 s2, $0x0  }
0x75: {  	s3 =	rddreg [dreg:$0x2];
	[bflag:$0x3] =	sbarrier.arrive $0xFFFF;
	s2 =	simm.s32 @!p0 $0x1C02  }
0x76: {  	[timem:s3], [sflag:s2] =	dma.local @!p0 [hbm:s0], s1  }
0x77: {  	s0 =	simm.s32 @!p0 $0x2  }
0x78: {  	_ =	swait.ge @!p0 [sflag:s0], s1  }
0x79: {  	s1 =	ssub.s32 @!p0 $0x0, s1;
	[sflag:s0] =	ssyncset.done @!p0 $0x0  }
0x7a: {  	[sflag:s0] =	ssyncadd.s32 @!p0 s1  }
0x7b: {  	[bflag:$0x3] =	sbarrier.arrive $0xFFFF  }
0x7c: {  	_ =	shalt  }

// kernel: kernel.15.cloned.1.call-start
scs
__scs_entry_jumppad:
0x0: {  	(pc) =	sbr.rel $0x88, $3  }
0x1: {  	(tag) =	ssettag $0x0;
	lr =	simm.s32 $0x1  }
0x2: {  	[smem:$0x3F93] =	sst lr;
	_ =	strace $0xD0000000  }
0x3: {  	_ = 	snop  }
0x4: {  	_ = 	snop  }
0x5: {  	_ = 	snop  }
0x6: {  	_ = 	snop  }
0x7: {  	_ = 	snop  }
__scs_overlays_trampoline_lowered:
0x8: {  	[smem:$0x3FA2] =	sst s0  }
0x9: {  	[smem:$0x3FA3] =	sst s1  }
0xa: {  	[smem:$0x3FA4] =	sst s2  }
0xb: {  	[smem:$0x3FA5] =	sst s3  }
0xc: {  	[smem:$0x3FA6] =	sst s4  }
0xd: {  	[smem:$0x3FA7] =	sst s5  }
0xe: {  	[smem:$0x3FA8] =	sst s6  }
0xf: {  	[smem:$0x3FA9] =	sst s7  }
0x10: {  	[smem:$0x3FAA] =	sst s8  }
0x11: {  	[smem:$0x3FAB] =	sst s9;
	s0 =	simm.s32 @!p0 $0x0  }
0x12: {  	s1 =	sld [smem:$0x3F91];
	s0 =	simm.s32 @p0 $0x1  }
0x13: {  	[smem:$0x3FAC] =	sst s0;
	s0 =	simm.s32 @!p1 $0x0  }
0x14: {  	s2 =	sld [smem:$0x3F90];
	s0 =	simm.s32 @p1 $0x1  }
0x15: {  	[smem:$0x3FAD] =	sst s0;
	s0 =	simm.s32 @!p2 $0x0  }
0x16: {  	s3 =	sld [smem:$0x3FDB];
	s0 =	simm.s32 @p2 $0x1  }
0x17: {  	s4 =	simm.s32 $0x1BF5;
	[smem:$0x3FAF] =	sst s0  }
0x18: {  	s0 =	sld [smem:$0x3F92];
	_ =	swait.ge [sflag:s4], $0x0  }
0x19: {  	s7 =	sld [smem:$0x3F93]  }
0x1a: {  	s8 =	sadd.s32 $0xFFFFE003, lr  }
0x1b: {  	s9 =	sadd.s32 $0xFFFFFEF7, lr;
	s5 =	simm.s32 $0xFFFFFFFF;
	p2 =	slt.u32 s8, $0xFFFFF086  }
0x1c: {  	p1 =	slt.u32 s9, $0xF7A;
	s5 =	simm.s32 @!p2 $0x0  }
0x1d: {  	s5 =	simm.s32 @p1 $0x1;
	p0 =	seq.s32 s7, s2  }
0x1e: {  	s7 =	smul.u32 @!p0 $0xF7A, s2;
	p2 =	seq.s32 @!p0 s5, $0x0  }
0x1f: {  	s9 =	smul.u32 $0xF7A, s1;
	s8 =	simm.s32 @!p0 $0x1BF5;
	p2 =	por !p2, p0  }
0x20: {  	[sflag:s8] =	ssyncset.s32 @!p0 $0xFFFFF086;
	s6 =	sadd.s32 @!p0 s3, s7;
	s7 =	simm.s32 @!p0 $0x108  }
0x21: {  	s3 =	sadd.s32 s3, s9;
	s6 =	sadd.s32 @!p0 $0x88, s6;
	s7 =	simm.s32 @p2 $0x1082  }
0x22: {  	[simem:s7], [sflag:s8] =	dma.local @!p0 [hbm:s6], $0xF7A  }
0x23: {  	s9 =	sor.u32 $0xD0000000, s2;
	s6 =	simm.s32 $0x108;
	_ =	swait.ge @!p0 [sflag:s8], $0x0  }
0x24: {  	s3 =	sadd.s32 $0x88, s3;
	s6 =	simm.s32 @!p1 $0x1082;
	[sflag:s4] =	ssyncset.s32 $0xFFFFF086  }
0x25: {  	[simem:s6], [sflag:s4] =	dma.local [hbm:s3], $0xF7A  }
0x26: {  	[smem:$0x3F93] =	sst s1;
	(tag) =	ssettag s2;
	_ =	strace s9  }
0x27: {  	s1 =	sld [smem:$0x3FA3]  }
0x28: {  	s2 =	sld [smem:$0x3FA4]  }
0x29: {  	s4 =	sld [smem:$0x3FA6]  }
0x2a: {  	p0 =	seq.s32 s5, $0x0;
	s5 =	sld [smem:$0x3FA7]  }
0x2b: {  	s6 =	sld [smem:$0x3FA8]  }
0x2c: {  	s7 =	sld [smem:$0x3FA9]  }
0x2d: {  	s3 =	simm.s32 $0x108;
	s8 =	sld [smem:$0x3FAA]  }
0x2e: {  	s3 =	simm.s32 @!p0 $0x1082;
	s9 =	sld [smem:$0x3FAB]  }
0x2f: {  	lr =	sadd.s32 s0, s3;
	s0 =	sld [smem:$0x3FA2]  }
0x30: {  	s3 =	sld [smem:$0x3FA5]  }
0x31: {  	[smem:$0x3FAE] =	sst s10  }
0x32: {  	s10 =	sld [smem:$0x3FAC];
	_ =	sdelay $0x3  }
0x33: {  	p0 =	seq.s32 s10, $0x1;
	s10 =	sld [smem:$0x3FAE];
	_ =	sdelay $0x3  }
0x34: {  	[smem:$0x3FAE] =	sst s10  }
0x35: {  	s10 =	sld [smem:$0x3FAD];
	_ =	sdelay $0x3  }
0x36: {  	p1 =	seq.s32 s10, $0x1;
	s10 =	sld [smem:$0x3FAE];
	_ =	sdelay $0x3  }
0x37: {  	[smem:$0x3FAE] =	sst s10  }
0x38: {  	s10 =	sld [smem:$0x3FAF]  }
0x39: {  	_ = 	snop;
	(pc) =	sbr.ind lr, $3  }
0x3a: {  	_ = 	snop  }
0x3b: {  	_ = 	snop  }
0x3c: {  	p2 =	seq.s32 s10, $0x1;
	s10 =	sld [smem:$0x3FAE]  }
0x3d: {  	_ =	shalt  }
0x3e: {  	_ =	shalt  }
0x3f: {  	_ =	shalt  }
0x40: {  	_ =	shalt  }
0x41: {  	_ =	shalt  }
0x42: {  	_ =	shalt  }
0x43: {  	_ =	shalt  }
0x44: {  	_ =	shalt  }
0x45: {  	_ =	shalt  }
0x46: {  	_ =	shalt  }
0x47: {  	_ =	shalt  }
0x48: {  	_ =	shalt  }
0x49: {  	_ =	shalt  }
0x4a: {  	_ =	shalt  }
0x4b: {  	_ =	shalt  }
0x4c: {  	_ =	shalt  }
0x4d: {  	_ =	shalt  }
0x4e: {  	_ =	shalt  }
0x4f: {  	_ =	shalt  }
0x50: {  	_ =	shalt  }
0x51: {  	_ =	shalt  }
0x52: {  	_ =	shalt  }
0x53: {  	_ =	shalt  }
0x54: {  	_ =	shalt  }
0x55: {  	_ =	shalt  }
0x56: {  	_ =	shalt  }
0x57: {  	_ =	shalt  }
0x58: {  	_ =	shalt  }
0x59: {  	_ =	shalt  }
0x5a: {  	_ =	shalt  }
0x5b: {  	_ =	shalt  }
0x5c: {  	_ =	shalt  }
0x5d: {  	_ =	shalt  }
0x5e: {  	_ =	shalt  }
0x5f: {  	_ =	shalt  }
0x60: {  	_ =	shalt  }
0x61: {  	_ =	shalt  }
0x62: {  	_ =	shalt  }
0x63: {  	_ =	shalt  }
0x64: {  	_ =	shalt  }
0x65: {  	_ =	shalt  }
0x66: {  	_ =	shalt  }
0x67: {  	_ =	shalt  }
0x68: {  	_ =	shalt  }
0x69: {  	_ =	shalt  }
0x6a: {  	_ =	shalt  }
0x6b: {  	_ =	shalt  }
0x6c: {  	_ =	shalt  }
0x6d: {  	_ =	shalt  }
0x6e: {  	_ =	shalt  }
0x6f: {  	_ =	shalt  }
0x70: {  	_ =	shalt  }
0x71: {  	_ =	shalt  }
0x72: {  	_ =	shalt  }
0x73: {  	_ =	shalt  }
0x74: {  	_ =	shalt  }
0x75: {  	_ =	shalt  }
0x76: {  	_ =	shalt  }
0x77: {  	_ =	shalt  }
0x78: {  	_ =	shalt  }
0x79: {  	_ =	shalt  }
0x7a: {  	_ =	shalt  }
0x7b: {  	_ =	shalt  }
0x7c: {  	_ =	shalt  }
0x7d: {  	_ =	shalt  }
0x7e: {  	_ =	shalt  }
0x7f: {  	_ =	shalt  }
0x80: {  	_ =	shalt  }
0x81: {  	_ =	shalt  }
0x82: {  	_ =	shalt  }
0x83: {  	_ =	shalt  }
0x84: {  	_ =	shalt  }
0x85: {  	_ =	shalt  }
0x86: {  	_ =	shalt  }
0x87: {  	_ =	shalt  }
.Lfunc_end0:
.L_simem_size_0:
called_computation.2_lowered:
.L_overlay_start_0:
0x88: {  	s2 =	sld [smem:$0x3FD9]  }
0x89: {  	s3 =	sld [smem:$0x3FFE];
	_ =	sdelay $0x1  }
0x8a: {  	s1 =	srdreg.scid  }
0x8b: {  	s0 =	sand.u32 $0x1, s1  }
0x8c: {  	s14 =	sshll.u32 s0, $0xA;
	s2 =	sadd.s32 s3, s2  }
0x8d: {  	s2 =	sadd.s32 s2, s14  }
0x8e: {  	[smem:$0x3FBA] =	sst s2  }
0x8f: {  	_ = 	snop  }
0x90: {  	s2 =	sld [smem:$0x3FD0];
	_ =	sdelay $0x2  }
0x91: {  	s15 =	simm.s32 $0xA;
	s4 =	simm.s32 $0x10  }
0x92: {  	[smem:s4], [sflag:s15] =	dma.local [hbm:s2], $0x1  }
0x93: {  	_ =	swait.eq [sflag:s15], $0x1  }
0x94: {  	[sflag:s15] =	ssyncset.done $0x0  }
0x95: {  	[sflag:s15] =	ssyncadd.s32 $0xFFFFFFFF  }
0x96: {  	s16 =	sld [smem:$0x10];
	(tm) =	ssettm $0x1  }
0x97: {  	s17 =	sld [smem:$0x3FFB];
	_ =	sdelay $0x3  }
0x98: {  	_ =	strace s17  }
0x99: {  	s3 =	sld [smem:$0x3FFC];
	_ =	sdelay $0x3  }
0x9a: {  	_ =	strace s3  }
0x9b: {  	s3 =	sld [smem:$0x3FFD];
	_ =	sdelay $0x3  }
0x9c: {  	_ =	strace s3  }
0x9d: {  	_ =	strace $0x8FFFFFFF  }
0x9e: {  	s18 =	sld [smem:$0x3FDB];
	_ =	sdelay $0x1  }
0x9f: {  	s19 =	simm.s32 $_scs_section_size  }
0xa0: {  	s5 =	simm.s32 $_size__tile_overlayer_lowered;
	s6 =	simm.s32 $_tile_overlayer_lowered  }
0xa1: {  	s22 =	simm.s32 $0x1BFF;
	s21 =	sshll.u32 s6, $0x1;
	s3 =	sadd.s32 s19, s18  }
0xa2: {  	s7 =	simm.s32 $0x0;
	s20 =	sshll.u32 s5, $0x1;
	s5 =	sadd.s32 s21, s3  }
0xa3: {  	[timem:s7], [sflag:s22] =	dma.local [hbm:s5], s20  }
0xa4: {  	_ =	swait.ge [sflag:s22], s20  }
0xa5: {  	s4 =	ssub.s32 $0x0, s20;
	[sflag:s22] =	ssyncset.done $0x0  }
0xa6: {  	[sflag:s22] =	ssyncadd.s32 s4;
	_ =	sdelay $0x1  }
0xa7: {  	s23 =	simm.s32 $0x1B8B  }
0xa8: {  	_ =	swait.ge [sflag:s23], $0x1  }
0xa9: {  	[sflag:s23] =	ssyncset.done $0x0  }
0xaa: {  	s25 =	simm.s32 $0x1B8E;
	s24 =	sld [smem:$0x3FFE];
	[sflag:s23] =	ssyncadd.s32 $0xFFFFFFFF  }
0xab: {  	s26 =	simm.s32 $execute0_lowered;
	[smem:$0x3FD2] =	sst s25  }
0xac: {  	s5 =	sshll.u32 s26, $0x1;
	_ =	strace $0x8000004C;
	[dreg:$0x1] =	wrdreg $0xFFFFFFFF  }
0xad: {  	s28 =	simm.s32 $_size_execute0_lowered;
	s3 =	sadd.s32 s3, s5;
	[dreg:$0x0] =	wrdreg $0x0  }
0xae: {  	s5 =	sshll.u32 s28, $0x1;
	[dreg:$0x2] =	wrdreg s3  }
0xaf: {  	[dreg:$0x3] =	wrdreg s5  }
0xb0: {  	[dreg:$0x4] =	wrdreg $0xC0  }
0xb1: {  	_ =	task [dreg:s7], $0x5FFFF  }
0xb2: {  	[dreg:$0x1] =	wrdreg $0xFFFFFFFF  }
0xb3: {  	[dreg:$0x0] =	wrdreg $0x60  }
0xb4: {  	[dreg:$0x2] =	wrdreg s16  }
0xb5: {  	[dreg:$0x3] =	wrdreg s24  }
0xb6: {  	[dreg:$0x4] =	wrdreg $0x4A000  }
0xb7: {  	[dreg:$0x5] =	wrdreg $0x9  }
0xb8: {  	_ =	task.clear_ibuf [dreg:s7], $0x6FFFF;
	_ =	strace $0x9000004C  }
0xb9: {  	s29 =	simm.s32 $0x9;
	_ =	strace $0x8000004E  }
0xba: {  	_ =	swait.ge [sflag:s29], $0x1  }
0xbb: {  	[sflag:s29] =	ssyncadd.s32 $0xFFFFFFFF  }
0xbc: {  	_ =	strace $0x9000004E  }
0xbd: {  	_ =	sfence  }
0xbe: {  	s30 =	sld [smem:$0x0];
	_ =	sdelay $0x2  }
0xbf: {  	s31 =	sshll.u32 s1, $0xD;
	s1 =	sshrl.u32 s1, $0x2  }
0xc0: {  	s3 =	sand.u32 $0x4000, s31;
	s1 =	sadd.s32 s1, s30  }
0xc1: {  	s0 =	sor.u32 s3, s0;
	s1 =	sshll.u32 s1, $0x11  }
0xc2: {  	s0 =	sor.u32 s1, s0  }
0xc3: {  	s0 =	sadd.s32 $0x8F2B, s0  }
0xc4: {  	[sflag:s0] =	ssyncadd.remote.s32 $0x1  }
0xc5: {  	_ =	sfence.sel $0xFFFF  }
0xc6: {  	[dreg:$0x0] =	wrdreg $0xFFFFFFFF;
	(pc) =	sbr.abs _section_cstart, $3  }
0xc7: {  	[dreg:$0x1] =	wrdreg $0xFFFFFFFF  }
0xc8: {  	_ =	task.clear_ibuf [dreg:s7], $0x2FFFF;
	_ =	strace $0x9FFFFFFF  }
0xc9: {  	(tm) =	ssettm $0x7FFFFFFF  }
tec
execute0_lowered:
.L_overlay_start_1:
0x0: {  	(tag) =	ssettag $0x1  }
0x1: {  	s1 =	rddreg [dreg:$0x0]  }
0x2: {  	s6 =	rddreg [dreg:$0x1]  }
0x3: {  	s3 =	rddreg [dreg:$0x2]  }
0x4: {  	s0 =	rddreg [dreg:$0x3]  }
0x5: {  	s4 =	simm.s32 $0x0;
	s2 =	stileid.u32;
	s5 =	srdreg.scid  }
0x6: {  	s19 =	simm.s32 $0x100;
	s20 =	simm.s32 $0x1;
	s21 =	simm.s32 $0x4100  }
0x7: {  	s22 =	simm.s32 $0x4180;
	s23 =	simm.s32 $0x10;
	s24 =	simm.s32 $0x4200  }
0x8: {  	[smem:$0x7FF] =	sst s4;
	s9 =	smul.u32 $0x2780, s2;
	s13 =	sadd.s32 $0xCC00, s6  }
0x9: {  	s12 =	sadd.s32 $0x2E00, s6;
	s7 =	sand.u32 $0x1, s5;
	s10 =	smul.u32 $0x4F000, s2  }
0xa: {  	s11 =	sadd.s32 $0x3E000, s6;
	s18 =	smul.u32 $0x2710, s2;
	p0 =	seq.s32 s2, $0xF  }
0xb: {  	s25 =	simm.s32 $0x0;
	_ =	strace $0x8000004D;
	s30 =	smul.u32 $0x138800, s7  }
0xc: {  	s8 =	sshll.u32 s7, $0x4;
	s14 =	ssub.s32 $0x2, s7;
	s17 =	smul.u32 $0x27100, s7  }
0xd: {  	s29 =	sadd.s32 s9, s6;
	s8 =	sor.u32 s2, s8;
	s15 =	sshrl.u32 s14, $0x1  }
0xe: {  	s10 =	sshrl.u32 s10, $0x2;
	s6 =	sadd.s32 $0x3BC80, s6;
	s8 =	smul.u32 $0x2710, s8  }
0xf: {  	s14 =	ssub.s32 s14, s15;
	s16 =	sadd.s32 s10, s3;
	s5 =	sadd.s32 $0x16C00, s29  }
0x10: {  	s15 =	sadd.s32 $0x128400, s3;
	s10 =	sshrl.u32 s30, $0x3;
	s9 =	sadd.s32 s9, s17  }
0x11: {  	s17 =	sadd.s32 s18, s17;
	s18 =	simm.s32 $0x80;
	s10 =	sadd.s32 s11, s10  }
0x12: {  	s9 =	sadd.s32 s11, s9;
	s11 =	smax.u32 s14, $0x1;
	s31 =	sshrl.u32 s17, $0x3  }
0x13: {  	s17 =	sshll.u32 @!p0 s2, $0x6;
	s14 =	sshrl.u32 @p0 s15, $0x3;
	s8 =	sshrl.u32 s8, $0x3  }
0x14: {  	s16 =	sshrl.u32 @!p0 s16, $0x3;
	s10 =	sadd.s32 $0x25080, s10;
	s8 =	sadd.s32 $0x4E0, s8  }
0x15: {  	s15 =	sor.u32 @!p0 $0x1C02, s17;
	s17 =	simm.s32 $0x2;
	s7 =	sadd.s32 s13, s8  }
0x16: {  	s8 =	sadd.s32 s12, s8;
	s12 =	sadd.s32 s31, s12;
	s13 =	sadd.s32 s31, s13  }
.LBB2_1:
0x17: {  	s26 =	simm.s32 @p0 $0x1FC2  }
0x18: {  	[spmem:s14], [sflag:s26] =	dma.local @p0 [hbm:s6], $0x2080  }
0x19: {  	s26 =	simm.s32 @p0 $0x2  }
0x1a: {  	_ =	swait.ge @p0 [sflag:s26], $0x2080  }
0x1b: {  	[sflag:s26] =	ssyncset.done @p0 $0x0  }
0x1c: {  	[sflag:s26] =	ssyncadd.s32 @p0 $0xFFFFDF80;
	s26 =	simm.s32 @!p0 $0x2  }
0x1d: {  	[spmem:s16], [sflag:s15] =	dma.local @!p0 [hbm:s5], $0x2780  }
0x1e: {  	_ =	swait.ge @!p0 [sflag:s26], $0x2780  }
0x1f: {  	[sflag:s26] =	ssyncset.done @!p0 $0x0  }
0x20: {  	[sflag:s26] =	ssyncadd.s32 @!p0 $0xFFFFD880  }
0x21: {  	s30 =	sadd.s32 $0x0, s13;
	[bflag:$0x0] =	sbarrier.arrive $0xFFFF  }
0x22: {  	[tilespmem:s4], [sflag:$0x2] =	stream.linear.gather [hbm4b:s30+s4], $0x80, $0x38;
	[tilespmem:$0x18280] =	vst v63  }
0x23: {  	_ =	swait.ge [sflag:s17], $0x80  }
0x24: {  	[sflag:s17] =	ssyncset.done $0x0  }
0x25: {  	s31 =	sadd.s32 $0x0, s12;
	[sflag:s17] =	ssyncadd.s32 $0xFFFFFF80  }
0x26: {  	[tilespmem:s18], [sflag:$0x2] =	stream.linear.gather [hbm4b:s31+s4], $0x80, $0x38;
	[tilespmem:$0x18280] =	vst v63  }
0x27: {  	_ =	swait.ge [sflag:s17], $0x80  }
0x28: {  	[sflag:s17] =	ssyncset.done $0x0  }
0x29: {  	[sflag:s17] =	ssyncadd.s32 $0xFFFFFF80  }
0x2a: {  	[tilespmem:s19], [sflag:$0x1] =	stream.indirect.gather [hbm4b:s1+s18], $0x80, s4, s18, $0xb8;
	[tilespmem:$0x18280] =	vst v63  }
0x2b: {  	_ =	swait.ge [sflag:s20], $0x4000  }
0x2c: {  	[sflag:s20] =	ssyncset.done $0x0  }
0x2d: {  	[sflag:s20] =	ssyncadd.s32 $0xFFFFC000  }
0x2e: {  	[spmem:s3] =	stream.indirect.scatter.add.f32 [tilespmem:s19], [sflag:$0x2], $0x80, s18, s18, $0xb8;
	[tilespmem:$0x18280] =	vst v63  }
0x2f: {  	_ =	swait.ge [sflag:s17], $0x4000  }
0x30: {  	s28 =	simm.s32 $0x20;
	s26 =	simm.s32 $0x10;
	[sflag:s17] =	ssyncset.done $0x0  }
.LBB2_2:
0x31: {  	s29 =	sadd.s32 s26, s13  }
0x32: {  	[sflag:s17] =	ssyncadd.s32 $0xFFFFC000;
	s30 =	smov.u32 s28;
	s31 =	sadd.s32 $0x10, s28  }
0x33: {  	[tilespmem:s4], [sflag:$0x2] =	stream.linear.gather [hbm4b:s29+s4], $0x80, $0x38;
	[tilespmem:$0x18280] =	vst v63  }
0x34: {  	p1 =	sne.s32 s28, $0x4D0;
	_ =	swait.ge [sflag:s17], $0x80  }
0x35: {  	[sflag:s17] =	ssyncset.done $0x0  }
0x36: {  	s28 =	sadd.s32 s26, s12;
	s26 =	smov.u32 s30;
	[sflag:s17] =	ssyncadd.s32 $0xFFFFFF80  }
0x37: {  	[tilespmem:s18], [sflag:$0x2] =	stream.linear.gather [hbm4b:s28+s4], $0x80, $0x38;
	[tilespmem:$0x18280] =	vst v63  }
0x38: {  	_ =	swait.ge [sflag:s17], $0x80  }
0x39: {  	[sflag:s17] =	ssyncset.done $0x0  }
0x3a: {  	[sflag:s17] =	ssyncadd.s32 $0xFFFFFF80  }
0x3b: {  	[tilespmem:s19], [sflag:$0x1] =	stream.indirect.gather [hbm4b:s1+s18], $0x80, s4, s18, $0xb8;
	[tilespmem:$0x18280] =	vst v63  }
0x3c: {  	_ =	swait.ge [sflag:s20], $0x4000  }
.Ltmp0:
0x3d: {  	[sflag:s20] =	ssyncset.done $0x0;
	(pc) =	sbr.rel @p1 .LBB2_2-.Ltmp0, $4  }
0x3e: {  	[sflag:s20] =	ssyncadd.s32 $0xFFFFC000  }
0x3f: {  	[spmem:s3] =	stream.indirect.scatter.add.f32 [tilespmem:s19], [sflag:$0x2], $0x80, s18, s18, $0xb8;
	[tilespmem:$0x18280] =	vst v63  }
0x40: {  	_ =	swait.ge [sflag:s17], $0x4000  }
0x41: {  	s28 =	smov.u32 s31;
	[sflag:s17] =	ssyncset.done $0x0  }
0x42: {  	s28 =	sadd.s32 s26, s13;
	[sflag:s17] =	ssyncadd.s32 $0xFFFFC000  }
0x43: {  	[tilespmem:s4], [sflag:$0x2] =	stream.linear.gather [hbm4b:s28+s4], $0x80, $0x38;
	[tilespmem:$0x18280] =	vst v63  }
0x44: {  	_ =	swait.ge [sflag:s17], $0x80  }
0x45: {  	[sflag:s17] =	ssyncset.done $0x0  }
0x46: {  	s31 =	sadd.s32 s26, s12;
	[sflag:s17] =	ssyncadd.s32 $0xFFFFFF80  }
0x47: {  	[tilespmem:s18], [sflag:$0x2] =	stream.linear.gather [hbm4b:s31+s4], $0x80, $0x38;
	[tilespmem:$0x18280] =	vst v63  }
0x48: {  	_ =	swait.ge [sflag:s17], $0x80  }
0x49: {  	[sflag:s17] =	ssyncset.done $0x0  }
0x4a: {  	[sflag:s17] =	ssyncadd.s32 $0xFFFFFF80  }
0x4b: {  	[tilespmem:s19], [sflag:$0x1] =	stream.indirect.gather [hbm4b:s1+s18], $0x80, s4, s18, $0xb8;
	[tilespmem:$0x18280] =	vst v63  }
0x4c: {  	_ =	swait.ge [sflag:s20], $0x4000  }
0x4d: {  	[sflag:s20] =	ssyncset.done $0x0  }
0x4e: {  	[sflag:s20] =	ssyncadd.s32 $0xFFFFC000  }
0x4f: {  	[spmem:s3] =	stream.indirect.scatter.add.f32 [tilespmem:s19], [sflag:$0x2], $0x80, s18, s18, $0xb8;
	[tilespmem:$0x18280] =	vst v63  }
0x50: {  	_ =	swait.ge [sflag:s17], $0x4000  }
0x51: {  	[sflag:s17] =	ssyncset.done $0x0  }
0x52: {  	[sflag:s17] =	ssyncadd.s32 $0xFFFFC000  }
0x53: {  	[tilespmem:s21], [sflag:$0x2] =	stream.linear.gather [hbm4b:s7+s4], $0x10, $0x38;
	[tilespmem:$0x18280] =	vst v63  }
0x54: {  	_ =	swait.ge [sflag:s17], $0x10  }
0x55: {  	[sflag:s17] =	ssyncset.done $0x0  }
0x56: {  	[sflag:s17] =	ssyncadd.s32 $0xFFFFFFF0  }
0x57: {  	[tilespmem:s22], [sflag:$0x2] =	stream.linear.gather [hbm4b:s8+s4], $0x10, $0x38;
	[tilespmem:$0x18280] =	vst v63  }
0x58: {  	_ =	swait.ge [sflag:s17], $0x10  }
0x59: {  	[sflag:s17] =	ssyncset.done $0x0  }
0x5a: {  	[sflag:s17] =	ssyncadd.s32 $0xFFFFFFF0  }
0x5b: {  	[tilespmem:s24], [sflag:$0x1] =	stream.indirect.gather [hbm4b:s1+s23], $0x80, s21, s23, $0xb8;
	[tilespmem:$0x18280] =	vst v63  }
0x5c: {  	_ =	swait.ge [sflag:s20], $0x800  }
0x5d: {  	[sflag:s20] =	ssyncset.done $0x0  }
0x5e: {  	[sflag:s20] =	ssyncadd.s32 $0xFFFFF800  }
0x5f: {  	[spmem:s3] =	stream.indirect.scatter.add.f32 [tilespmem:s24], [sflag:$0x2], $0x80, s22, s23, $0xb8;
	[tilespmem:$0x18280] =	vst v63  }
0x60: {  	_ =	swait.ge [sflag:s17], $0x800  }
0x61: {  	[sflag:s17] =	ssyncset.done $0x0  }
0x62: {  	[sflag:s17] =	ssyncadd.s32 $0xFFFFF800  }
0x63: {  	s26 =	simm.s32 @p0 $0x1FC2;
	[bflag:$0x0] =	sbarrier.arrive $0xFFFF  }
0x64: {  	[hbm:s10], [sflag:s26] =	dma.local @p0 [spmem:s14], $0x2080  }
0x65: {  	s26 =	simm.s32 @p0 $0x2  }
0x66: {  	s25 =	sadd.s32 $0x1, s25;
	_ =	swait.ge @p0 [sflag:s26], $0x2080  }
0x67: {  	p1 =	sne.s32 s25, s11;
	[sflag:s26] =	ssyncset.done @p0 $0x0  }
.Ltmp1:
0x68: {  	[sflag:s26] =	ssyncadd.s32 @p0 $0xFFFFDF80;
	s26 =	simm.s32 @!p0 $0x2;
	(pc) =	sbr.rel @p1 .LBB2_1-.Ltmp1, $4  }
0x69: {  	[hbm:s9], [sflag:s15] =	dma.local @!p0 [spmem:s16], $0x2780  }
0x6a: {  	_ =	swait.ge @!p0 [sflag:s26], $0x2780  }
0x6b: {  	[sflag:s26] =	ssyncset.done @!p0 $0x0  }
0x6c: {  	[sflag:s26] =	ssyncadd.s32 @!p0 $0xFFFFD880  }
0x6d: {  	_ =	sfence.sel $0x180000  }
0x6e: {  	[bflag:$0x0] =	sbarrier.arrive $0xFFFF  }
0x6f: {  	p0 =	sne.s32 s2, $0x0;
	_ =	strace $0x9000004D  }
0x70: {  	s0 =	sadd.s32 @!p0 $0x100000, s0;
	[bflag:$0x2] =	sbarrier.arrive $0xFFFF  }
0x71: {  	[sflag:s0] =	ssyncadd.tile.s32 @!p0 $0x1;
	_ =	shalt  }
.Lfunc_end2:
_tile_overlayer_lowered:
.L_overlay_start_2:
0x72: {  	(tag) =	ssettag $0x2  }
0x73: {  	s0 =	rddreg [dreg:$0x0];
	s2 =	stileid.u32  }
0x74: {  	s1 =	rddreg [dreg:$0x1];
	p0 =	sne.s32 s2, $0x0  }
0x75: {  	s3 =	rddreg [dreg:$0x2];
	[bflag:$0x3] =	sbarrier.arrive $0xFFFF;
	s2 =	simm.s32 @!p0 $0x1C02  }
0x76: {  	[timem:s3], [sflag:s2] =	dma.local @!p0 [hbm:s0], s1  }
0x77: {  	s0 =	simm.s32 @!p0 $0x2  }
0x78: {  	_ =	swait.ge @!p0 [sflag:s0], s1  }
0x79: {  	s1 =	ssub.s32 @!p0 $0x0, s1;
	[sflag:s0] =	ssyncset.done @!p0 $0x0  }
0x7a: {  	[sflag:s0] =	ssyncadd.s32 @!p0 s1  }
0x7b: {  	[bflag:$0x3] =	sbarrier.arrive $0xFFFF  }
0x7c: {  	_ =	shalt  }

// kernel: kernel.9.cloned.1.call-start
scs
__scs_entry_jumppad:
0x0: {  	(pc) =	sbr.rel $0x88, $3  }
0x1: {  	(tag) =	ssettag $0x0;
	lr =	simm.s32 $0x1  }
0x2: {  	[smem:$0x3F93] =	sst lr;
	_ =	strace $0xD0000000  }
0x3: {  	_ = 	snop  }
0x4: {  	_ = 	snop  }
0x5: {  	_ = 	snop  }
0x6: {  	_ = 	snop  }
0x7: {  	_ = 	snop  }
__scs_overlays_trampoline_lowered:
0x8: {  	[smem:$0x3FA2] =	sst s0  }
0x9: {  	[smem:$0x3FA3] =	sst s1  }
0xa: {  	[smem:$0x3FA4] =	sst s2  }
0xb: {  	[smem:$0x3FA5] =	sst s3  }
0xc: {  	[smem:$0x3FA6] =	sst s4  }
0xd: {  	[smem:$0x3FA7] =	sst s5  }
0xe: {  	[smem:$0x3FA8] =	sst s6  }
0xf: {  	[smem:$0x3FA9] =	sst s7  }
0x10: {  	[smem:$0x3FAA] =	sst s8  }
0x11: {  	[smem:$0x3FAB] =	sst s9;
	s0 =	simm.s32 @!p0 $0x0  }
0x12: {  	s1 =	sld [smem:$0x3F91];
	s0 =	simm.s32 @p0 $0x1  }
0x13: {  	[smem:$0x3FAC] =	sst s0;
	s0 =	simm.s32 @!p1 $0x0  }
0x14: {  	s2 =	sld [smem:$0x3F90];
	s0 =	simm.s32 @p1 $0x1  }
0x15: {  	[smem:$0x3FAD] =	sst s0;
	s0 =	simm.s32 @!p2 $0x0  }
0x16: {  	s3 =	sld [smem:$0x3FDB];
	s0 =	simm.s32 @p2 $0x1  }
0x17: {  	s4 =	simm.s32 $0x1BF5;
	[smem:$0x3FAF] =	sst s0  }
0x18: {  	s0 =	sld [smem:$0x3F92];
	_ =	swait.ge [sflag:s4], $0x0  }
0x19: {  	s7 =	sld [smem:$0x3F93]  }
0x1a: {  	s8 =	sadd.s32 $0xFFFFE003, lr  }
0x1b: {  	s9 =	sadd.s32 $0xFFFFFEF7, lr;
	s5 =	simm.s32 $0xFFFFFFFF;
	p2 =	slt.u32 s8, $0xFFFFF086  }
0x1c: {  	p1 =	slt.u32 s9, $0xF7A;
	s5 =	simm.s32 @!p2 $0x0  }
0x1d: {  	s5 =	simm.s32 @p1 $0x1;
	p0 =	seq.s32 s7, s2  }
0x1e: {  	s7 =	smul.u32 @!p0 $0xF7A, s2;
	p2 =	seq.s32 @!p0 s5, $0x0  }
0x1f: {  	s9 =	smul.u32 $0xF7A, s1;
	s8 =	simm.s32 @!p0 $0x1BF5;
	p2 =	por !p2, p0  }
0x20: {  	[sflag:s8] =	ssyncset.s32 @!p0 $0xFFFFF086;
	s6 =	sadd.s32 @!p0 s3, s7;
	s7 =	simm.s32 @!p0 $0x108  }
0x21: {  	s3 =	sadd.s32 s3, s9;
	s6 =	sadd.s32 @!p0 $0x88, s6;
	s7 =	simm.s32 @p2 $0x1082  }
0x22: {  	[simem:s7], [sflag:s8] =	dma.local @!p0 [hbm:s6], $0xF7A  }
0x23: {  	s9 =	sor.u32 $0xD0000000, s2;
	s6 =	simm.s32 $0x108;
	_ =	swait.ge @!p0 [sflag:s8], $0x0  }
0x24: {  	s3 =	sadd.s32 $0x88, s3;
	s6 =	simm.s32 @!p1 $0x1082;
	[sflag:s4] =	ssyncset.s32 $0xFFFFF086  }
0x25: {  	[simem:s6], [sflag:s4] =	dma.local [hbm:s3], $0xF7A  }
0x26: {  	[smem:$0x3F93] =	sst s1;
	(tag) =	ssettag s2;
	_ =	strace s9  }
0x27: {  	s1 =	sld [smem:$0x3FA3]  }
0x28: {  	s2 =	sld [smem:$0x3FA4]  }
0x29: {  	s4 =	sld [smem:$0x3FA6]  }
0x2a: {  	p0 =	seq.s32 s5, $0x0;
	s5 =	sld [smem:$0x3FA7]  }
0x2b: {  	s6 =	sld [smem:$0x3FA8]  }
0x2c: {  	s7 =	sld [smem:$0x3FA9]  }
0x2d: {  	s3 =	simm.s32 $0x108;
	s8 =	sld [smem:$0x3FAA]  }
0x2e: {  	s3 =	simm.s32 @!p0 $0x1082;
	s9 =	sld [smem:$0x3FAB]  }
0x2f: {  	lr =	sadd.s32 s0, s3;
	s0 =	sld [smem:$0x3FA2]  }
0x30: {  	s3 =	sld [smem:$0x3FA5]  }
0x31: {  	[smem:$0x3FAE] =	sst s10  }
0x32: {  	s10 =	sld [smem:$0x3FAC];
	_ =	sdelay $0x3  }
0x33: {  	p0 =	seq.s32 s10, $0x1;
	s10 =	sld [smem:$0x3FAE];
	_ =	sdelay $0x3  }
0x34: {  	[smem:$0x3FAE] =	sst s10  }
0x35: {  	s10 =	sld [smem:$0x3FAD];
	_ =	sdelay $0x3  }
0x36: {  	p1 =	seq.s32 s10, $0x1;
	s10 =	sld [smem:$0x3FAE];
	_ =	sdelay $0x3  }
0x37: {  	[smem:$0x3FAE] =	sst s10  }
0x38: {  	s10 =	sld [smem:$0x3FAF]  }
0x39: {  	_ = 	snop;
	(pc) =	sbr.ind lr, $3  }
0x3a: {  	_ = 	snop  }
0x3b: {  	_ = 	snop  }
0x3c: {  	p2 =	seq.s32 s10, $0x1;
	s10 =	sld [smem:$0x3FAE]  }
0x3d: {  	_ =	shalt  }
0x3e: {  	_ =	shalt  }
0x3f: {  	_ =	shalt  }
0x40: {  	_ =	shalt  }
0x41: {  	_ =	shalt  }
0x42: {  	_ =	shalt  }
0x43: {  	_ =	shalt  }
0x44: {  	_ =	shalt  }
0x45: {  	_ =	shalt  }
0x46: {  	_ =	shalt  }
0x47: {  	_ =	shalt  }
0x48: {  	_ =	shalt  }
0x49: {  	_ =	shalt  }
0x4a: {  	_ =	shalt  }
0x4b: {  	_ =	shalt  }
0x4c: {  	_ =	shalt  }
0x4d: {  	_ =	shalt  }
0x4e: {  	_ =	shalt  }
0x4f: {  	_ =	shalt  }
0x50: {  	_ =	shalt  }
0x51: {  	_ =	shalt  }
0x52: {  	_ =	shalt  }
0x53: {  	_ =	shalt  }
0x54: {  	_ =	shalt  }
0x55: {  	_ =	shalt  }
0x56: {  	_ =	shalt  }
0x57: {  	_ =	shalt  }
0x58: {  	_ =	shalt  }
0x59: {  	_ =	shalt  }
0x5a: {  	_ =	shalt  }
0x5b: {  	_ =	shalt  }
0x5c: {  	_ =	shalt  }
0x5d: {  	_ =	shalt  }
0x5e: {  	_ =	shalt  }
0x5f: {  	_ =	shalt  }
0x60: {  	_ =	shalt  }
0x61: {  	_ =	shalt  }
0x62: {  	_ =	shalt  }
0x63: {  	_ =	shalt  }
0x64: {  	_ =	shalt  }
0x65: {  	_ =	shalt  }
0x66: {  	_ =	shalt  }
0x67: {  	_ =	shalt  }
0x68: {  	_ =	shalt  }
0x69: {  	_ =	shalt  }
0x6a: {  	_ =	shalt  }
0x6b: {  	_ =	shalt  }
0x6c: {  	_ =	shalt  }
0x6d: {  	_ =	shalt  }
0x6e: {  	_ =	shalt  }
0x6f: {  	_ =	shalt  }
0x70: {  	_ =	shalt  }
0x71: {  	_ =	shalt  }
0x72: {  	_ =	shalt  }
0x73: {  	_ =	shalt  }
0x74: {  	_ =	shalt  }
0x75: {  	_ =	shalt  }
0x76: {  	_ =	shalt  }
0x77: {  	_ =	shalt  }
0x78: {  	_ =	shalt  }
0x79: {  	_ =	shalt  }
0x7a: {  	_ =	shalt  }
0x7b: {  	_ =	shalt  }
0x7c: {  	_ =	shalt  }
0x7d: {  	_ =	shalt  }
0x7e: {  	_ =	shalt  }
0x7f: {  	_ =	shalt  }
0x80: {  	_ =	shalt  }
0x81: {  	_ =	shalt  }
0x82: {  	_ =	shalt  }
0x83: {  	_ =	shalt  }
0x84: {  	_ =	shalt  }
0x85: {  	_ =	shalt  }
0x86: {  	_ =	shalt  }
0x87: {  	_ =	shalt  }
.Lfunc_end0:
.L_simem_size_0:
called_computation_lowered:
.L_overlay_start_0:
0x88: {  	s2 =	sld [smem:$0x3FD9]  }
0x89: {  	s3 =	sld [smem:$0x3FFE];
	_ =	sdelay $0x1  }
0x8a: {  	s1 =	srdreg.scid  }
0x8b: {  	s0 =	sand.u32 $0x1, s1  }
0x8c: {  	s14 =	sshll.u32 s0, $0xA;
	s2 =	sadd.s32 s3, s2  }
0x8d: {  	s2 =	sadd.s32 s2, s14  }
0x8e: {  	[smem:$0x3FBA] =	sst s2  }
0x8f: {  	_ = 	snop  }
0x90: {  	s2 =	sld [smem:$0x3FD0];
	_ =	sdelay $0x2  }
0x91: {  	s15 =	simm.s32 $0xA;
	s4 =	simm.s32 $0x10  }
0x92: {  	[smem:s4], [sflag:s15] =	dma.local [hbm:s2], $0x1  }
0x93: {  	_ =	swait.eq [sflag:s15], $0x1  }
0x94: {  	[sflag:s15] =	ssyncset.done $0x0  }
0x95: {  	[sflag:s15] =	ssyncadd.s32 $0xFFFFFFFF  }
0x96: {  	s16 =	sld [smem:$0x10];
	(tm) =	ssettm $0x1  }
0x97: {  	s17 =	sld [smem:$0x3FFB];
	_ =	sdelay $0x3  }
0x98: {  	_ =	strace s17  }
0x99: {  	s3 =	sld [smem:$0x3FFC];
	_ =	sdelay $0x3  }
0x9a: {  	_ =	strace s3  }
0x9b: {  	s3 =	sld [smem:$0x3FFD];
	_ =	sdelay $0x3  }
0x9c: {  	_ =	strace s3  }
0x9d: {  	_ =	strace $0x8FFFFFFF  }
0x9e: {  	s18 =	sld [smem:$0x3FDB];
	_ =	sdelay $0x1  }
0x9f: {  	s19 =	simm.s32 $_scs_section_size  }
0xa0: {  	s5 =	simm.s32 $_size__tile_overlayer_lowered;
	s6 =	simm.s32 $_tile_overlayer_lowered  }
0xa1: {  	s22 =	simm.s32 $0x1BFF;
	s21 =	sshll.u32 s6, $0x1;
	s3 =	sadd.s32 s19, s18  }
0xa2: {  	s7 =	simm.s32 $0x0;
	s20 =	sshll.u32 s5, $0x1;
	s5 =	sadd.s32 s21, s3  }
0xa3: {  	[timem:s7], [sflag:s22] =	dma.local [hbm:s5], s20  }
0xa4: {  	_ =	swait.ge [sflag:s22], s20  }
0xa5: {  	s4 =	ssub.s32 $0x0, s20;
	[sflag:s22] =	ssyncset.done $0x0  }
0xa6: {  	[sflag:s22] =	ssyncadd.s32 s4;
	_ =	sdelay $0x1  }
0xa7: {  	s23 =	simm.s32 $0x1B8B  }
0xa8: {  	_ =	swait.ge [sflag:s23], $0x1  }
0xa9: {  	[sflag:s23] =	ssyncset.done $0x0  }
0xaa: {  	s25 =	simm.s32 $0x1B8E;
	s24 =	sld [smem:$0x3FFE];
	[sflag:s23] =	ssyncadd.s32 $0xFFFFFFFF  }
0xab: {  	s26 =	simm.s32 $execute0_lowered;
	[smem:$0x3FD2] =	sst s25  }
0xac: {  	s5 =	sshll.u32 s26, $0x1;
	_ =	strace $0x80000046;
	[dreg:$0x1] =	wrdreg $0xFFFFFFFF  }
0xad: {  	s28 =	simm.s32 $_size_execute0_lowered;
	s3 =	sadd.s32 s3, s5;
	[dreg:$0x0] =	wrdreg $0x0  }
0xae: {  	s5 =	sshll.u32 s28, $0x1;
	[dreg:$0x2] =	wrdreg s3  }
0xaf: {  	[dreg:$0x3] =	wrdreg s5  }
0xb0: {  	[dreg:$0x4] =	wrdreg $0xC0  }
0xb1: {  	_ =	task [dreg:s7], $0x5FFFF  }
0xb2: {  	[dreg:$0x1] =	wrdreg $0xFFFFFFFF  }
0xb3: {  	[dreg:$0x0] =	wrdreg $0x60  }
0xb4: {  	[dreg:$0x2] =	wrdreg s16  }
0xb5: {  	[dreg:$0x3] =	wrdreg s24  }
0xb6: {  	[dreg:$0x4] =	wrdreg $0x4A000  }
0xb7: {  	[dreg:$0x5] =	wrdreg $0x9  }
0xb8: {  	_ =	task.clear_ibuf [dreg:s7], $0x6FFFF;
	_ =	strace $0x90000046  }
0xb9: {  	s29 =	simm.s32 $0x9;
	_ =	strace $0x80000048  }
0xba: {  	_ =	swait.ge [sflag:s29], $0x1  }
0xbb: {  	[sflag:s29] =	ssyncadd.s32 $0xFFFFFFFF  }
0xbc: {  	_ =	strace $0x90000048  }
0xbd: {  	_ =	sfence  }
0xbe: {  	s30 =	sld [smem:$0x0];
	_ =	sdelay $0x2  }
0xbf: {  	s31 =	sshll.u32 s1, $0xD;
	s1 =	sshrl.u32 s1, $0x2  }
0xc0: {  	s3 =	sand.u32 $0x4000, s31;
	s1 =	sadd.s32 s1, s30  }
0xc1: {  	s0 =	sor.u32 s3, s0;
	s1 =	sshll.u32 s1, $0x11  }
0xc2: {  	s0 =	sor.u32 s1, s0  }
0xc3: {  	s0 =	sadd.s32 $0x8F2B, s0  }
0xc4: {  	[sflag:s0] =	ssyncadd.remote.s32 $0x1  }
0xc5: {  	_ =	sfence.sel $0xFFFF  }
0xc6: {  	[dreg:$0x0] =	wrdreg $0xFFFFFFFF;
	(pc) =	sbr.abs _section_cstart, $3  }
0xc7: {  	[dreg:$0x1] =	wrdreg $0xFFFFFFFF  }
0xc8: {  	_ =	task.clear_ibuf [dreg:s7], $0x2FFFF;
	_ =	strace $0x9FFFFFFF  }
0xc9: {  	(tm) =	ssettm $0x7FFFFFFF  }
tec
execute0_lowered:
.L_overlay_start_1:
0x0: {  	(tag) =	ssettag $0x1  }
0x1: {  	s1 =	rddreg [dreg:$0x0]  }
0x2: {  	s6 =	rddreg [dreg:$0x1]  }
0x3: {  	s3 =	rddreg [dreg:$0x2]  }
0x4: {  	s0 =	rddreg [dreg:$0x3]  }
0x5: {  	s4 =	simm.s32 $0x0;
	s2 =	stileid.u32;
	s5 =	srdreg.scid  }
0x6: {  	s19 =	simm.s32 $0x100;
	s20 =	simm.s32 $0x1;
	s21 =	simm.s32 $0x4100  }
0x7: {  	s22 =	simm.s32 $0x4180;
	s23 =	simm.s32 $0x10;
	s24 =	simm.s32 $0x4200  }
0x8: {  	[smem:$0x7FF] =	sst s4;
	s9 =	smul.u32 $0x2780, s2;
	s13 =	sadd.s32 $0xCC00, s6  }
0x9: {  	s12 =	sadd.s32 $0x2E00, s6;
	s7 =	sand.u32 $0x1, s5;
	s10 =	smul.u32 $0x4F000, s2  }
0xa: {  	s11 =	sadd.s32 $0x3DE00, s6;
	s18 =	smul.u32 $0x2710, s2;
	p0 =	seq.s32 s2, $0xF  }
0xb: {  	s25 =	simm.s32 $0x0;
	_ =	strace $0x80000047;
	s30 =	smul.u32 $0x138800, s7  }
0xc: {  	s8 =	sshll.u32 s7, $0x4;
	s14 =	ssub.s32 $0x2, s7;
	s17 =	smul.u32 $0x27100, s7  }
0xd: {  	s29 =	sadd.s32 s9, s6;
	s8 =	sor.u32 s2, s8;
	s15 =	sshrl.u32 s14, $0x1  }
0xe: {  	s10 =	sshrl.u32 s10, $0x2;
	s6 =	sadd.s32 $0x3BC80, s6;
	s8 =	smul.u32 $0x2710, s8  }
0xf: {  	s14 =	ssub.s32 s14, s15;
	s16 =	sadd.s32 s10, s3;
	s5 =	sadd.s32 $0x16C00, s29  }
0x10: {  	s15 =	sadd.s32 $0x128400, s3;
	s10 =	sshrl.u32 s30, $0x3;
	s9 =	sadd.s32 s9, s17  }
0x11: {  	s17 =	sadd.s32 s18, s17;
	s18 =	simm.s32 $0x80;
	s10 =	sadd.s32 s11, s10  }
0x12: {  	s9 =	sadd.s32 s11, s9;
	s11 =	smax.u32 s14, $0x1;
	s31 =	sshrl.u32 s17, $0x3  }
0x13: {  	s17 =	sshll.u32 @!p0 s2, $0x6;
	s14 =	sshrl.u32 @p0 s15, $0x3;
	s8 =	sshrl.u32 s8, $0x3  }
0x14: {  	s16 =	sshrl.u32 @!p0 s16, $0x3;
	s10 =	sadd.s32 $0x25080, s10;
	s8 =	sadd.s32 $0x4E0, s8  }
0x15: {  	s15 =	sor.u32 @!p0 $0x1C02, s17;
	s17 =	simm.s32 $0x2;
	s7 =	sadd.s32 s13, s8  }
0x16: {  	s8 =	sadd.s32 s12, s8;
	s12 =	sadd.s32 s31, s12;
	s13 =	sadd.s32 s31, s13  }
.LBB2_1:
0x17: {  	s26 =	simm.s32 @p0 $0x1FC2  }
0x18: {  	[spmem:s14], [sflag:s26] =	dma.local @p0 [hbm:s6], $0x2080  }
0x19: {  	s26 =	simm.s32 @p0 $0x2  }
0x1a: {  	_ =	swait.ge @p0 [sflag:s26], $0x2080  }
0x1b: {  	[sflag:s26] =	ssyncset.done @p0 $0x0  }
0x1c: {  	[sflag:s26] =	ssyncadd.s32 @p0 $0xFFFFDF80;
	s26 =	simm.s32 @!p0 $0x2  }
0x1d: {  	[spmem:s16], [sflag:s15] =	dma.local @!p0 [hbm:s5], $0x2780  }
0x1e: {  	_ =	swait.ge @!p0 [sflag:s26], $0x2780  }
0x1f: {  	[sflag:s26] =	ssyncset.done @!p0 $0x0  }
0x20: {  	[sflag:s26] =	ssyncadd.s32 @!p0 $0xFFFFD880  }
0x21: {  	s30 =	sadd.s32 $0x0, s13;
	[bflag:$0x0] =	sbarrier.arrive $0xFFFF  }
0x22: {  	[tilespmem:s4], [sflag:$0x2] =	stream.linear.gather [hbm4b:s30+s4], $0x80, $0x38;
	[tilespmem:$0x18280] =	vst v63  }
0x23: {  	_ =	swait.ge [sflag:s17], $0x80  }
0x24: {  	[sflag:s17] =	ssyncset.done $0x0  }
0x25: {  	s31 =	sadd.s32 $0x0, s12;
	[sflag:s17] =	ssyncadd.s32 $0xFFFFFF80  }
0x26: {  	[tilespmem:s18], [sflag:$0x2] =	stream.linear.gather [hbm4b:s31+s4], $0x80, $0x38;
	[tilespmem:$0x18280] =	vst v63  }
0x27: {  	_ =	swait.ge [sflag:s17], $0x80  }
0x28: {  	[sflag:s17] =	ssyncset.done $0x0  }
0x29: {  	[sflag:s17] =	ssyncadd.s32 $0xFFFFFF80  }
0x2a: {  	[tilespmem:s19], [sflag:$0x1] =	stream.indirect.gather [hbm4b:s1+s18], $0x80, s4, s18, $0xb8;
	[tilespmem:$0x18280] =	vst v63  }
0x2b: {  	_ =	swait.ge [sflag:s20], $0x4000  }
0x2c: {  	[sflag:s20] =	ssyncset.done $0x0  }
0x2d: {  	[sflag:s20] =	ssyncadd.s32 $0xFFFFC000  }
0x2e: {  	[spmem:s3] =	stream.indirect.scatter.add.f32 [tilespmem:s19], [sflag:$0x2], $0x80, s18, s18, $0xb8;
	[tilespmem:$0x18280] =	vst v63  }
0x2f: {  	_ =	swait.ge [sflag:s17], $0x4000  }
0x30: {  	s28 =	simm.s32 $0x20;
	s26 =	simm.s32 $0x10;
	[sflag:s17] =	ssyncset.done $0x0  }
.LBB2_2:
0x31: {  	s29 =	sadd.s32 s26, s13  }
0x32: {  	[sflag:s17] =	ssyncadd.s32 $0xFFFFC000;
	s30 =	smov.u32 s28;
	s31 =	sadd.s32 $0x10, s28  }
0x33: {  	[tilespmem:s4], [sflag:$0x2] =	stream.linear.gather [hbm4b:s29+s4], $0x80, $0x38;
	[tilespmem:$0x18280] =	vst v63  }
0x34: {  	p1 =	sne.s32 s28, $0x4D0;
	_ =	swait.ge [sflag:s17], $0x80  }
0x35: {  	[sflag:s17] =	ssyncset.done $0x0  }
0x36: {  	s28 =	sadd.s32 s26, s12;
	s26 =	smov.u32 s30;
	[sflag:s17] =	ssyncadd.s32 $0xFFFFFF80  }
0x37: {  	[tilespmem:s18], [sflag:$0x2] =	stream.linear.gather [hbm4b:s28+s4], $0x80, $0x38;
	[tilespmem:$0x18280] =	vst v63  }
0x38: {  	_ =	swait.ge [sflag:s17], $0x80  }
0x39: {  	[sflag:s17] =	ssyncset.done $0x0  }
0x3a: {  	[sflag:s17] =	ssyncadd.s32 $0xFFFFFF80  }
0x3b: {  	[tilespmem:s19], [sflag:$0x1] =	stream.indirect.gather [hbm4b:s1+s18], $0x80, s4, s18, $0xb8;
	[tilespmem:$0x18280] =	vst v63  }
0x3c: {  	_ =	swait.ge [sflag:s20], $0x4000  }
.Ltmp0:
0x3d: {  	[sflag:s20] =	ssyncset.done $0x0;
	(pc) =	sbr.rel @p1 .LBB2_2-.Ltmp0, $4  }
0x3e: {  	[sflag:s20] =	ssyncadd.s32 $0xFFFFC000  }
0x3f: {  	[spmem:s3] =	stream.indirect.scatter.add.f32 [tilespmem:s19], [sflag:$0x2], $0x80, s18, s18, $0xb8;
	[tilespmem:$0x18280] =	vst v63  }
0x40: {  	_ =	swait.ge [sflag:s17], $0x4000  }
0x41: {  	s28 =	smov.u32 s31;
	[sflag:s17] =	ssyncset.done $0x0  }
0x42: {  	s28 =	sadd.s32 s26, s13;
	[sflag:s17] =	ssyncadd.s32 $0xFFFFC000  }
0x43: {  	[tilespmem:s4], [sflag:$0x2] =	stream.linear.gather [hbm4b:s28+s4], $0x80, $0x38;
	[tilespmem:$0x18280] =	vst v63  }
0x44: {  	_ =	swait.ge [sflag:s17], $0x80  }
0x45: {  	[sflag:s17] =	ssyncset.done $0x0  }
0x46: {  	s31 =	sadd.s32 s26, s12;
	[sflag:s17] =	ssyncadd.s32 $0xFFFFFF80  }
0x47: {  	[tilespmem:s18], [sflag:$0x2] =	stream.linear.gather [hbm4b:s31+s4], $0x80, $0x38;
	[tilespmem:$0x18280] =	vst v63  }
0x48: {  	_ =	swait.ge [sflag:s17], $0x80  }
0x49: {  	[sflag:s17] =	ssyncset.done $0x0  }
0x4a: {  	[sflag:s17] =	ssyncadd.s32 $0xFFFFFF80  }
0x4b: {  	[tilespmem:s19], [sflag:$0x1] =	stream.indirect.gather [hbm4b:s1+s18], $0x80, s4, s18, $0xb8;
	[tilespmem:$0x18280] =	vst v63  }
0x4c: {  	_ =	swait.ge [sflag:s20], $0x4000  }
0x4d: {  	[sflag:s20] =	ssyncset.done $0x0  }
0x4e: {  	[sflag:s20] =	ssyncadd.s32 $0xFFFFC000  }
0x4f: {  	[spmem:s3] =	stream.indirect.scatter.add.f32 [tilespmem:s19], [sflag:$0x2], $0x80, s18, s18, $0xb8;
	[tilespmem:$0x18280] =	vst v63  }
0x50: {  	_ =	swait.ge [sflag:s17], $0x4000  }
0x51: {  	[sflag:s17] =	ssyncset.done $0x0  }
0x52: {  	[sflag:s17] =	ssyncadd.s32 $0xFFFFC000  }
0x53: {  	[tilespmem:s21], [sflag:$0x2] =	stream.linear.gather [hbm4b:s7+s4], $0x10, $0x38;
	[tilespmem:$0x18280] =	vst v63  }
0x54: {  	_ =	swait.ge [sflag:s17], $0x10  }
0x55: {  	[sflag:s17] =	ssyncset.done $0x0  }
0x56: {  	[sflag:s17] =	ssyncadd.s32 $0xFFFFFFF0  }
0x57: {  	[tilespmem:s22], [sflag:$0x2] =	stream.linear.gather [hbm4b:s8+s4], $0x10, $0x38;
	[tilespmem:$0x18280] =	vst v63  }
0x58: {  	_ =	swait.ge [sflag:s17], $0x10  }
0x59: {  	[sflag:s17] =	ssyncset.done $0x0  }
0x5a: {  	[sflag:s17] =	ssyncadd.s32 $0xFFFFFFF0  }
0x5b: {  	[tilespmem:s24], [sflag:$0x1] =	stream.indirect.gather [hbm4b:s1+s23], $0x80, s21, s23, $0xb8;
	[tilespmem:$0x18280] =	vst v63  }
0x5c: {  	_ =	swait.ge [sflag:s20], $0x800  }
0x5d: {  	[sflag:s20] =	ssyncset.done $0x0  }
0x5e: {  	[sflag:s20] =	ssyncadd.s32 $0xFFFFF800  }
0x5f: {  	[spmem:s3] =	stream.indirect.scatter.add.f32 [tilespmem:s24], [sflag:$0x2], $0x80, s22, s23, $0xb8;
	[tilespmem:$0x18280] =	vst v63  }
0x60: {  	_ =	swait.ge [sflag:s17], $0x800  }
0x61: {  	[sflag:s17] =	ssyncset.done $0x0  }
0x62: {  	[sflag:s17] =	ssyncadd.s32 $0xFFFFF800  }
0x63: {  	s26 =	simm.s32 @p0 $0x1FC2;
	[bflag:$0x0] =	sbarrier.arrive $0xFFFF  }
0x64: {  	[hbm:s10], [sflag:s26] =	dma.local @p0 [spmem:s14], $0x2080  }
0x65: {  	s26 =	simm.s32 @p0 $0x2  }
0x66: {  	s25 =	sadd.s32 $0x1, s25;
	_ =	swait.ge @p0 [sflag:s26], $0x2080  }
0x67: {  	p1 =	sne.s32 s25, s11;
	[sflag:s26] =	ssyncset.done @p0 $0x0  }
.Ltmp1:
0x68: {  	[sflag:s26] =	ssyncadd.s32 @p0 $0xFFFFDF80;
	s26 =	simm.s32 @!p0 $0x2;
	(pc) =	sbr.rel @p1 .LBB2_1-.Ltmp1, $4  }
0x69: {  	[hbm:s9], [sflag:s15] =	dma.local @!p0 [spmem:s16], $0x2780  }
0x6a: {  	_ =	swait.ge @!p0 [sflag:s26], $0x2780  }
0x6b: {  	[sflag:s26] =	ssyncset.done @!p0 $0x0  }
0x6c: {  	[sflag:s26] =	ssyncadd.s32 @!p0 $0xFFFFD880  }
0x6d: {  	_ =	sfence.sel $0x180000  }
0x6e: {  	[bflag:$0x0] =	sbarrier.arrive $0xFFFF  }
0x6f: {  	p0 =	sne.s32 s2, $0x0;
	_ =	strace $0x90000047  }
0x70: {  	s0 =	sadd.s32 @!p0 $0x100000, s0;
	[bflag:$0x2] =	sbarrier.arrive $0xFFFF  }
0x71: {  	[sflag:s0] =	ssyncadd.tile.s32 @!p0 $0x1;
	_ =	shalt  }
.Lfunc_end2:
_tile_overlayer_lowered:
.L_overlay_start_2:
0x72: {  	(tag) =	ssettag $0x2  }
0x73: {  	s0 =	rddreg [dreg:$0x0];
	s2 =	stileid.u32  }
0x74: {  	s1 =	rddreg [dreg:$0x1];
	p0 =	sne.s32 s2, $0x0  }
0x75: {  	s3 =	rddreg [dreg:$0x2];
	[bflag:$0x3] =	sbarrier.arrive $0xFFFF;
	s2 =	simm.s32 @!p0 $0x1C02  }
0x76: {  	[timem:s3], [sflag:s2] =	dma.local @!p0 [hbm:s0], s1  }
0x77: {  	s0 =	simm.s32 @!p0 $0x2  }
0x78: {  	_ =	swait.ge @!p0 [sflag:s0], s1  }
0x79: {  	s1 =	ssub.s32 @!p0 $0x0, s1;
	[sflag:s0] =	ssyncset.done @!p0 $0x0  }
0x7a: {  	[sflag:s0] =	ssyncadd.s32 @!p0 s1  }
0x7b: {  	[bflag:$0x3] =	sbarrier.arrive $0xFFFF  }
0x7c: {  	_ =	shalt  }

</sc_bundles>
